<compile_context>
chip_gen: v7x
topology: tpu7x:2x2x1
jax: 0.10.2.dev20260603
libtpu: 0.0.44.dev20260713+nightly
codegen_flags: <defaults>
</compile_context>

<pallas_src>
import functools

import jax
import jax.numpy as jnp
from jax import lax
from jax.experimental import pallas as pl
from jax.experimental.pallas import tpu as pltpu
from jax.experimental.pallas import tpu_sc as plsc

K = 128
NB = 10
N = 10000
E = 320000
EPS = 1e-5

NTILES = 16
NR = 10240
JUNK = N
CHUNK = 128
SUBS = 320
EP = NTILES * SUBS * CHUNK
ROWS2D = EP // CHUNK
GROUPS = SUBS // 8
BLK = 1024
GRID = NR // BLK

_MESH = plsc.VectorSubcoreMesh(core_axis_name="c", subcore_axis_name="s")



DGW = 64
DGROWS = EP // DGW


def _deg_body(d64, out, dst_g, val_b, deg_sh):
    c = lax.axis_index("c")
    w = lax.axis_index("s")
    zero = jnp.zeros((16,), jnp.float32)
    one = jnp.ones((16,), jnp.float32)

    def _fill(e, carry):
        for k in range(8):
            val_b[e, pl.ds(k * 16, 16)] = zero
        return carry

    lax.fori_loop(0, DGW, _fill, 0)
    for b in range(10):
        pltpu.sync_copy(val_b, deg_sh.at[pl.ds(w * 640 + b * DGW, DGW)])

    def _fill1(e, carry):
        for k in range(8):
            val_b[e, pl.ds(k * 16, 16)] = one
        return carry

    lax.fori_loop(0, DGW, _fill1, 0)
    plsc.subcore_barrier()

    rows_per_sc = DGROWS // 2
    row_base = c * rows_per_sc + w * (rows_per_sc // NTILES)

    def _grp(i, carry):
        pltpu.sync_copy(d64.at[pl.ds(row_base + i * 8, 8)], dst_g)
        for j in range(8):
            pltpu.sync_copy(val_b, deg_sh.at[dst_g.at[j]], add=True)
        return carry

    lax.fori_loop(0, rows_per_sc // NTILES // 8, _grp, 0)
    plsc.subcore_barrier()
    pltpu.sync_copy(deg_sh.at[pl.ds(w * 640, 640)], out.at[c, pl.ds(w * 640, 640)])


_deg_call = pl.kernel(
    _deg_body,
    out_type=jax.ShapeDtypeStruct((2, NR, K), jnp.float32),
    mesh=_MESH,
    scratch_types=[
        pltpu.VMEM((8, DGW), jnp.int32),
        pltpu.VMEM((DGW, K), jnp.float32),
        pltpu.VMEM_SHARED((NR, K), jnp.float32),
    ],
)


def _edge_body(dsts, srcs, ptbl, qtbl, out, dst_b, src_b, iq_b, p_b, q_b, agg,
               sem1, sem2):
    c = lax.axis_index("c")
    w = lax.axis_index("s")
    zero = jnp.zeros((16,), jnp.float32)

    def _zb(e, carry):
        for j in range(8):
            p_b[e, pl.ds(j * 16, 16)] = zero
        return carry

    lax.fori_loop(0, CHUNK, _zb, 0)
    for b in range(640 // CHUNK):
        pltpu.sync_copy(p_b, agg.at[pl.ds(w * 640 + b * CHUNK, CHUNK)])
    plsc.subcore_barrier()

    off = c * NR
    base0 = w * (SUBS * CHUNK)

    def _chunk(i, carry):
        base = base0 + i * CHUNK
        pltpu.sync_copy(dsts.at[pl.ds(base, CHUNK)], dst_b)
        pltpu.sync_copy(srcs.at[pl.ds(base, CHUNK)], src_b)
        for j in range(8):
            sl = pl.ds(j * 16, 16)
            src_b[sl] = src_b[sl] + off
            iq_b[sl] = dst_b[sl] + off
        cp = pltpu.async_copy(ptbl.at[src_b], p_b, sem1)
        cq = pltpu.async_copy(qtbl.at[iq_b], q_b, sem2)
        cp.wait()
        cq.wait()

        def _relu(e, cc):
            for j in range(8):
                sl = pl.ds(j * 16, 16)
                p_b[e, sl] = jnp.maximum(p_b[e, sl] + q_b[e, sl], 0.0)
            return cc

        lax.fori_loop(0, CHUNK, _relu, 0)
        pltpu.sync_copy(p_b, agg.at[dst_b], add=True)
        return carry

    lax.fori_loop(0, SUBS, _chunk, 0)
    plsc.subcore_barrier()
    pltpu.sync_copy(agg.at[pl.ds(w * 640, 640)], out.at[c, pl.ds(w * 640, 640)])


_edge_call = pl.kernel(
    _edge_body,
    out_type=jax.ShapeDtypeStruct((2, NR, K), jnp.float32),
    mesh=_MESH,
    scratch_types=[
        pltpu.VMEM((CHUNK,), jnp.int32),
        pltpu.VMEM((CHUNK,), jnp.int32),
        pltpu.VMEM((CHUNK,), jnp.int32),
        pltpu.VMEM((CHUNK, K), jnp.float32),
        pltpu.VMEM((CHUNK, K), jnp.float32),
        pltpu.VMEM_SHARED((NR, K), jnp.float32),
        pltpu.SemaphoreType.DMA,
        pltpu.SemaphoreType.DMA,
    ],
)



def _dot(a, b):
    return jnp.dot(a, b, preferred_element_type=jnp.float32)


def _node0_body(degp, istate, w1row, b1row, W2T, b2row, Wpa, Wpb, Wqa, Wqb,
                b1a, b1b, s_o, dr_o, p_o, q_o):
    dr = (degp[0] + degp[1])[:, :16]
    dr_o[...] = dr
    dc = jnp.maximum(dr[:, :1], 1.0)
    x = jnp.maximum(dc * w1row[...] + b1row[...], 0.0)
    s = istate[...] + _dot(x, W2T[...]) + b2row[...]
    s_o[...] = s
    p_o[0] = _dot(s, Wpa[...])
    p_o[1] = _dot(s, Wpb[...])
    q_o[0] = _dot(s, Wqa[...]) + b1a[...]
    q_o[1] = _dot(s, Wqb[...]) + b1b[...]


def _node1_body(agg, dr, s_in, W2aT, W2bT, b2row, WihT, bsum, lng, lnb,
                Wpa, Wpb, Wqa, Wqb, b1a, b1b, s_o, h_o, p_o, q_o):
    s = s_in[...]
    msg = _dot(agg[0], W2aT[...]) + _dot(agg[1], W2bT[...]) \
        + dr[:, :1] * b2row[...]
    dc = jnp.maximum(dr[:, :1], 1.0)
    r = msg / dc
    gates = _dot(r, WihT[...]) + bsum[...]
    i_g = jax.nn.sigmoid(gates[:, :K])
    f_g = jax.nn.sigmoid(gates[:, K:2 * K])
    g_g = jnp.tanh(gates[:, 2 * K:3 * K])
    o_g = jax.nn.sigmoid(gates[:, 3 * K:])
    c_new = f_g * s + i_g * g_g
    h_o[...] = o_g * jnp.tanh(c_new)
    sn = s + c_new
    mu = jnp.mean(sn, axis=-1, keepdims=True)
    var = jnp.mean((sn - mu) ** 2, axis=-1, keepdims=True)
    s_new = (sn - mu) / jnp.sqrt(var + EPS) * lng[...] + lnb[...]
    s_o[...] = s_new
    p_o[0] = _dot(s_new, Wpa[...])
    p_o[1] = _dot(s_new, Wpb[...])
    q_o[0] = _dot(s_new, Wqa[...]) + b1a[...]
    q_o[1] = _dot(s_new, Wqb[...]) + b1b[...]


def _node2_body(agg, dr, s_in, h_in, W2aT, W2bT, b2row, WihT, WhhT, bsum,
                lng, lnb, WoutT, out):
    s = s_in[...]
    msg = _dot(agg[0], W2aT[...]) + _dot(agg[1], W2bT[...]) \
        + dr[:, :1] * b2row[...]
    dc = jnp.maximum(dr[:, :1], 1.0)
    r = msg / dc
    gates = _dot(r, WihT[...]) + _dot(h_in[...], WhhT[...]) + bsum[...]
    i_g = jax.nn.sigmoid(gates[:, :K])
    f_g = jax.nn.sigmoid(gates[:, K:2 * K])
    g_g = jnp.tanh(gates[:, 2 * K:3 * K])
    c_new = f_g * s + i_g * g_g
    sn = s + c_new
    mu = jnp.mean(sn, axis=-1, keepdims=True)
    var = jnp.mean((sn - mu) ** 2, axis=-1, keepdims=True)
    s_new = (sn - mu) / jnp.sqrt(var + EPS) * lng[...] + lnb[...]
    out[...] = _dot(s_new, WoutT[...]) * 2.0


def _full(shape):
    nd = len(shape)
    return pl.BlockSpec(shape, lambda i, _n=nd: (0,) * _n)


_ROWS = pl.BlockSpec((BLK, K), lambda i: (i, 0))
_ROWS16 = pl.BlockSpec((BLK, 16), lambda i: (i, 0))
_ROWS2 = pl.BlockSpec((2, BLK, K), lambda i: (0, i, 0))
_SDS_ROWS = jax.ShapeDtypeStruct((NR, K), jnp.float32)
_SDS_ROWS16 = jax.ShapeDtypeStruct((NR, 16), jnp.float32)
_SDS_ROWS2 = jax.ShapeDtypeStruct((2, NR, K), jnp.float32)

_node0_call = pl.pallas_call(
    _node0_body,
    grid=(GRID,),
    in_specs=[
        pl.BlockSpec((2, BLK, K), lambda i: (0, i, 0)),
        _full((1, K)), _full((1, K)), _full((1, K)), _full((K, K)),
        _full((1, K)), _full((K, K)), _full((K, K)), _full((K, K)),
        _full((K, K)), _full((1, K)), _full((1, K)),
    ],
    out_specs=[_ROWS, _ROWS16, _ROWS2, _ROWS2],
    out_shape=[_SDS_ROWS, _SDS_ROWS16, _SDS_ROWS2, _SDS_ROWS2],
)

_node1_call = pl.pallas_call(
    _node1_body,
    grid=(GRID,),
    in_specs=[
        _ROWS2, _ROWS16, _ROWS,
        _full((K, K)), _full((K, K)), _full((1, K)),
        _full((K, 4 * K)), _full((1, 4 * K)), _full((1, K)), _full((1, K)),
        _full((K, K)), _full((K, K)), _full((K, K)), _full((K, K)),
        _full((1, K)), _full((1, K)),
    ],
    out_specs=[_ROWS, _ROWS, _ROWS2, _ROWS2],
    out_shape=[_SDS_ROWS, _SDS_ROWS, _SDS_ROWS2, _SDS_ROWS2],
)

_node2_call = pl.pallas_call(
    _node2_body,
    grid=(GRID,),
    in_specs=[
        _ROWS2, _ROWS16, _ROWS, _ROWS,
        _full((K, K)), _full((K, K)), _full((1, K)),
        _full((K, 4 * K)), _full((K, 4 * K)), _full((1, 4 * K)),
        _full((1, K)), _full((1, K)), _full((K, K)),
    ],
    out_specs=[_ROWS],
    out_shape=[_SDS_ROWS],
)



def kernel(edges, init_state, deg_W1, deg_b1, deg_W2, deg_b2, msg_W1, msg_b1,
           msg_W2, msg_b2, lstm_Wih, lstm_Whh, lstm_bih, lstm_bhh, ln_g, ln_b,
           W_out):
    u = edges[0]
    v = edges[1]
    npad = ROWS2D * CHUNK - 2 * E
    flat_d = jnp.concatenate([v, u, jnp.full((npad,), JUNK, jnp.int32)])
    flat_s = jnp.concatenate([u, v, jnp.zeros((npad,), jnp.int32)])
    draw2d = flat_d.reshape(ROWS2D, CHUNK)
    ps2d = jnp.stack([flat_s, flat_s + NR]).reshape(2, ROWS2D, CHUNK)
    qd2d = jnp.stack([flat_d, flat_d + NR]).reshape(2, ROWS2D, CHUNK)

    istate = init_state[None, :]
    w1row = deg_W1.T
    b1row = deg_b1[None, :]
    W2T = deg_W2.T
    b2row = deg_b2[None, :]
    Wpa = msg_W1[:K, :K].T
    Wpb = msg_W1[K:, :K].T
    Wqa = msg_W1[:K, K:].T
    Wqb = msg_W1[K:, K:].T
    b1a = msg_b1[None, :K]
    b1b = msg_b1[None, K:]
    W2aT = msg_W2[:, :K].T
    W2bT = msg_W2[:, K:].T
    mb2row = msg_b2[None, :]
    WihT = lstm_Wih.T
    WhhT = lstm_Whh.T
    bsum = (lstm_bih + lstm_bhh)[None, :]
    lng = ln_g[None, :]
    lnb = ln_b[None, :]
    WoutT = jnp.pad(W_out.T, ((0, 0), (0, K - NB)))

    degp = _deg_call(flat_d.reshape(DGROWS, DGW))
    s, dr, p_o, q_o = _node0_call(degp, istate, w1row, b1row, W2T, b2row,
                                  Wpa, Wpb, Wqa, Wqb, b1a, b1b)
    agg = _edge_call(flat_d, flat_s, p_o.reshape(2 * NR, K),
                     q_o.reshape(2 * NR, K))
    s, h, p_o, q_o = _node1_call(agg, dr, s, W2aT, W2bT, mb2row, WihT, bsum,
                                 lng, lnb, Wpa, Wpb, Wqa, Wqb, b1a, b1b)
    agg = _edge_call(flat_d, flat_s, p_o.reshape(2 * NR, K),
                     q_o.reshape(2 * NR, K))
    (out,) = _node2_call(agg, dr, s, h, W2aT, W2bT, mb2row, WihT, WhhT, bsum,
                         lng, lnb, WoutT)
    return out[:N, :NB]

# --- scband reference (transcript-rebuilt; emitter-appended) ---
"""Pipeline reference for scband-runcgnn-57612691309565 (READ-ONLY COPY).

The authoritative reference and input builder live on the scoring server;
editing this copy changes nothing except your own understanding.
"""

import jax, jax.numpy as jnp
import numpy as np

K = 128
NB = 10
N = 10000
E = 320000
MAX_STEPS = 2
EPS = 1e-5


def _lin(x, W, b):
    return x @ W.T + b


def _ln(x, g, b):
    mu = jnp.mean(x, axis=-1, keepdims=True)
    var = jnp.mean((x - mu) ** 2, axis=-1, keepdims=True)
    return (x - mu) / jnp.sqrt(var + EPS) * g + b


def setup_inputs(seed: int = 0):
    key = jax.random.key(seed)
    ks = jax.random.split(key, 12)
    f32 = jnp.float32
    inp = {}
    inp["edges"] = jax.random.randint(ks[0], (2, E), 0, N, dtype=jnp.int32)
    inp["init_state"] = jax.random.normal(ks[1], (K,), f32) * 0.1
    inp["deg_W1"] = jax.random.normal(ks[2], (K, 1), f32) * 0.1
    inp["deg_b1"] = jnp.zeros((K,), f32)
    inp["deg_W2"] = jax.random.normal(ks[3], (K, K), f32) * (1.0 / np.sqrt(K))
    inp["deg_b2"] = jnp.zeros((K,), f32)
    inp["msg_W1"] = jax.random.normal(ks[4], (2 * K, 2 * K), f32) * (1.0 / np.sqrt(2 * K))
    inp["msg_b1"] = jnp.zeros((2 * K,), f32)
    inp["msg_W2"] = jax.random.normal(ks[5], (K, 2 * K), f32) * (1.0 / np.sqrt(2 * K))
    inp["msg_b2"] = jnp.zeros((K,), f32)
    inp["lstm_Wih"] = jax.random.normal(ks[6], (4 * K, K), f32) * (1.0 / np.sqrt(K))
    inp["lstm_Whh"] = jax.random.normal(ks[7], (4 * K, K), f32) * (1.0 / np.sqrt(K))
    inp["lstm_bih"] = jnp.zeros((4 * K,), f32)
    inp["lstm_bhh"] = jnp.zeros((4 * K,), f32)
    inp["ln_g"] = jnp.ones((K,), f32)
    inp["ln_b"] = jnp.zeros((K,), f32)
    inp["W_out"] = jax.random.normal(ks[8], (NB, K), f32) * 0.1
    return inp


def reference(edges, init_state, deg_W1, deg_b1, deg_W2, deg_b2, msg_W1, msg_b1, msg_W2, msg_b2, lstm_Wih, lstm_Whh, lstm_bih, lstm_bhh, ln_g, ln_b, W_out):
    u = edges[0]
    v = edges[1]
    ones = jnp.ones((E,), jnp.float32)
    deg = jnp.zeros((N,), jnp.float32).at[u].add(ones).at[v].add(ones)
    deg = jnp.clip(deg, 1.0, None)[:, None]
    s = init_state[None, :] + _lin(jax.nn.relu(_lin(deg, deg_W1, deg_b1)), deg_W2, deg_b2)
    # noise_scale set to 0 for a deterministic reference
    h = jnp.zeros((N, K), jnp.float32)
    for _ in range(MAX_STEPS):
        su = s[u]
        sv = s[v]
        m_uv = _lin(jax.nn.relu(_lin(jnp.concatenate([su, sv], axis=1), msg_W1, msg_b1)), msg_W2, msg_b2)
        m_vu = _lin(jax.nn.relu(_lin(jnp.concatenate([sv, su], axis=1), msg_W1, msg_b1)), msg_W2, msg_b2)
        msg_sum = jnp.zeros((N, K), jnp.float32).at[u].add(m_vu).at[v].add(m_uv)
        r = msg_sum / deg
        # PyTorch LSTMCell: gate order i, f, g, o; hidden=h, cell=s
        gates = r @ lstm_Wih.T + lstm_bih + h @ lstm_Whh.T + lstm_bhh
        i_g, f_g, g_g, o_g = jnp.split(gates, 4, axis=1)
        i_g = jax.nn.sigmoid(i_g)
        f_g = jax.nn.sigmoid(f_g)
        g_g = jnp.tanh(g_g)
        o_g = jax.nn.sigmoid(o_g)
        c_new = f_g * s + i_g * g_g
        h = o_g * jnp.tanh(c_new)
        s = _ln(s + c_new, ln_g, ln_b)
    logits = s @ W_out.T * 2.0
    return logits

if __name__ == "__main__":
    import jax
    _d = setup_inputs()
    print(jax.jit(kernel)(*tuple(_d.values())))

</pallas_src>

<mosaic_0001>
#map = affine_map<(d0, d1) -> (0)>
#map1 = affine_map<(d0, d1) -> (0, 0)>
#map2 = affine_map<(d0, d1) -> (0, 0, 0)>
module attributes {stable_mosaic.version = 14 : i64} {
  func.func @_edge_body(%arg0: i32, %arg1: i32, %arg2: memref<655360xi32, #tpu.memory_space<hbm>>, %arg3: memref<655360xi32, #tpu.memory_space<hbm>>, %arg4: memref<20480x128xf32, #tpu.memory_space<hbm>>, %arg5: memref<20480x128xf32, #tpu.memory_space<hbm>>, %arg6: memref<2x10240x128xf32, #tpu.memory_space<hbm>>, %arg7: memref<128xi32, #tpu.memory_space<vmem>>, %arg8: memref<128xi32, #tpu.memory_space<vmem>>, %arg9: memref<128xi32, #tpu.memory_space<vmem>>, %arg10: memref<128x128xf32, #tpu.memory_space<vmem>>, %arg11: memref<128x128xf32, #tpu.memory_space<vmem>>, %arg12: memref<10240x128xf32, #tpu.memory_space<vmem_shared>>, %arg13: memref<!tpu.dma_semaphore, #tpu.memory_space<semaphore_mem>>, %arg14: memref<!tpu.dma_semaphore, #tpu.memory_space<semaphore_mem>>) attributes {dimension_semantics = [#tpu.dimension_semantics<core_parallel>, #tpu.dimension_semantics<subcore_parallel>], iteration_bounds = array<i64: 2, 16>, scalar_prefetch = 0 : i64, scratch_operands = 8 : i64, tpu.core_type = #tpu.core_type<sc_vector_subcore>, window_params = [{transform_indices = #map}, {transform_indices = #map}, {transform_indices = #map1}, {transform_indices = #map1}, {transform_indices = #map2}]} {
    %broadcast_in_dim3A = arith.constant 0.000000e+00 : f32
    %broadcast_in_dim3A_0 = vector.broadcast %broadcast_in_dim3A : f32 to vector<16xf32>
    %scan3A = arith.constant 0 : i32
    %scan3A_1 = arith.constant 0 : i32
    %scan3A_2 = arith.constant 128 : i32
    %scan3A_3 = arith.addi %scan3A_1, %scan3A_2 : i32
    %scan3A_4 = arith.constant 1 : i32
    scf.for %scan3A_39 = %scan3A_1 to %scan3A_3 step %scan3A_4  : i32 {
      %swap3A = arith.index_cast %scan3A_39 : i32 to index
      %swap3A_40 = arith.constant 0 : index
      %swap3A_41 = tpu.vector_load %arg10[%swap3A, %swap3A_40] {strides = array<i32>} : memref<128x128xf32, #tpu.memory_space<vmem>>, vector<1x16xf32>,
      %swap3A_42 = vector.shape_cast %swap3A_41 : vector<1x16xf32> to vector<16xf32>
      %swap3A_43 = vector.shape_cast %broadcast_in_dim3A_0 : vector<16xf32> to vector<1x16xf32>
      tpu.vector_store %arg10[%swap3A, %swap3A_40], %swap3A_43 {strides = array<i32>} : memref<128x128xf32, #tpu.memory_space<vmem>>, vector<1x16xf32>,
      %swap3A_44 = arith.index_cast %scan3A_39 : i32 to index
      %swap3A_45 = arith.constant 16 : index
      %swap3A_46 = tpu.vector_load %arg10[%swap3A_44, %swap3A_45] {strides = array<i32>} : memref<128x128xf32, #tpu.memory_space<vmem>>, vector<1x16xf32>,
      %swap3A_47 = vector.shape_cast %swap3A_46 : vector<1x16xf32> to vector<16xf32>
      %swap3A_48 = vector.shape_cast %broadcast_in_dim3A_0 : vector<16xf32> to vector<1x16xf32>
      tpu.vector_store %arg10[%swap3A_44, %swap3A_45], %swap3A_48 {strides = array<i32>} : memref<128x128xf32, #tpu.memory_space<vmem>>, vector<1x16xf32>,
      %swap3A_49 = arith.index_cast %scan3A_39 : i32 to index
      %swap3A_50 = arith.constant 32 : index
      %swap3A_51 = tpu.vector_load %arg10[%swap3A_49, %swap3A_50] {strides = array<i32>} : memref<128x128xf32, #tpu.memory_space<vmem>>, vector<1x16xf32>,
      %swap3A_52 = vector.shape_cast %swap3A_51 : vector<1x16xf32> to vector<16xf32>
      %swap3A_53 = vector.shape_cast %broadcast_in_dim3A_0 : vector<16xf32> to vector<1x16xf32>
      tpu.vector_store %arg10[%swap3A_49, %swap3A_50], %swap3A_53 {strides = array<i32>} : memref<128x128xf32, #tpu.memory_space<vmem>>, vector<1x16xf32>,
      %swap3A_54 = arith.index_cast %scan3A_39 : i32 to index
      %swap3A_55 = arith.constant 48 : index
      %swap3A_56 = tpu.vector_load %arg10[%swap3A_54, %swap3A_55] {strides = array<i32>} : memref<128x128xf32, #tpu.memory_space<vmem>>, vector<1x16xf32>,
      %swap3A_57 = vector.shape_cast %swap3A_56 : vector<1x16xf32> to vector<16xf32>
      %swap3A_58 = vector.shape_cast %broadcast_in_dim3A_0 : vector<16xf32> to vector<1x16xf32>
      tpu.vector_store %arg10[%swap3A_54, %swap3A_55], %swap3A_58 {strides = array<i32>} : memref<128x128xf32, #tpu.memory_space<vmem>>, vector<1x16xf32>,
      %swap3A_59 = arith.index_cast %scan3A_39 : i32 to index
      %swap3A_60 = arith.constant 64 : index
      %swap3A_61 = tpu.vector_load %arg10[%swap3A_59, %swap3A_60] {strides = array<i32>} : memref<128x128xf32, #tpu.memory_space<vmem>>, vector<1x16xf32>,
      %swap3A_62 = vector.shape_cast %swap3A_61 : vector<1x16xf32> to vector<16xf32>
      %swap3A_63 = vector.shape_cast %broadcast_in_dim3A_0 : vector<16xf32> to vector<1x16xf32>
      tpu.vector_store %arg10[%swap3A_59, %swap3A_60], %swap3A_63 {strides = array<i32>} : memref<128x128xf32, #tpu.memory_space<vmem>>, vector<1x16xf32>,
      %swap3A_64 = arith.index_cast %scan3A_39 : i32 to index
      %swap3A_65 = arith.constant 80 : index
      %swap3A_66 = tpu.vector_load %arg10[%swap3A_64, %swap3A_65] {strides = array<i32>} : memref<128x128xf32, #tpu.memory_space<vmem>>, vector<1x16xf32>,
      %swap3A_67 = vector.shape_cast %swap3A_66 : vector<1x16xf32> to vector<16xf32>
      %swap3A_68 = vector.shape_cast %broadcast_in_dim3A_0 : vector<16xf32> to vector<1x16xf32>
      tpu.vector_store %arg10[%swap3A_64, %swap3A_65], %swap3A_68 {strides = array<i32>} : memref<128x128xf32, #tpu.memory_space<vmem>>, vector<1x16xf32>,
      %swap3A_69 = arith.index_cast %scan3A_39 : i32 to index
      %swap3A_70 = arith.constant 96 : index
      %swap3A_71 = tpu.vector_load %arg10[%swap3A_69, %swap3A_70] {strides = array<i32>} : memref<128x128xf32, #tpu.memory_space<vmem>>, vector<1x16xf32>,
      %swap3A_72 = vector.shape_cast %swap3A_71 : vector<1x16xf32> to vector<16xf32>
      %swap3A_73 = vector.shape_cast %broadcast_in_dim3A_0 : vector<16xf32> to vector<1x16xf32>
      tpu.vector_store %arg10[%swap3A_69, %swap3A_70], %swap3A_73 {strides = array<i32>} : memref<128x128xf32, #tpu.memory_space<vmem>>, vector<1x16xf32>,
      %swap3A_74 = arith.index_cast %scan3A_39 : i32 to index
      %swap3A_75 = arith.constant 112 : index
      %swap3A_76 = tpu.vector_load %arg10[%swap3A_74, %swap3A_75] {strides = array<i32>} : memref<128x128xf32, #tpu.memory_space<vmem>>, vector<1x16xf32>,
      %swap3A_77 = vector.shape_cast %swap3A_76 : vector<1x16xf32> to vector<16xf32>
      %swap3A_78 = vector.shape_cast %broadcast_in_dim3A_0 : vector<16xf32> to vector<1x16xf32>
      tpu.vector_store %arg10[%swap3A_74, %swap3A_75], %swap3A_78 {strides = array<i32>} : memref<128x128xf32, #tpu.memory_space<vmem>>, vector<1x16xf32>,
    }
    %scan3A_5 = arith.constant 128 : i32
    %mul3A = arith.constant 640 : i32
    %mul3A_6 = arith.muli %arg1, %mul3A : i32
    %add3A = arith.constant 0 : i32
    %add3A_7 = arith.addi %mul3A_6, %add3A : i32
    "tpu.region"() ({
      %run_scoped3A = tpu.sem_alloc : memref<!tpu.dma_semaphore, #tpu.memory_space<semaphore_mem>>
      %dma_start3A = arith.constant 0 : i32
      %dma_start3A_39 = tpu.memref_slice %arg12[%add3A_7, %dma_start3A] : memref<10240x128xf32, #tpu.memory_space<vmem_shared>> -> memref<128x128xf32, #tpu.memory_space<vmem_shared>>
      %dma_start3A_40 = arith.constant 0 : i32
      %dma_start3A_41 = tpu.memref_slice %arg12[%add3A_7, %dma_start3A_40] : memref<10240x128xf32, #tpu.memory_space<vmem_shared>> -> memref<128x128xf32, #tpu.memory_space<vmem_shared>>
      tpu.enqueue_dma source(%arg10 : memref<128x128xf32, #tpu.memory_space<vmem>>) target(%dma_start3A_41 : memref<128x128xf32, #tpu.memory_space<vmem_shared>>) target_semaphore(%run_scoped3A : memref<!tpu.dma_semaphore, #tpu.memory_space<semaphore_mem>>)
      %dma_wait3A = arith.constant 0 : i32
      %dma_wait3A_42 = tpu.memref_slice %arg12[%add3A_7, %dma_wait3A] : memref<10240x128xf32, #tpu.memory_space<vmem_shared>> -> memref<128x128xf32, #tpu.memory_space<vmem_shared>>
      %dma_wait3A_43 = arith.constant 0 : i32
      %dma_wait3A_44 = tpu.memref_slice %arg12[%add3A_7, %dma_wait3A_43] : memref<10240x128xf32, #tpu.memory_space<vmem_shared>> -> memref<128x128xf32, #tpu.memory_space<vmem_shared>>
      tpu.wait_dma2 semaphore(%run_scoped3A : memref<!tpu.dma_semaphore, #tpu.memory_space<semaphore_mem>>) src(%arg10 : memref<128x128xf32, #tpu.memory_space<vmem>>) dst(%dma_wait3A_44 : memref<128x128xf32, #tpu.memory_space<vmem_shared>>)
      tpu.yield
    }) : () -> ()
    %mul3A_8 = arith.constant 640 : i32
    %mul3A_9 = arith.muli %arg1, %mul3A_8 : i32
    %add3A_10 = arith.constant 128 : i32
    %add3A_11 = arith.addi %mul3A_9, %add3A_10 : i32
    "tpu.region"() ({
      %run_scoped3A = tpu.sem_alloc : memref<!tpu.dma_semaphore, #tpu.memory_space<semaphore_mem>>
      %dma_start3A = arith.constant 0 : i32
      %dma_start3A_39 = tpu.memref_slice %arg12[%add3A_11, %dma_start3A] : memref<10240x128xf32, #tpu.memory_space<vmem_shared>> -> memref<128x128xf32, #tpu.memory_space<vmem_shared>>
      %dma_start3A_40 = arith.constant 0 : i32
      %dma_start3A_41 = tpu.memref_slice %arg12[%add3A_11, %dma_start3A_40] : memref<10240x128xf32, #tpu.memory_space<vmem_shared>> -> memref<128x128xf32, #tpu.memory_space<vmem_shared>>
      tpu.enqueue_dma source(%arg10 : memref<128x128xf32, #tpu.memory_space<vmem>>) target(%dma_start3A_41 : memref<128x128xf32, #tpu.memory_space<vmem_shared>>) target_semaphore(%run_scoped3A : memref<!tpu.dma_semaphore, #tpu.memory_space<semaphore_mem>>)
      %dma_wait3A = arith.constant 0 : i32
      %dma_wait3A_42 = tpu.memref_slice %arg12[%add3A_11, %dma_wait3A] : memref<10240x128xf32, #tpu.memory_space<vmem_shared>> -> memref<128x128xf32, #tpu.memory_space<vmem_shared>>
      %dma_wait3A_43 = arith.constant 0 : i32
      %dma_wait3A_44 = tpu.memref_slice %arg12[%add3A_11, %dma_wait3A_43] : memref<10240x128xf32, #tpu.memory_space<vmem_shared>> -> memref<128x128xf32, #tpu.memory_space<vmem_shared>>
      tpu.wait_dma2 semaphore(%run_scoped3A : memref<!tpu.dma_semaphore, #tpu.memory_space<semaphore_mem>>) src(%arg10 : memref<128x128xf32, #tpu.memory_space<vmem>>) dst(%dma_wait3A_44 : memref<128x128xf32, #tpu.memory_space<vmem_shared>>)
      tpu.yield
    }) : () -> ()
    %mul3A_12 = arith.constant 640 : i32
    %mul3A_13 = arith.muli %arg1, %mul3A_12 : i32
    %add3A_14 = arith.constant 256 : i32
    %add3A_15 = arith.addi %mul3A_13, %add3A_14 : i32
    "tpu.region"() ({
      %run_scoped3A = tpu.sem_alloc : memref<!tpu.dma_semaphore, #tpu.memory_space<semaphore_mem>>
      %dma_start3A = arith.constant 0 : i32
      %dma_start3A_39 = tpu.memref_slice %arg12[%add3A_15, %dma_start3A] : memref<10240x128xf32, #tpu.memory_space<vmem_shared>> -> memref<128x128xf32, #tpu.memory_space<vmem_shared>>
      %dma_start3A_40 = arith.constant 0 : i32
      %dma_start3A_41 = tpu.memref_slice %arg12[%add3A_15, %dma_start3A_40] : memref<10240x128xf32, #tpu.memory_space<vmem_shared>> -> memref<128x128xf32, #tpu.memory_space<vmem_shared>>
      tpu.enqueue_dma source(%arg10 : memref<128x128xf32, #tpu.memory_space<vmem>>) target(%dma_start3A_41 : memref<128x128xf32, #tpu.memory_space<vmem_shared>>) target_semaphore(%run_scoped3A : memref<!tpu.dma_semaphore, #tpu.memory_space<semaphore_mem>>)
      %dma_wait3A = arith.constant 0 : i32
      %dma_wait3A_42 = tpu.memref_slice %arg12[%add3A_15, %dma_wait3A] : memref<10240x128xf32, #tpu.memory_space<vmem_shared>> -> memref<128x128xf32, #tpu.memory_space<vmem_shared>>
      %dma_wait3A_43 = arith.constant 0 : i32
      %dma_wait3A_44 = tpu.memref_slice %arg12[%add3A_15, %dma_wait3A_43] : memref<10240x128xf32, #tpu.memory_space<vmem_shared>> -> memref<128x128xf32, #tpu.memory_space<vmem_shared>>
      tpu.wait_dma2 semaphore(%run_scoped3A : memref<!tpu.dma_semaphore, #tpu.memory_space<semaphore_mem>>) src(%arg10 : memref<128x128xf32, #tpu.memory_space<vmem>>) dst(%dma_wait3A_44 : memref<128x128xf32, #tpu.memory_space<vmem_shared>>)
      tpu.yield
    }) : () -> ()
    %mul3A_16 = arith.constant 640 : i32
    %mul3A_17 = arith.muli %arg1, %mul3A_16 : i32
    %add3A_18 = arith.constant 384 : i32
    %add3A_19 = arith.addi %mul3A_17, %add3A_18 : i32
    "tpu.region"() ({
      %run_scoped3A = tpu.sem_alloc : memref<!tpu.dma_semaphore, #tpu.memory_space<semaphore_mem>>
      %dma_start3A = arith.constant 0 : i32
      %dma_start3A_39 = tpu.memref_slice %arg12[%add3A_19, %dma_start3A] : memref<10240x128xf32, #tpu.memory_space<vmem_shared>> -> memref<128x128xf32, #tpu.memory_space<vmem_shared>>
      %dma_start3A_40 = arith.constant 0 : i32
      %dma_start3A_41 = tpu.memref_slice %arg12[%add3A_19, %dma_start3A_40] : memref<10240x128xf32, #tpu.memory_space<vmem_shared>> -> memref<128x128xf32, #tpu.memory_space<vmem_shared>>
      tpu.enqueue_dma source(%arg10 : memref<128x128xf32, #tpu.memory_space<vmem>>) target(%dma_start3A_41 : memref<128x128xf32, #tpu.memory_space<vmem_shared>>) target_semaphore(%run_scoped3A : memref<!tpu.dma_semaphore, #tpu.memory_space<semaphore_mem>>)
      %dma_wait3A = arith.constant 0 : i32
      %dma_wait3A_42 = tpu.memref_slice %arg12[%add3A_19, %dma_wait3A] : memref<10240x128xf32, #tpu.memory_space<vmem_shared>> -> memref<128x128xf32, #tpu.memory_space<vmem_shared>>
      %dma_wait3A_43 = arith.constant 0 : i32
      %dma_wait3A_44 = tpu.memref_slice %arg12[%add3A_19, %dma_wait3A_43] : memref<10240x128xf32, #tpu.memory_space<vmem_shared>> -> memref<128x128xf32, #tpu.memory_space<vmem_shared>>
      tpu.wait_dma2 semaphore(%run_scoped3A : memref<!tpu.dma_semaphore, #tpu.memory_space<semaphore_mem>>) src(%arg10 : memref<128x128xf32, #tpu.memory_space<vmem>>) dst(%dma_wait3A_44 : memref<128x128xf32, #tpu.memory_space<vmem_shared>>)
      tpu.yield
    }) : () -> ()
    %mul3A_20 = arith.constant 640 : i32
    %mul3A_21 = arith.muli %arg1, %mul3A_20 : i32
    %add3A_22 = arith.constant 512 : i32
    %add3A_23 = arith.addi %mul3A_21, %add3A_22 : i32
    "tpu.region"() ({
      %run_scoped3A = tpu.sem_alloc : memref<!tpu.dma_semaphore, #tpu.memory_space<semaphore_mem>>
      %dma_start3A = arith.constant 0 : i32
      %dma_start3A_39 = tpu.memref_slice %arg12[%add3A_23, %dma_start3A] : memref<10240x128xf32, #tpu.memory_space<vmem_shared>> -> memref<128x128xf32, #tpu.memory_space<vmem_shared>>
      %dma_start3A_40 = arith.constant 0 : i32
      %dma_start3A_41 = tpu.memref_slice %arg12[%add3A_23, %dma_start3A_40] : memref<10240x128xf32, #tpu.memory_space<vmem_shared>> -> memref<128x128xf32, #tpu.memory_space<vmem_shared>>
      tpu.enqueue_dma source(%arg10 : memref<128x128xf32, #tpu.memory_space<vmem>>) target(%dma_start3A_41 : memref<128x128xf32, #tpu.memory_space<vmem_shared>>) target_semaphore(%run_scoped3A : memref<!tpu.dma_semaphore, #tpu.memory_space<semaphore_mem>>)
      %dma_wait3A = arith.constant 0 : i32
      %dma_wait3A_42 = tpu.memref_slice %arg12[%add3A_23, %dma_wait3A] : memref<10240x128xf32, #tpu.memory_space<vmem_shared>> -> memref<128x128xf32, #tpu.memory_space<vmem_shared>>
      %dma_wait3A_43 = arith.constant 0 : i32
      %dma_wait3A_44 = tpu.memref_slice %arg12[%add3A_23, %dma_wait3A_43] : memref<10240x128xf32, #tpu.memory_space<vmem_shared>> -> memref<128x128xf32, #tpu.memory_space<vmem_shared>>
      tpu.wait_dma2 semaphore(%run_scoped3A : memref<!tpu.dma_semaphore, #tpu.memory_space<semaphore_mem>>) src(%arg10 : memref<128x128xf32, #tpu.memory_space<vmem>>) dst(%dma_wait3A_44 : memref<128x128xf32, #tpu.memory_space<vmem_shared>>)
      tpu.yield
    }) : () -> ()
    %barrier3A = arith.constant 0 : index
    tpu.barrier barrier_id(%barrier3A)
    %mul3A_24 = arith.constant 10240 : i32
    %mul3A_25 = arith.muli %arg0, %mul3A_24 : i32
    %mul3A_26 = arith.constant 40960 : i32
    %mul3A_27 = arith.muli %arg1, %mul3A_26 : i32
    %scan3A_28 = arith.constant 0 : i32
    %scan3A_29 = arith.constant 0 : i32
    %scan3A_30 = arith.constant 320 : i32
    %scan3A_31 = arith.addi %scan3A_29, %scan3A_30 : i32
    %scan3A_32 = arith.constant 1 : i32
    scf.for %scan3A_39 = %scan3A_29 to %scan3A_31 step %scan3A_32  : i32 {
      %mul3A_40 = arith.constant 128 : i32
      %mul3A_41 = arith.muli %scan3A_39, %mul3A_40 : i32
      %add3A_42 = arith.addi %mul3A_27, %mul3A_41 : i32
      "tpu.region"() ({
        %run_scoped3A = tpu.sem_alloc : memref<!tpu.dma_semaphore, #tpu.memory_space<semaphore_mem>>
        %dma_start3A_201 = tpu.memref_slice %arg2[%add3A_42] : memref<655360xi32, #tpu.memory_space<hbm>> -> memref<128xi32, #tpu.memory_space<hbm>>
        %dma_start3A_202 = tpu.memref_slice %arg2[%add3A_42] : memref<655360xi32, #tpu.memory_space<hbm>> -> memref<128xi32, #tpu.memory_space<hbm>>
        tpu.enqueue_dma source(%dma_start3A_202 : memref<128xi32, #tpu.memory_space<hbm>>) target(%arg7 : memref<128xi32, #tpu.memory_space<vmem>>) target_semaphore(%run_scoped3A : memref<!tpu.dma_semaphore, #tpu.memory_space<semaphore_mem>>)
        %dma_wait3A_203 = tpu.memref_slice %arg2[%add3A_42] : memref<655360xi32, #tpu.memory_space<hbm>> -> memref<128xi32, #tpu.memory_space<hbm>>
        %dma_wait3A_204 = tpu.memref_slice %arg2[%add3A_42] : memref<655360xi32, #tpu.memory_space<hbm>> -> memref<128xi32, #tpu.memory_space<hbm>>
        tpu.wait_dma2 semaphore(%run_scoped3A : memref<!tpu.dma_semaphore, #tpu.memory_space<semaphore_mem>>) src(%dma_wait3A_204 : memref<128xi32, #tpu.memory_space<hbm>>) dst(%arg7 : memref<128xi32, #tpu.memory_space<vmem>>)
        tpu.yield
      }) : () -> ()
      "tpu.region"() ({
        %run_scoped3A = tpu.sem_alloc : memref<!tpu.dma_semaphore, #tpu.memory_space<semaphore_mem>>
        %dma_start3A_201 = tpu.memref_slice %arg3[%add3A_42] : memref<655360xi32, #tpu.memory_space<hbm>> -> memref<128xi32, #tpu.memory_space<hbm>>
        %dma_start3A_202 = tpu.memref_slice %arg3[%add3A_42] : memref<655360xi32, #tpu.memory_space<hbm>> -> memref<128xi32, #tpu.memory_space<hbm>>
        tpu.enqueue_dma source(%dma_start3A_202 : memref<128xi32, #tpu.memory_space<hbm>>) target(%arg8 : memref<128xi32, #tpu.memory_space<vmem>>) target_semaphore(%run_scoped3A : memref<!tpu.dma_semaphore, #tpu.memory_space<semaphore_mem>>)
        %dma_wait3A_203 = tpu.memref_slice %arg3[%add3A_42] : memref<655360xi32, #tpu.memory_space<hbm>> -> memref<128xi32, #tpu.memory_space<hbm>>
        %dma_wait3A_204 = tpu.memref_slice %arg3[%add3A_42] : memref<655360xi32, #tpu.memory_space<hbm>> -> memref<128xi32, #tpu.memory_space<hbm>>
        tpu.wait_dma2 semaphore(%run_scoped3A : memref<!tpu.dma_semaphore, #tpu.memory_space<semaphore_mem>>) src(%dma_wait3A_204 : memref<128xi32, #tpu.memory_space<hbm>>) dst(%arg8 : memref<128xi32, #tpu.memory_space<vmem>>)
        tpu.yield
      }) : () -> ()
      %get3A = arith.constant 0 : index
      %get3A_43 = tpu.vector_load %arg8[%get3A] {strides = array<i32>} : memref<128xi32, #tpu.memory_space<vmem>>, vector<16xi32>,
      %get3A_44 = vector.shape_cast %get3A_43 : vector<16xi32> to vector<16xi32>
      %add3A_45 = vector.broadcast %mul3A_25 : i32 to vector<16xi32>
      %add3A_46 = arith.addi %get3A_44, %add3A_45 : vector<16xi32>
      %swap3A = arith.constant 0 : index
      %swap3A_47 = tpu.vector_load %arg8[%swap3A] {strides = array<i32>} : memref<128xi32, #tpu.memory_space<vmem>>, vector<16xi32>,
      %swap3A_48 = vector.shape_cast %swap3A_47 : vector<16xi32> to vector<16xi32>
      %swap3A_49 = vector.shape_cast %add3A_46 : vector<16xi32> to vector<16xi32>
      tpu.vector_store %arg8[%swap3A], %swap3A_49 {strides = array<i32>} : memref<128xi32, #tpu.memory_space<vmem>>, vector<16xi32>,
      %get3A_50 = arith.constant 0 : index
      %get3A_51 = tpu.vector_load %arg7[%get3A_50] {strides = array<i32>} : memref<128xi32, #tpu.memory_space<vmem>>, vector<16xi32>,
      %get3A_52 = vector.shape_cast %get3A_51 : vector<16xi32> to vector<16xi32>
      %add3A_53 = vector.broadcast %mul3A_25 : i32 to vector<16xi32>
      %add3A_54 = arith.addi %get3A_52, %add3A_53 : vector<16xi32>
      %swap3A_55 = arith.constant 0 : index
      %swap3A_56 = tpu.vector_load %arg9[%swap3A_55] {strides = array<i32>} : memref<128xi32, #tpu.memory_space<vmem>>, vector<16xi32>,
      %swap3A_57 = vector.shape_cast %swap3A_56 : vector<16xi32> to vector<16xi32>
      %swap3A_58 = vector.shape_cast %add3A_54 : vector<16xi32> to vector<16xi32>
      tpu.vector_store %arg9[%swap3A_55], %swap3A_58 {strides = array<i32>} : memref<128xi32, #tpu.memory_space<vmem>>, vector<16xi32>,
      %get3A_59 = arith.constant 16 : index
      %get3A_60 = tpu.vector_load %arg8[%get3A_59] {strides = array<i32>} : memref<128xi32, #tpu.memory_space<vmem>>, vector<16xi32>,
      %get3A_61 = vector.shape_cast %get3A_60 : vector<16xi32> to vector<16xi32>
      %add3A_62 = vector.broadcast %mul3A_25 : i32 to vector<16xi32>
      %add3A_63 = arith.addi %get3A_61, %add3A_62 : vector<16xi32>
      %swap3A_64 = arith.constant 16 : index
      %swap3A_65 = tpu.vector_load %arg8[%swap3A_64] {strides = array<i32>} : memref<128xi32, #tpu.memory_space<vmem>>, vector<16xi32>,
      %swap3A_66 = vector.shape_cast %swap3A_65 : vector<16xi32> to vector<16xi32>
      %swap3A_67 = vector.shape_cast %add3A_63 : vector<16xi32> to vector<16xi32>
      tpu.vector_store %arg8[%swap3A_64], %swap3A_67 {strides = array<i32>} : memref<128xi32, #tpu.memory_space<vmem>>, vector<16xi32>,
      %get3A_68 = arith.constant 16 : index
      %get3A_69 = tpu.vector_load %arg7[%get3A_68] {strides = array<i32>} : memref<128xi32, #tpu.memory_space<vmem>>, vector<16xi32>,
      %get3A_70 = vector.shape_cast %get3A_69 : vector<16xi32> to vector<16xi32>
      %add3A_71 = vector.broadcast %mul3A_25 : i32 to vector<16xi32>
      %add3A_72 = arith.addi %get3A_70, %add3A_71 : vector<16xi32>
      %swap3A_73 = arith.constant 16 : index
      %swap3A_74 = tpu.vector_load %arg9[%swap3A_73] {strides = array<i32>} : memref<128xi32, #tpu.memory_space<vmem>>, vector<16xi32>,
      %swap3A_75 = vector.shape_cast %swap3A_74 : vector<16xi32> to vector<16xi32>
      %swap3A_76 = vector.shape_cast %add3A_72 : vector<16xi32> to vector<16xi32>
      tpu.vector_store %arg9[%swap3A_73], %swap3A_76 {strides = array<i32>} : memref<128xi32, #tpu.memory_space<vmem>>, vector<16xi32>,
      %get3A_77 = arith.constant 32 : index
      %get3A_78 = tpu.vector_load %arg8[%get3A_77] {strides = array<i32>} : memref<128xi32, #tpu.memory_space<vmem>>, vector<16xi32>,
      %get3A_79 = vector.shape_cast %get3A_78 : vector<16xi32> to vector<16xi32>
      %add3A_80 = vector.broadcast %mul3A_25 : i32 to vector<16xi32>
      %add3A_81 = arith.addi %get3A_79, %add3A_80 : vector<16xi32>
      %swap3A_82 = arith.constant 32 : index
      %swap3A_83 = tpu.vector_load %arg8[%swap3A_82] {strides = array<i32>} : memref<128xi32, #tpu.memory_space<vmem>>, vector<16xi32>,
      %swap3A_84 = vector.shape_cast %swap3A_83 : vector<16xi32> to vector<16xi32>
      %swap3A_85 = vector.shape_cast %add3A_81 : vector<16xi32> to vector<16xi32>
      tpu.vector_store %arg8[%swap3A_82], %swap3A_85 {strides = array<i32>} : memref<128xi32, #tpu.memory_space<vmem>>, vector<16xi32>,
      %get3A_86 = arith.constant 32 : index
      %get3A_87 = tpu.vector_load %arg7[%get3A_86] {strides = array<i32>} : memref<128xi32, #tpu.memory_space<vmem>>, vector<16xi32>,
      %get3A_88 = vector.shape_cast %get3A_87 : vector<16xi32> to vector<16xi32>
      %add3A_89 = vector.broadcast %mul3A_25 : i32 to vector<16xi32>
      %add3A_90 = arith.addi %get3A_88, %add3A_89 : vector<16xi32>
      %swap3A_91 = arith.constant 32 : index
      %swap3A_92 = tpu.vector_load %arg9[%swap3A_91] {strides = array<i32>} : memref<128xi32, #tpu.memory_space<vmem>>, vector<16xi32>,
      %swap3A_93 = vector.shape_cast %swap3A_92 : vector<16xi32> to vector<16xi32>
      %swap3A_94 = vector.shape_cast %add3A_90 : vector<16xi32> to vector<16xi32>
      tpu.vector_store %arg9[%swap3A_91], %swap3A_94 {strides = array<i32>} : memref<128xi32, #tpu.memory_space<vmem>>, vector<16xi32>,
      %get3A_95 = arith.constant 48 : index
      %get3A_96 = tpu.vector_load %arg8[%get3A_95] {strides = array<i32>} : memref<128xi32, #tpu.memory_space<vmem>>, vector<16xi32>,
      %get3A_97 = vector.shape_cast %get3A_96 : vector<16xi32> to vector<16xi32>
      %add3A_98 = vector.broadcast %mul3A_25 : i32 to vector<16xi32>
      %add3A_99 = arith.addi %get3A_97, %add3A_98 : vector<16xi32>
      %swap3A_100 = arith.constant 48 : index
      %swap3A_101 = tpu.vector_load %arg8[%swap3A_100] {strides = array<i32>} : memref<128xi32, #tpu.memory_space<vmem>>, vector<16xi32>,
      %swap3A_102 = vector.shape_cast %swap3A_101 : vector<16xi32> to vector<16xi32>
      %swap3A_103 = vector.shape_cast %add3A_99 : vector<16xi32> to vector<16xi32>
      tpu.vector_store %arg8[%swap3A_100], %swap3A_103 {strides = array<i32>} : memref<128xi32, #tpu.memory_space<vmem>>, vector<16xi32>,
      %get3A_104 = arith.constant 48 : index
      %get3A_105 = tpu.vector_load %arg7[%get3A_104] {strides = array<i32>} : memref<128xi32, #tpu.memory_space<vmem>>, vector<16xi32>,
      %get3A_106 = vector.shape_cast %get3A_105 : vector<16xi32> to vector<16xi32>
      %add3A_107 = vector.broadcast %mul3A_25 : i32 to vector<16xi32>
      %add3A_108 = arith.addi %get3A_106, %add3A_107 : vector<16xi32>
      %swap3A_109 = arith.constant 48 : index
      %swap3A_110 = tpu.vector_load %arg9[%swap3A_109] {strides = array<i32>} : memref<128xi32, #tpu.memory_space<vmem>>, vector<16xi32>,
      %swap3A_111 = vector.shape_cast %swap3A_110 : vector<16xi32> to vector<16xi32>
      %swap3A_112 = vector.shape_cast %add3A_108 : vector<16xi32> to vector<16xi32>
      tpu.vector_store %arg9[%swap3A_109], %swap3A_112 {strides = array<i32>} : memref<128xi32, #tpu.memory_space<vmem>>, vector<16xi32>,
      %get3A_113 = arith.constant 64 : index
      %get3A_114 = tpu.vector_load %arg8[%get3A_113] {strides = array<i32>} : memref<128xi32, #tpu.memory_space<vmem>>, vector<16xi32>,
      %get3A_115 = vector.shape_cast %get3A_114 : vector<16xi32> to vector<16xi32>
      %add3A_116 = vector.broadcast %mul3A_25 : i32 to vector<16xi32>
      %add3A_117 = arith.addi %get3A_115, %add3A_116 : vector<16xi32>
      %swap3A_118 = arith.constant 64 : index
      %swap3A_119 = tpu.vector_load %arg8[%swap3A_118] {strides = array<i32>} : memref<128xi32, #tpu.memory_space<vmem>>, vector<16xi32>,
      %swap3A_120 = vector.shape_cast %swap3A_119 : vector<16xi32> to vector<16xi32>
      %swap3A_121 = vector.shape_cast %add3A_117 : vector<16xi32> to vector<16xi32>
      tpu.vector_store %arg8[%swap3A_118], %swap3A_121 {strides = array<i32>} : memref<128xi32, #tpu.memory_space<vmem>>, vector<16xi32>,
      %get3A_122 = arith.constant 64 : index
      %get3A_123 = tpu.vector_load %arg7[%get3A_122] {strides = array<i32>} : memref<128xi32, #tpu.memory_space<vmem>>, vector<16xi32>,
      %get3A_124 = vector.shape_cast %get3A_123 : vector<16xi32> to vector<16xi32>
      %add3A_125 = vector.broadcast %mul3A_25 : i32 to vector<16xi32>
      %add3A_126 = arith.addi %get3A_124, %add3A_125 : vector<16xi32>
      %swap3A_127 = arith.constant 64 : index
      %swap3A_128 = tpu.vector_load %arg9[%swap3A_127] {strides = array<i32>} : memref<128xi32, #tpu.memory_space<vmem>>, vector<16xi32>,
      %swap3A_129 = vector.shape_cast %swap3A_128 : vector<16xi32> to vector<16xi32>
      %swap3A_130 = vector.shape_cast %add3A_126 : vector<16xi32> to vector<16xi32>
      tpu.vector_store %arg9[%swap3A_127], %swap3A_130 {strides = array<i32>} : memref<128xi32, #tpu.memory_space<vmem>>, vector<16xi32>,
      %get3A_131 = arith.constant 80 : index
      %get3A_132 = tpu.vector_load %arg8[%get3A_131] {strides = array<i32>} : memref<128xi32, #tpu.memory_space<vmem>>, vector<16xi32>,
      %get3A_133 = vector.shape_cast %get3A_132 : vector<16xi32> to vector<16xi32>
      %add3A_134 = vector.broadcast %mul3A_25 : i32 to vector<16xi32>
      %add3A_135 = arith.addi %get3A_133, %add3A_134 : vector<16xi32>
      %swap3A_136 = arith.constant 80 : index
      %swap3A_137 = tpu.vector_load %arg8[%swap3A_136] {strides = array<i32>} : memref<128xi32, #tpu.memory_space<vmem>>, vector<16xi32>,
      %swap3A_138 = vector.shape_cast %swap3A_137 : vector<16xi32> to vector<16xi32>
      %swap3A_139 = vector.shape_cast %add3A_135 : vector<16xi32> to vector<16xi32>
      tpu.vector_store %arg8[%swap3A_136], %swap3A_139 {strides = array<i32>} : memref<128xi32, #tpu.memory_space<vmem>>, vector<16xi32>,
      %get3A_140 = arith.constant 80 : index
      %get3A_141 = tpu.vector_load %arg7[%get3A_140] {strides = array<i32>} : memref<128xi32, #tpu.memory_space<vmem>>, vector<16xi32>,
      %get3A_142 = vector.shape_cast %get3A_141 : vector<16xi32> to vector<16xi32>
      %add3A_143 = vector.broadcast %mul3A_25 : i32 to vector<16xi32>
      %add3A_144 = arith.addi %get3A_142, %add3A_143 : vector<16xi32>
      %swap3A_145 = arith.constant 80 : index
      %swap3A_146 = tpu.vector_load %arg9[%swap3A_145] {strides = array<i32>} : memref<128xi32, #tpu.memory_space<vmem>>, vector<16xi32>,
      %swap3A_147 = vector.shape_cast %swap3A_146 : vector<16xi32> to vector<16xi32>
      %swap3A_148 = vector.shape_cast %add3A_144 : vector<16xi32> to vector<16xi32>
      tpu.vector_store %arg9[%swap3A_145], %swap3A_148 {strides = array<i32>} : memref<128xi32, #tpu.memory_space<vmem>>, vector<16xi32>,
      %get3A_149 = arith.constant 96 : index
      %get3A_150 = tpu.vector_load %arg8[%get3A_149] {strides = array<i32>} : memref<128xi32, #tpu.memory_space<vmem>>, vector<16xi32>,
      %get3A_151 = vector.shape_cast %get3A_150 : vector<16xi32> to vector<16xi32>
      %add3A_152 = vector.broadcast %mul3A_25 : i32 to vector<16xi32>
      %add3A_153 = arith.addi %get3A_151, %add3A_152 : vector<16xi32>
      %swap3A_154 = arith.constant 96 : index
      %swap3A_155 = tpu.vector_load %arg8[%swap3A_154] {strides = array<i32>} : memref<128xi32, #tpu.memory_space<vmem>>, vector<16xi32>,
      %swap3A_156 = vector.shape_cast %swap3A_155 : vector<16xi32> to vector<16xi32>
      %swap3A_157 = vector.shape_cast %add3A_153 : vector<16xi32> to vector<16xi32>
      tpu.vector_store %arg8[%swap3A_154], %swap3A_157 {strides = array<i32>} : memref<128xi32, #tpu.memory_space<vmem>>, vector<16xi32>,
      %get3A_158 = arith.constant 96 : index
      %get3A_159 = tpu.vector_load %arg7[%get3A_158] {strides = array<i32>} : memref<128xi32, #tpu.memory_space<vmem>>, vector<16xi32>,
      %get3A_160 = vector.shape_cast %get3A_159 : vector<16xi32> to vector<16xi32>
      %add3A_161 = vector.broadcast %mul3A_25 : i32 to vector<16xi32>
      %add3A_162 = arith.addi %get3A_160, %add3A_161 : vector<16xi32>
      %swap3A_163 = arith.constant 96 : index
      %swap3A_164 = tpu.vector_load %arg9[%swap3A_163] {strides = array<i32>} : memref<128xi32, #tpu.memory_space<vmem>>, vector<16xi32>,
      %swap3A_165 = vector.shape_cast %swap3A_164 : vector<16xi32> to vector<16xi32>
      %swap3A_166 = vector.shape_cast %add3A_162 : vector<16xi32> to vector<16xi32>
      tpu.vector_store %arg9[%swap3A_163], %swap3A_166 {strides = array<i32>} : memref<128xi32, #tpu.memory_space<vmem>>, vector<16xi32>,
      %get3A_167 = arith.constant 112 : index
      %get3A_168 = tpu.vector_load %arg8[%get3A_167] {strides = array<i32>} : memref<128xi32, #tpu.memory_space<vmem>>, vector<16xi32>,
      %get3A_169 = vector.shape_cast %get3A_168 : vector<16xi32> to vector<16xi32>
      %add3A_170 = vector.broadcast %mul3A_25 : i32 to vector<16xi32>
      %add3A_171 = arith.addi %get3A_169, %add3A_170 : vector<16xi32>
      %swap3A_172 = arith.constant 112 : index
      %swap3A_173 = tpu.vector_load %arg8[%swap3A_172] {strides = array<i32>} : memref<128xi32, #tpu.memory_space<vmem>>, vector<16xi32>,
      %swap3A_174 = vector.shape_cast %swap3A_173 : vector<16xi32> to vector<16xi32>
      %swap3A_175 = vector.shape_cast %add3A_171 : vector<16xi32> to vector<16xi32>
      tpu.vector_store %arg8[%swap3A_172], %swap3A_175 {strides = array<i32>} : memref<128xi32, #tpu.memory_space<vmem>>, vector<16xi32>,
      %get3A_176 = arith.constant 112 : index
      %get3A_177 = tpu.vector_load %arg7[%get3A_176] {strides = array<i32>} : memref<128xi32, #tpu.memory_space<vmem>>, vector<16xi32>,
      %get3A_178 = vector.shape_cast %get3A_177 : vector<16xi32> to vector<16xi32>
      %add3A_179 = vector.broadcast %mul3A_25 : i32 to vector<16xi32>
      %add3A_180 = arith.addi %get3A_178, %add3A_179 : vector<16xi32>
      %swap3A_181 = arith.constant 112 : index
      %swap3A_182 = tpu.vector_load %arg9[%swap3A_181] {strides = array<i32>} : memref<128xi32, #tpu.memory_space<vmem>>, vector<16xi32>,
      %swap3A_183 = vector.shape_cast %swap3A_182 : vector<16xi32> to vector<16xi32>
      %swap3A_184 = vector.shape_cast %add3A_180 : vector<16xi32> to vector<16xi32>
      tpu.vector_store %arg9[%swap3A_181], %swap3A_184 {strides = array<i32>} : memref<128xi32, #tpu.memory_space<vmem>>, vector<16xi32>,
      %dma_start3A = arith.constant 0 : i32
      %dma_start3A_185 = arith.constant 0 : i32
      %dma_start3A_186 = tpu.memref_slice %arg4[%dma_start3A, %dma_start3A_185] : memref<20480x128xf32, #tpu.memory_space<hbm>> -> memref<20480x128xf32, #tpu.memory_space<hbm>>
      tpu.enqueue_indirect_dma source(%dma_start3A_186 : memref<20480x128xf32, #tpu.memory_space<hbm>>) target(%arg10 : memref<128x128xf32, #tpu.memory_space<vmem>>) offsets(%arg8 : memref<128xi32, #tpu.memory_space<vmem>>) semaphore(%arg13 : memref<!tpu.dma_semaphore, #tpu.memory_space<semaphore_mem>>)
      %dma_start3A_187 = arith.constant 0 : i32
      %dma_start3A_188 = arith.constant 0 : i32
      %dma_start3A_189 = tpu.memref_slice %arg5[%dma_start3A_187, %dma_start3A_188] : memref<20480x128xf32, #tpu.memory_space<hbm>> -> memref<20480x128xf32, #tpu.memory_space<hbm>>
      tpu.enqueue_indirect_dma source(%dma_start3A_189 : memref<20480x128xf32, #tpu.memory_space<hbm>>) target(%arg11 : memref<128x128xf32, #tpu.memory_space<vmem>>) offsets(%arg9 : memref<128xi32, #tpu.memory_space<vmem>>) semaphore(%arg14 : memref<!tpu.dma_semaphore, #tpu.memory_space<semaphore_mem>>)
      %dma_wait3A = arith.constant 0 : i32
      %dma_wait3A_190 = arith.constant 0 : i32
      %dma_wait3A_191 = tpu.memref_slice %arg4[%dma_wait3A, %dma_wait3A_190] : memref<20480x128xf32, #tpu.memory_space<hbm>> -> memref<20480x128xf32, #tpu.memory_space<hbm>>
      tpu.wait_indirect_dma semaphore(%arg13 : memref<!tpu.dma_semaphore, #tpu.memory_space<semaphore_mem>>) src(%dma_wait3A_191 : memref<20480x128xf32, #tpu.memory_space<hbm>>) dst(%arg10 : memref<128x128xf32, #tpu.memory_space<vmem>>)
      %dma_wait3A_192 = arith.constant 0 : i32
      %dma_wait3A_193 = arith.constant 0 : i32
      %dma_wait3A_194 = tpu.memref_slice %arg5[%dma_wait3A_192, %dma_wait3A_193] : memref<20480x128xf32, #tpu.memory_space<hbm>> -> memref<20480x128xf32, #tpu.memory_space<hbm>>
      tpu.wait_indirect_dma semaphore(%arg14 : memref<!tpu.dma_semaphore, #tpu.memory_space<semaphore_mem>>) src(%dma_wait3A_194 : memref<20480x128xf32, #tpu.memory_space<hbm>>) dst(%arg11 : memref<128x128xf32, #tpu.memory_space<vmem>>)
      %scan3A_195 = arith.constant 0 : i32
      %scan3A_196 = arith.constant 0 : i32
      %scan3A_197 = arith.constant 128 : i32
      %scan3A_198 = arith.addi %scan3A_196, %scan3A_197 : i32
      %scan3A_199 = arith.constant 1 : i32
      scf.for %scan3A_201 = %scan3A_196 to %scan3A_198 step %scan3A_199  : i32 {
        %get3A_202 = arith.index_cast %scan3A_201 : i32 to index
        %get3A_203 = arith.constant 0 : index
        %get3A_204 = tpu.vector_load %arg10[%get3A_202, %get3A_203] {strides = array<i32>} : memref<128x128xf32, #tpu.memory_space<vmem>>, vector<1x16xf32>,
        %get3A_205 = vector.shape_cast %get3A_204 : vector<1x16xf32> to vector<16xf32>
        %get3A_206 = arith.index_cast %scan3A_201 : i32 to index
        %get3A_207 = arith.constant 0 : index
        %get3A_208 = tpu.vector_load %arg11[%get3A_206, %get3A_207] {strides = array<i32>} : memref<128x128xf32, #tpu.memory_space<vmem>>, vector<1x16xf32>,
        %get3A_209 = vector.shape_cast %get3A_208 : vector<1x16xf32> to vector<16xf32>
        %add3A_210 = arith.addf %get3A_205, %get3A_209 : vector<16xf32>
        %max3A = arith.constant 0.000000e+00 : f32
        %max3A_211 = vector.broadcast %max3A : f32 to vector<16xf32>
        %max3A_212 = arith.maximumf %add3A_210, %max3A_211 : vector<16xf32>
        %swap3A_213 = arith.index_cast %scan3A_201 : i32 to index
        %swap3A_214 = arith.constant 0 : index
        %swap3A_215 = tpu.vector_load %arg10[%swap3A_213, %swap3A_214] {strides = array<i32>} : memref<128x128xf32, #tpu.memory_space<vmem>>, vector<1x16xf32>,
        %swap3A_216 = vector.shape_cast %swap3A_215 : vector<1x16xf32> to vector<16xf32>
        %swap3A_217 = vector.shape_cast %max3A_212 : vector<16xf32> to vector<1x16xf32>
        tpu.vector_store %arg10[%swap3A_213, %swap3A_214], %swap3A_217 {strides = array<i32>} : memref<128x128xf32, #tpu.memory_space<vmem>>, vector<1x16xf32>,
        %get3A_218 = arith.index_cast %scan3A_201 : i32 to index
        %get3A_219 = arith.constant 16 : index
        %get3A_220 = tpu.vector_load %arg10[%get3A_218, %get3A_219] {strides = array<i32>} : memref<128x128xf32, #tpu.memory_space<vmem>>, vector<1x16xf32>,
        %get3A_221 = vector.shape_cast %get3A_220 : vector<1x16xf32> to vector<16xf32>
        %get3A_222 = arith.index_cast %scan3A_201 : i32 to index
        %get3A_223 = arith.constant 16 : index
        %get3A_224 = tpu.vector_load %arg11[%get3A_222, %get3A_223] {strides = array<i32>} : memref<128x128xf32, #tpu.memory_space<vmem>>, vector<1x16xf32>,
        %get3A_225 = vector.shape_cast %get3A_224 : vector<1x16xf32> to vector<16xf32>
        %add3A_226 = arith.addf %get3A_221, %get3A_225 : vector<16xf32>
        %max3A_227 = arith.constant 0.000000e+00 : f32
        %max3A_228 = vector.broadcast %max3A_227 : f32 to vector<16xf32>
        %max3A_229 = arith.maximumf %add3A_226, %max3A_228 : vector<16xf32>
        %swap3A_230 = arith.index_cast %scan3A_201 : i32 to index
        %swap3A_231 = arith.constant 16 : index
        %swap3A_232 = tpu.vector_load %arg10[%swap3A_230, %swap3A_231] {strides = array<i32>} : memref<128x128xf32, #tpu.memory_space<vmem>>, vector<1x16xf32>,
        %swap3A_233 = vector.shape_cast %swap3A_232 : vector<1x16xf32> to vector<16xf32>
        %swap3A_234 = vector.shape_cast %max3A_229 : vector<16xf32> to vector<1x16xf32>
        tpu.vector_store %arg10[%swap3A_230, %swap3A_231], %swap3A_234 {strides = array<i32>} : memref<128x128xf32, #tpu.memory_space<vmem>>, vector<1x16xf32>,
        %get3A_235 = arith.index_cast %scan3A_201 : i32 to index
        %get3A_236 = arith.constant 32 : index
        %get3A_237 = tpu.vector_load %arg10[%get3A_235, %get3A_236] {strides = array<i32>} : memref<128x128xf32, #tpu.memory_space<vmem>>, vector<1x16xf32>,
        %get3A_238 = vector.shape_cast %get3A_237 : vector<1x16xf32> to vector<16xf32>
        %get3A_239 = arith.index_cast %scan3A_201 : i32 to index
        %get3A_240 = arith.constant 32 : index
        %get3A_241 = tpu.vector_load %arg11[%get3A_239, %get3A_240] {strides = array<i32>} : memref<128x128xf32, #tpu.memory_space<vmem>>, vector<1x16xf32>,
        %get3A_242 = vector.shape_cast %get3A_241 : vector<1x16xf32> to vector<16xf32>
        %add3A_243 = arith.addf %get3A_238, %get3A_242 : vector<16xf32>
        %max3A_244 = arith.constant 0.000000e+00 : f32
        %max3A_245 = vector.broadcast %max3A_244 : f32 to vector<16xf32>
        %max3A_246 = arith.maximumf %add3A_243, %max3A_245 : vector<16xf32>
        %swap3A_247 = arith.index_cast %scan3A_201 : i32 to index
        %swap3A_248 = arith.constant 32 : index
        %swap3A_249 = tpu.vector_load %arg10[%swap3A_247, %swap3A_248] {strides = array<i32>} : memref<128x128xf32, #tpu.memory_space<vmem>>, vector<1x16xf32>,
        %swap3A_250 = vector.shape_cast %swap3A_249 : vector<1x16xf32> to vector<16xf32>
        %swap3A_251 = vector.shape_cast %max3A_246 : vector<16xf32> to vector<1x16xf32>
        tpu.vector_store %arg10[%swap3A_247, %swap3A_248], %swap3A_251 {strides = array<i32>} : memref<128x128xf32, #tpu.memory_space<vmem>>, vector<1x16xf32>,
        %get3A_252 = arith.index_cast %scan3A_201 : i32 to index
        %get3A_253 = arith.constant 48 : index
        %get3A_254 = tpu.vector_load %arg10[%get3A_252, %get3A_253] {strides = array<i32>} : memref<128x128xf32, #tpu.memory_space<vmem>>, vector<1x16xf32>,
        %get3A_255 = vector.shape_cast %get3A_254 : vector<1x16xf32> to vector<16xf32>
        %get3A_256 = arith.index_cast %scan3A_201 : i32 to index
        %get3A_257 = arith.constant 48 : index
        %get3A_258 = tpu.vector_load %arg11[%get3A_256, %get3A_257] {strides = array<i32>} : memref<128x128xf32, #tpu.memory_space<vmem>>, vector<1x16xf32>,
        %get3A_259 = vector.shape_cast %get3A_258 : vector<1x16xf32> to vector<16xf32>
        %add3A_260 = arith.addf %get3A_255, %get3A_259 : vector<16xf32>
        %max3A_261 = arith.constant 0.000000e+00 : f32
        %max3A_262 = vector.broadcast %max3A_261 : f32 to vector<16xf32>
        %max3A_263 = arith.maximumf %add3A_260, %max3A_262 : vector<16xf32>
        %swap3A_264 = arith.index_cast %scan3A_201 : i32 to index
        %swap3A_265 = arith.constant 48 : index
        %swap3A_266 = tpu.vector_load %arg10[%swap3A_264, %swap3A_265] {strides = array<i32>} : memref<128x128xf32, #tpu.memory_space<vmem>>, vector<1x16xf32>,
        %swap3A_267 = vector.shape_cast %swap3A_266 : vector<1x16xf32> to vector<16xf32>
        %swap3A_268 = vector.shape_cast %max3A_263 : vector<16xf32> to vector<1x16xf32>
        tpu.vector_store %arg10[%swap3A_264, %swap3A_265], %swap3A_268 {strides = array<i32>} : memref<128x128xf32, #tpu.memory_space<vmem>>, vector<1x16xf32>,
        %get3A_269 = arith.index_cast %scan3A_201 : i32 to index
        %get3A_270 = arith.constant 64 : index
        %get3A_271 = tpu.vector_load %arg10[%get3A_269, %get3A_270] {strides = array<i32>} : memref<128x128xf32, #tpu.memory_space<vmem>>, vector<1x16xf32>,
        %get3A_272 = vector.shape_cast %get3A_271 : vector<1x16xf32> to vector<16xf32>
        %get3A_273 = arith.index_cast %scan3A_201 : i32 to index
        %get3A_274 = arith.constant 64 : index
        %get3A_275 = tpu.vector_load %arg11[%get3A_273, %get3A_274] {strides = array<i32>} : memref<128x128xf32, #tpu.memory_space<vmem>>, vector<1x16xf32>,
        %get3A_276 = vector.shape_cast %get3A_275 : vector<1x16xf32> to vector<16xf32>
        %add3A_277 = arith.addf %get3A_272, %get3A_276 : vector<16xf32>
        %max3A_278 = arith.constant 0.000000e+00 : f32
        %max3A_279 = vector.broadcast %max3A_278 : f32 to vector<16xf32>
        %max3A_280 = arith.maximumf %add3A_277, %max3A_279 : vector<16xf32>
        %swap3A_281 = arith.index_cast %scan3A_201 : i32 to index
        %swap3A_282 = arith.constant 64 : index
        %swap3A_283 = tpu.vector_load %arg10[%swap3A_281, %swap3A_282] {strides = array<i32>} : memref<128x128xf32, #tpu.memory_space<vmem>>, vector<1x16xf32>,
        %swap3A_284 = vector.shape_cast %swap3A_283 : vector<1x16xf32> to vector<16xf32>
        %swap3A_285 = vector.shape_cast %max3A_280 : vector<16xf32> to vector<1x16xf32>
        tpu.vector_store %arg10[%swap3A_281, %swap3A_282], %swap3A_285 {strides = array<i32>} : memref<128x128xf32, #tpu.memory_space<vmem>>, vector<1x16xf32>,
        %get3A_286 = arith.index_cast %scan3A_201 : i32 to index
        %get3A_287 = arith.constant 80 : index
        %get3A_288 = tpu.vector_load %arg10[%get3A_286, %get3A_287] {strides = array<i32>} : memref<128x128xf32, #tpu.memory_space<vmem>>, vector<1x16xf32>,
        %get3A_289 = vector.shape_cast %get3A_288 : vector<1x16xf32> to vector<16xf32>
        %get3A_290 = arith.index_cast %scan3A_201 : i32 to index
        %get3A_291 = arith.constant 80 : index
        %get3A_292 = tpu.vector_load %arg11[%get3A_290, %get3A_291] {strides = array<i32>} : memref<128x128xf32, #tpu.memory_space<vmem>>, vector<1x16xf32>,
        %get3A_293 = vector.shape_cast %get3A_292 : vector<1x16xf32> to vector<16xf32>
        %add3A_294 = arith.addf %get3A_289, %get3A_293 : vector<16xf32>
        %max3A_295 = arith.constant 0.000000e+00 : f32
        %max3A_296 = vector.broadcast %max3A_295 : f32 to vector<16xf32>
        %max3A_297 = arith.maximumf %add3A_294, %max3A_296 : vector<16xf32>
        %swap3A_298 = arith.index_cast %scan3A_201 : i32 to index
        %swap3A_299 = arith.constant 80 : index
        %swap3A_300 = tpu.vector_load %arg10[%swap3A_298, %swap3A_299] {strides = array<i32>} : memref<128x128xf32, #tpu.memory_space<vmem>>, vector<1x16xf32>,
        %swap3A_301 = vector.shape_cast %swap3A_300 : vector<1x16xf32> to vector<16xf32>
        %swap3A_302 = vector.shape_cast %max3A_297 : vector<16xf32> to vector<1x16xf32>
        tpu.vector_store %arg10[%swap3A_298, %swap3A_299], %swap3A_302 {strides = array<i32>} : memref<128x128xf32, #tpu.memory_space<vmem>>, vector<1x16xf32>,
        %get3A_303 = arith.index_cast %scan3A_201 : i32 to index
        %get3A_304 = arith.constant 96 : index
        %get3A_305 = tpu.vector_load %arg10[%get3A_303, %get3A_304] {strides = array<i32>} : memref<128x128xf32, #tpu.memory_space<vmem>>, vector<1x16xf32>,
        %get3A_306 = vector.shape_cast %get3A_305 : vector<1x16xf32> to vector<16xf32>
        %get3A_307 = arith.index_cast %scan3A_201 : i32 to index
        %get3A_308 = arith.constant 96 : index
        %get3A_309 = tpu.vector_load %arg11[%get3A_307, %get3A_308] {strides = array<i32>} : memref<128x128xf32, #tpu.memory_space<vmem>>, vector<1x16xf32>,
        %get3A_310 = vector.shape_cast %get3A_309 : vector<1x16xf32> to vector<16xf32>
        %add3A_311 = arith.addf %get3A_306, %get3A_310 : vector<16xf32>
        %max3A_312 = arith.constant 0.000000e+00 : f32
        %max3A_313 = vector.broadcast %max3A_312 : f32 to vector<16xf32>
        %max3A_314 = arith.maximumf %add3A_311, %max3A_313 : vector<16xf32>
        %swap3A_315 = arith.index_cast %scan3A_201 : i32 to index
        %swap3A_316 = arith.constant 96 : index
        %swap3A_317 = tpu.vector_load %arg10[%swap3A_315, %swap3A_316] {strides = array<i32>} : memref<128x128xf32, #tpu.memory_space<vmem>>, vector<1x16xf32>,
        %swap3A_318 = vector.shape_cast %swap3A_317 : vector<1x16xf32> to vector<16xf32>
        %swap3A_319 = vector.shape_cast %max3A_314 : vector<16xf32> to vector<1x16xf32>
        tpu.vector_store %arg10[%swap3A_315, %swap3A_316], %swap3A_319 {strides = array<i32>} : memref<128x128xf32, #tpu.memory_space<vmem>>, vector<1x16xf32>,
        %get3A_320 = arith.index_cast %scan3A_201 : i32 to index
        %get3A_321 = arith.constant 112 : index
        %get3A_322 = tpu.vector_load %arg10[%get3A_320, %get3A_321] {strides = array<i32>} : memref<128x128xf32, #tpu.memory_space<vmem>>, vector<1x16xf32>,
        %get3A_323 = vector.shape_cast %get3A_322 : vector<1x16xf32> to vector<16xf32>
        %get3A_324 = arith.index_cast %scan3A_201 : i32 to index
        %get3A_325 = arith.constant 112 : index
        %get3A_326 = tpu.vector_load %arg11[%get3A_324, %get3A_325] {strides = array<i32>} : memref<128x128xf32, #tpu.memory_space<vmem>>, vector<1x16xf32>,
        %get3A_327 = vector.shape_cast %get3A_326 : vector<1x16xf32> to vector<16xf32>
        %add3A_328 = arith.addf %get3A_323, %get3A_327 : vector<16xf32>
        %max3A_329 = arith.constant 0.000000e+00 : f32
        %max3A_330 = vector.broadcast %max3A_329 : f32 to vector<16xf32>
        %max3A_331 = arith.maximumf %add3A_328, %max3A_330 : vector<16xf32>
        %swap3A_332 = arith.index_cast %scan3A_201 : i32 to index
        %swap3A_333 = arith.constant 112 : index
        %swap3A_334 = tpu.vector_load %arg10[%swap3A_332, %swap3A_333] {strides = array<i32>} : memref<128x128xf32, #tpu.memory_space<vmem>>, vector<1x16xf32>,
        %swap3A_335 = vector.shape_cast %swap3A_334 : vector<1x16xf32> to vector<16xf32>
        %swap3A_336 = vector.shape_cast %max3A_331 : vector<16xf32> to vector<1x16xf32>
        tpu.vector_store %arg10[%swap3A_332, %swap3A_333], %swap3A_336 {strides = array<i32>} : memref<128x128xf32, #tpu.memory_space<vmem>>, vector<1x16xf32>,
      }
      %scan3A_200 = arith.constant 128 : i32
      "tpu.region"() ({
        %run_scoped3A = tpu.sem_alloc : memref<!tpu.dma_semaphore, #tpu.memory_space<semaphore_mem>>
        %dma_start3A_201 = arith.constant 0 : i32
        %dma_start3A_202 = arith.constant 0 : i32
        %dma_start3A_203 = tpu.memref_slice %arg12[%dma_start3A_201, %dma_start3A_202] : memref<10240x128xf32, #tpu.memory_space<vmem_shared>> -> memref<10240x128xf32, #tpu.memory_space<vmem_shared>>
        tpu.enqueue_indirect_dma source(%arg10 : memref<128x128xf32, #tpu.memory_space<vmem>>) target(%dma_start3A_203 : memref<10240x128xf32, #tpu.memory_space<vmem_shared>>) offsets(%arg7 : memref<128xi32, #tpu.memory_space<vmem>>) semaphore(%run_scoped3A : memref<!tpu.dma_semaphore, #tpu.memory_space<semaphore_mem>>) {add = true}
        %dma_wait3A_204 = arith.constant 0 : i32
        %dma_wait3A_205 = arith.constant 0 : i32
        %dma_wait3A_206 = tpu.memref_slice %arg12[%dma_wait3A_204, %dma_wait3A_205] : memref<10240x128xf32, #tpu.memory_space<vmem_shared>> -> memref<10240x128xf32, #tpu.memory_space<vmem_shared>>
        tpu.wait_indirect_dma semaphore(%run_scoped3A : memref<!tpu.dma_semaphore, #tpu.memory_space<semaphore_mem>>) src(%arg10 : memref<128x128xf32, #tpu.memory_space<vmem>>) dst(%dma_wait3A_206 : memref<10240x128xf32, #tpu.memory_space<vmem_shared>>)
        tpu.yield
      }) : () -> ()
    }
    %scan3A_33 = arith.constant 320 : i32
    %barrier3A_34 = arith.constant 0 : index
    tpu.barrier barrier_id(%barrier3A_34)
    %mul3A_35 = arith.constant 640 : i32
    %mul3A_36 = arith.muli %arg1, %mul3A_35 : i32
    %mul3A_37 = arith.constant 640 : i32
    %mul3A_38 = arith.muli %arg1, %mul3A_37 : i32
    "tpu.region"() ({
      %run_scoped3A = tpu.sem_alloc : memref<!tpu.dma_semaphore, #tpu.memory_space<semaphore_mem>>
      %dma_start3A = arith.constant 0 : i32
      %dma_start3A_39 = tpu.memref_slice %arg6[%arg0, %mul3A_38, %dma_start3A] : memref<2x10240x128xf32, #tpu.memory_space<hbm>> -> memref<1x640x128xf32, #tpu.memory_space<hbm>>
      %dma_start3A_40 = tpu.memref_squeeze %dma_start3A_39 : memref<1x640x128xf32, #tpu.memory_space<hbm>> -> memref<640x128xf32, #tpu.memory_space<hbm>>
      %dma_start3A_41 = arith.constant 0 : i32
      %dma_start3A_42 = tpu.memref_slice %arg12[%mul3A_36, %dma_start3A_41] : memref<10240x128xf32, #tpu.memory_space<vmem_shared>> -> memref<640x128xf32, #tpu.memory_space<vmem_shared>>
      tpu.enqueue_dma source(%dma_start3A_42 : memref<640x128xf32, #tpu.memory_space<vmem_shared>>) target(%dma_start3A_40 : memref<640x128xf32, #tpu.memory_space<hbm>>) target_semaphore(%run_scoped3A : memref<!tpu.dma_semaphore, #tpu.memory_space<semaphore_mem>>)
      %dma_wait3A = arith.constant 0 : i32
      %dma_wait3A_43 = tpu.memref_slice %arg6[%arg0, %mul3A_38, %dma_wait3A] : memref<2x10240x128xf32, #tpu.memory_space<hbm>> -> memref<1x640x128xf32, #tpu.memory_space<hbm>>
      %dma_wait3A_44 = tpu.memref_squeeze %dma_wait3A_43 : memref<1x640x128xf32, #tpu.memory_space<hbm>> -> memref<640x128xf32, #tpu.memory_space<hbm>>
      %dma_wait3A_45 = arith.constant 0 : i32
      %dma_wait3A_46 = tpu.memref_slice %arg12[%mul3A_36, %dma_wait3A_45] : memref<10240x128xf32, #tpu.memory_space<vmem_shared>> -> memref<640x128xf32, #tpu.memory_space<vmem_shared>>
      tpu.wait_dma2 semaphore(%run_scoped3A : memref<!tpu.dma_semaphore, #tpu.memory_space<semaphore_mem>>) src(%dma_wait3A_46 : memref<640x128xf32, #tpu.memory_space<vmem_shared>>) dst(%dma_wait3A_44 : memref<640x128xf32, #tpu.memory_space<hbm>>)
      tpu.yield
    }) : () -> ()
    return
  }
}

#map = affine_map<(d0, d1) -> (0)>
#map1 = affine_map<(d0, d1) -> (0, 0)>
#map2 = affine_map<(d0, d1) -> (0, 0, 0)>
module attributes {stable_mosaic.version = 14 : i64} {
  func.func @_edge_body(%arg0: i32, %arg1: i32, %arg2: memref<655360xi32, #tpu.memory_space<hbm>>, %arg3: memref<655360xi32, #tpu.memory_space<hbm>>, %arg4: memref<20480x128xf32, #tpu.memory_space<hbm>>, %arg5: memref<20480x128xf32, #tpu.memory_space<hbm>>, %arg6: memref<2x10240x128xf32, #tpu.memory_space<hbm>>, %arg7: memref<128xi32, #tpu.memory_space<vmem>>, %arg8: memref<128xi32, #tpu.memory_space<vmem>>, %arg9: memref<128xi32, #tpu.memory_space<vmem>>, %arg10: memref<128x128xf32, #tpu.memory_space<vmem>>, %arg11: memref<128x128xf32, #tpu.memory_space<vmem>>, %arg12: memref<10240x128xf32, #tpu.memory_space<vmem_shared>>, %arg13: memref<!tpu.dma_semaphore, #tpu.memory_space<semaphore_mem>>, %arg14: memref<!tpu.dma_semaphore, #tpu.memory_space<semaphore_mem>>) attributes {dimension_semantics = [#tpu.dimension_semantics<core_parallel>, #tpu.dimension_semantics<subcore_parallel>], iteration_bounds = array<i64: 2, 16>, scalar_prefetch = 0 : i64, scratch_operands = 8 : i64, tpu.core_type = #tpu.core_type<sc_vector_subcore>, window_params = [{transform_indices = #map}, {transform_indices = #map}, {transform_indices = #map1}, {transform_indices = #map1}, {transform_indices = #map2}]} {
    %broadcast_in_dim3A = arith.constant 0.000000e+00 : f32
    %broadcast_in_dim3A_0 = vector.broadcast %broadcast_in_dim3A : f32 to vector<16xf32>
    %scan3A = arith.constant 0 : i32
    %scan3A_1 = arith.constant 0 : i32
    %scan3A_2 = arith.constant 128 : i32
    %scan3A_3 = arith.addi %scan3A_1, %scan3A_2 : i32
    %scan3A_4 = arith.constant 1 : i32
    scf.for %scan3A_39 = %scan3A_1 to %scan3A_3 step %scan3A_4  : i32 {
      %swap3A = arith.index_cast %scan3A_39 : i32 to index
      %swap3A_40 = arith.constant 0 : index
      %swap3A_41 = tpu.vector_load %arg10[%swap3A, %swap3A_40] {strides = array<i32>} : memref<128x128xf32, #tpu.memory_space<vmem>>, vector<1x16xf32>,
      %swap3A_42 = vector.shape_cast %swap3A_41 : vector<1x16xf32> to vector<16xf32>
      %swap3A_43 = vector.shape_cast %broadcast_in_dim3A_0 : vector<16xf32> to vector<1x16xf32>
      tpu.vector_store %arg10[%swap3A, %swap3A_40], %swap3A_43 {strides = array<i32>} : memref<128x128xf32, #tpu.memory_space<vmem>>, vector<1x16xf32>,
      %swap3A_44 = arith.index_cast %scan3A_39 : i32 to index
      %swap3A_45 = arith.constant 16 : index
      %swap3A_46 = tpu.vector_load %arg10[%swap3A_44, %swap3A_45] {strides = array<i32>} : memref<128x128xf32, #tpu.memory_space<vmem>>, vector<1x16xf32>,
      %swap3A_47 = vector.shape_cast %swap3A_46 : vector<1x16xf32> to vector<16xf32>
      %swap3A_48 = vector.shape_cast %broadcast_in_dim3A_0 : vector<16xf32> to vector<1x16xf32>
      tpu.vector_store %arg10[%swap3A_44, %swap3A_45], %swap3A_48 {strides = array<i32>} : memref<128x128xf32, #tpu.memory_space<vmem>>, vector<1x16xf32>,
      %swap3A_49 = arith.index_cast %scan3A_39 : i32 to index
      %swap3A_50 = arith.constant 32 : index
      %swap3A_51 = tpu.vector_load %arg10[%swap3A_49, %swap3A_50] {strides = array<i32>} : memref<128x128xf32, #tpu.memory_space<vmem>>, vector<1x16xf32>,
      %swap3A_52 = vector.shape_cast %swap3A_51 : vector<1x16xf32> to vector<16xf32>
      %swap3A_53 = vector.shape_cast %broadcast_in_dim3A_0 : vector<16xf32> to vector<1x16xf32>
      tpu.vector_store %arg10[%swap3A_49, %swap3A_50], %swap3A_53 {strides = array<i32>} : memref<128x128xf32, #tpu.memory_space<vmem>>, vector<1x16xf32>,
      %swap3A_54 = arith.index_cast %scan3A_39 : i32 to index
      %swap3A_55 = arith.constant 48 : index
      %swap3A_56 = tpu.vector_load %arg10[%swap3A_54, %swap3A_55] {strides = array<i32>} : memref<128x128xf32, #tpu.memory_space<vmem>>, vector<1x16xf32>,
      %swap3A_57 = vector.shape_cast %swap3A_56 : vector<1x16xf32> to vector<16xf32>
      %swap3A_58 = vector.shape_cast %broadcast_in_dim3A_0 : vector<16xf32> to vector<1x16xf32>
      tpu.vector_store %arg10[%swap3A_54, %swap3A_55], %swap3A_58 {strides = array<i32>} : memref<128x128xf32, #tpu.memory_space<vmem>>, vector<1x16xf32>,
      %swap3A_59 = arith.index_cast %scan3A_39 : i32 to index
      %swap3A_60 = arith.constant 64 : index
      %swap3A_61 = tpu.vector_load %arg10[%swap3A_59, %swap3A_60] {strides = array<i32>} : memref<128x128xf32, #tpu.memory_space<vmem>>, vector<1x16xf32>,
      %swap3A_62 = vector.shape_cast %swap3A_61 : vector<1x16xf32> to vector<16xf32>
      %swap3A_63 = vector.shape_cast %broadcast_in_dim3A_0 : vector<16xf32> to vector<1x16xf32>
      tpu.vector_store %arg10[%swap3A_59, %swap3A_60], %swap3A_63 {strides = array<i32>} : memref<128x128xf32, #tpu.memory_space<vmem>>, vector<1x16xf32>,
      %swap3A_64 = arith.index_cast %scan3A_39 : i32 to index
      %swap3A_65 = arith.constant 80 : index
      %swap3A_66 = tpu.vector_load %arg10[%swap3A_64, %swap3A_65] {strides = array<i32>} : memref<128x128xf32, #tpu.memory_space<vmem>>, vector<1x16xf32>,
      %swap3A_67 = vector.shape_cast %swap3A_66 : vector<1x16xf32> to vector<16xf32>
      %swap3A_68 = vector.shape_cast %broadcast_in_dim3A_0 : vector<16xf32> to vector<1x16xf32>
      tpu.vector_store %arg10[%swap3A_64, %swap3A_65], %swap3A_68 {strides = array<i32>} : memref<128x128xf32, #tpu.memory_space<vmem>>, vector<1x16xf32>,
      %swap3A_69 = arith.index_cast %scan3A_39 : i32 to index
      %swap3A_70 = arith.constant 96 : index
      %swap3A_71 = tpu.vector_load %arg10[%swap3A_69, %swap3A_70] {strides = array<i32>} : memref<128x128xf32, #tpu.memory_space<vmem>>, vector<1x16xf32>,
      %swap3A_72 = vector.shape_cast %swap3A_71 : vector<1x16xf32> to vector<16xf32>
      %swap3A_73 = vector.shape_cast %broadcast_in_dim3A_0 : vector<16xf32> to vector<1x16xf32>
      tpu.vector_store %arg10[%swap3A_69, %swap3A_70], %swap3A_73 {strides = array<i32>} : memref<128x128xf32, #tpu.memory_space<vmem>>, vector<1x16xf32>,
      %swap3A_74 = arith.index_cast %scan3A_39 : i32 to index
      %swap3A_75 = arith.constant 112 : index
      %swap3A_76 = tpu.vector_load %arg10[%swap3A_74, %swap3A_75] {strides = array<i32>} : memref<128x128xf32, #tpu.memory_space<vmem>>, vector<1x16xf32>,
      %swap3A_77 = vector.shape_cast %swap3A_76 : vector<1x16xf32> to vector<16xf32>
      %swap3A_78 = vector.shape_cast %broadcast_in_dim3A_0 : vector<16xf32> to vector<1x16xf32>
      tpu.vector_store %arg10[%swap3A_74, %swap3A_75], %swap3A_78 {strides = array<i32>} : memref<128x128xf32, #tpu.memory_space<vmem>>, vector<1x16xf32>,
    }
    %scan3A_5 = arith.constant 128 : i32
    %mul3A = arith.constant 640 : i32
    %mul3A_6 = arith.muli %arg1, %mul3A : i32
    %add3A = arith.constant 0 : i32
    %add3A_7 = arith.addi %mul3A_6, %add3A : i32
    "tpu.region"() ({
      %run_scoped3A = tpu.sem_alloc : memref<!tpu.dma_semaphore, #tpu.memory_space<semaphore_mem>>
      %dma_start3A = arith.constant 0 : i32
      %dma_start3A_39 = tpu.memref_slice %arg12[%add3A_7, %dma_start3A] : memref<10240x128xf32, #tpu.memory_space<vmem_shared>> -> memref<128x128xf32, #tpu.memory_space<vmem_shared>>
      %dma_start3A_40 = arith.constant 0 : i32
      %dma_start3A_41 = tpu.memref_slice %arg12[%add3A_7, %dma_start3A_40] : memref<10240x128xf32, #tpu.memory_space<vmem_shared>> -> memref<128x128xf32, #tpu.memory_space<vmem_shared>>
      tpu.enqueue_dma source(%arg10 : memref<128x128xf32, #tpu.memory_space<vmem>>) target(%dma_start3A_41 : memref<128x128xf32, #tpu.memory_space<vmem_shared>>) target_semaphore(%run_scoped3A : memref<!tpu.dma_semaphore, #tpu.memory_space<semaphore_mem>>)
      %dma_wait3A = arith.constant 0 : i32
      %dma_wait3A_42 = tpu.memref_slice %arg12[%add3A_7, %dma_wait3A] : memref<10240x128xf32, #tpu.memory_space<vmem_shared>> -> memref<128x128xf32, #tpu.memory_space<vmem_shared>>
      %dma_wait3A_43 = arith.constant 0 : i32
      %dma_wait3A_44 = tpu.memref_slice %arg12[%add3A_7, %dma_wait3A_43] : memref<10240x128xf32, #tpu.memory_space<vmem_shared>> -> memref<128x128xf32, #tpu.memory_space<vmem_shared>>
      tpu.wait_dma2 semaphore(%run_scoped3A : memref<!tpu.dma_semaphore, #tpu.memory_space<semaphore_mem>>) src(%arg10 : memref<128x128xf32, #tpu.memory_space<vmem>>) dst(%dma_wait3A_44 : memref<128x128xf32, #tpu.memory_space<vmem_shared>>)
      tpu.yield
    }) : () -> ()
    %mul3A_8 = arith.constant 640 : i32
    %mul3A_9 = arith.muli %arg1, %mul3A_8 : i32
    %add3A_10 = arith.constant 128 : i32
    %add3A_11 = arith.addi %mul3A_9, %add3A_10 : i32
    "tpu.region"() ({
      %run_scoped3A = tpu.sem_alloc : memref<!tpu.dma_semaphore, #tpu.memory_space<semaphore_mem>>
      %dma_start3A = arith.constant 0 : i32
      %dma_start3A_39 = tpu.memref_slice %arg12[%add3A_11, %dma_start3A] : memref<10240x128xf32, #tpu.memory_space<vmem_shared>> -> memref<128x128xf32, #tpu.memory_space<vmem_shared>>
      %dma_start3A_40 = arith.constant 0 : i32
      %dma_start3A_41 = tpu.memref_slice %arg12[%add3A_11, %dma_start3A_40] : memref<10240x128xf32, #tpu.memory_space<vmem_shared>> -> memref<128x128xf32, #tpu.memory_space<vmem_shared>>
      tpu.enqueue_dma source(%arg10 : memref<128x128xf32, #tpu.memory_space<vmem>>) target(%dma_start3A_41 : memref<128x128xf32, #tpu.memory_space<vmem_shared>>) target_semaphore(%run_scoped3A : memref<!tpu.dma_semaphore, #tpu.memory_space<semaphore_mem>>)
      %dma_wait3A = arith.constant 0 : i32
      %dma_wait3A_42 = tpu.memref_slice %arg12[%add3A_11, %dma_wait3A] : memref<10240x128xf32, #tpu.memory_space<vmem_shared>> -> memref<128x128xf32, #tpu.memory_space<vmem_shared>>
      %dma_wait3A_43 = arith.constant 0 : i32
      %dma_wait3A_44 = tpu.memref_slice %arg12[%add3A_11, %dma_wait3A_43] : memref<10240x128xf32, #tpu.memory_space<vmem_shared>> -> memref<128x128xf32, #tpu.memory_space<vmem_shared>>
      tpu.wait_dma2 semaphore(%run_scoped3A : memref<!tpu.dma_semaphore, #tpu.memory_space<semaphore_mem>>) src(%arg10 : memref<128x128xf32, #tpu.memory_space<vmem>>) dst(%dma_wait3A_44 : memref<128x128xf32, #tpu.memory_space<vmem_shared>>)
      tpu.yield
    }) : () -> ()
    %mul3A_12 = arith.constant 640 : i32
    %mul3A_13 = arith.muli %arg1, %mul3A_12 : i32
    %add3A_14 = arith.constant 256 : i32
    %add3A_15 = arith.addi %mul3A_13, %add3A_14 : i32
    "tpu.region"() ({
      %run_scoped3A = tpu.sem_alloc : memref<!tpu.dma_semaphore, #tpu.memory_space<semaphore_mem>>
      %dma_start3A = arith.constant 0 : i32
      %dma_start3A_39 = tpu.memref_slice %arg12[%add3A_15, %dma_start3A] : memref<10240x128xf32, #tpu.memory_space<vmem_shared>> -> memref<128x128xf32, #tpu.memory_space<vmem_shared>>
      %dma_start3A_40 = arith.constant 0 : i32
      %dma_start3A_41 = tpu.memref_slice %arg12[%add3A_15, %dma_start3A_40] : memref<10240x128xf32, #tpu.memory_space<vmem_shared>> -> memref<128x128xf32, #tpu.memory_space<vmem_shared>>
      tpu.enqueue_dma source(%arg10 : memref<128x128xf32, #tpu.memory_space<vmem>>) target(%dma_start3A_41 : memref<128x128xf32, #tpu.memory_space<vmem_shared>>) target_semaphore(%run_scoped3A : memref<!tpu.dma_semaphore, #tpu.memory_space<semaphore_mem>>)
      %dma_wait3A = arith.constant 0 : i32
      %dma_wait3A_42 = tpu.memref_slice %arg12[%add3A_15, %dma_wait3A] : memref<10240x128xf32, #tpu.memory_space<vmem_shared>> -> memref<128x128xf32, #tpu.memory_space<vmem_shared>>
      %dma_wait3A_43 = arith.constant 0 : i32
      %dma_wait3A_44 = tpu.memref_slice %arg12[%add3A_15, %dma_wait3A_43] : memref<10240x128xf32, #tpu.memory_space<vmem_shared>> -> memref<128x128xf32, #tpu.memory_space<vmem_shared>>
      tpu.wait_dma2 semaphore(%run_scoped3A : memref<!tpu.dma_semaphore, #tpu.memory_space<semaphore_mem>>) src(%arg10 : memref<128x128xf32, #tpu.memory_space<vmem>>) dst(%dma_wait3A_44 : memref<128x128xf32, #tpu.memory_space<vmem_shared>>)
      tpu.yield
    }) : () -> ()
    %mul3A_16 = arith.constant 640 : i32
    %mul3A_17 = arith.muli %arg1, %mul3A_16 : i32
    %add3A_18 = arith.constant 384 : i32
    %add3A_19 = arith.addi %mul3A_17, %add3A_18 : i32
    "tpu.region"() ({
      %run_scoped3A = tpu.sem_alloc : memref<!tpu.dma_semaphore, #tpu.memory_space<semaphore_mem>>
      %dma_start3A = arith.constant 0 : i32
      %dma_start3A_39 = tpu.memref_slice %arg12[%add3A_19, %dma_start3A] : memref<10240x128xf32, #tpu.memory_space<vmem_shared>> -> memref<128x128xf32, #tpu.memory_space<vmem_shared>>
      %dma_start3A_40 = arith.constant 0 : i32
      %dma_start3A_41 = tpu.memref_slice %arg12[%add3A_19, %dma_start3A_40] : memref<10240x128xf32, #tpu.memory_space<vmem_shared>> -> memref<128x128xf32, #tpu.memory_space<vmem_shared>>
      tpu.enqueue_dma source(%arg10 : memref<128x128xf32, #tpu.memory_space<vmem>>) target(%dma_start3A_41 : memref<128x128xf32, #tpu.memory_space<vmem_shared>>) target_semaphore(%run_scoped3A : memref<!tpu.dma_semaphore, #tpu.memory_space<semaphore_mem>>)
      %dma_wait3A = arith.constant 0 : i32
      %dma_wait3A_42 = tpu.memref_slice %arg12[%add3A_19, %dma_wait3A] : memref<10240x128xf32, #tpu.memory_space<vmem_shared>> -> memref<128x128xf32, #tpu.memory_space<vmem_shared>>
      %dma_wait3A_43 = arith.constant 0 : i32
      %dma_wait3A_44 = tpu.memref_slice %arg12[%add3A_19, %dma_wait3A_43] : memref<10240x128xf32, #tpu.memory_space<vmem_shared>> -> memref<128x128xf32, #tpu.memory_space<vmem_shared>>
      tpu.wait_dma2 semaphore(%run_scoped3A : memref<!tpu.dma_semaphore, #tpu.memory_space<semaphore_mem>>) src(%arg10 : memref<128x128xf32, #tpu.memory_space<vmem>>) dst(%dma_wait3A_44 : memref<128x128xf32, #tpu.memory_space<vmem_shared>>)
      tpu.yield
    }) : () -> ()
    %mul3A_20 = arith.constant 640 : i32
    %mul3A_21 = arith.muli %arg1, %mul3A_20 : i32
    %add3A_22 = arith.constant 512 : i32
    %add3A_23 = arith.addi %mul3A_21, %add3A_22 : i32
    "tpu.region"() ({
      %run_scoped3A = tpu.sem_alloc : memref<!tpu.dma_semaphore, #tpu.memory_space<semaphore_mem>>
      %dma_start3A = arith.constant 0 : i32
      %dma_start3A_39 = tpu.memref_slice %arg12[%add3A_23, %dma_start3A] : memref<10240x128xf32, #tpu.memory_space<vmem_shared>> -> memref<128x128xf32, #tpu.memory_space<vmem_shared>>
      %dma_start3A_40 = arith.constant 0 : i32
      %dma_start3A_41 = tpu.memref_slice %arg12[%add3A_23, %dma_start3A_40] : memref<10240x128xf32, #tpu.memory_space<vmem_shared>> -> memref<128x128xf32, #tpu.memory_space<vmem_shared>>
      tpu.enqueue_dma source(%arg10 : memref<128x128xf32, #tpu.memory_space<vmem>>) target(%dma_start3A_41 : memref<128x128xf32, #tpu.memory_space<vmem_shared>>) target_semaphore(%run_scoped3A : memref<!tpu.dma_semaphore, #tpu.memory_space<semaphore_mem>>)
      %dma_wait3A = arith.constant 0 : i32
      %dma_wait3A_42 = tpu.memref_slice %arg12[%add3A_23, %dma_wait3A] : memref<10240x128xf32, #tpu.memory_space<vmem_shared>> -> memref<128x128xf32, #tpu.memory_space<vmem_shared>>
      %dma_wait3A_43 = arith.constant 0 : i32
      %dma_wait3A_44 = tpu.memref_slice %arg12[%add3A_23, %dma_wait3A_43] : memref<10240x128xf32, #tpu.memory_space<vmem_shared>> -> memref<128x128xf32, #tpu.memory_space<vmem_shared>>
      tpu.wait_dma2 semaphore(%run_scoped3A : memref<!tpu.dma_semaphore, #tpu.memory_space<semaphore_mem>>) src(%arg10 : memref<128x128xf32, #tpu.memory_space<vmem>>) dst(%dma_wait3A_44 : memref<128x128xf32, #tpu.memory_space<vmem_shared>>)
      tpu.yield
    }) : () -> ()
    %barrier3A = arith.constant 0 : index
    tpu.barrier barrier_id(%barrier3A)
    %mul3A_24 = arith.constant 10240 : i32
    %mul3A_25 = arith.muli %arg0, %mul3A_24 : i32
    %mul3A_26 = arith.constant 40960 : i32
    %mul3A_27 = arith.muli %arg1, %mul3A_26 : i32
    %scan3A_28 = arith.constant 0 : i32
    %scan3A_29 = arith.constant 0 : i32
    %scan3A_30 = arith.constant 320 : i32
    %scan3A_31 = arith.addi %scan3A_29, %scan3A_30 : i32
    %scan3A_32 = arith.constant 1 : i32
    scf.for %scan3A_39 = %scan3A_29 to %scan3A_31 step %scan3A_32  : i32 {
      %mul3A_40 = arith.constant 128 : i32
      %mul3A_41 = arith.muli %scan3A_39, %mul3A_40 : i32
      %add3A_42 = arith.addi %mul3A_27, %mul3A_41 : i32
      "tpu.region"() ({
        %run_scoped3A = tpu.sem_alloc : memref<!tpu.dma_semaphore, #tpu.memory_space<semaphore_mem>>
        %dma_start3A_201 = tpu.memref_slice %arg2[%add3A_42] : memref<655360xi32, #tpu.memory_space<hbm>> -> memref<128xi32, #tpu.memory_space<hbm>>
        %dma_start3A_202 = tpu.memref_slice %arg2[%add3A_42] : memref<655360xi32, #tpu.memory_space<hbm>> -> memref<128xi32, #tpu.memory_space<hbm>>
        tpu.enqueue_dma source(%dma_start3A_202 : memref<128xi32, #tpu.memory_space<hbm>>) target(%arg7 : memref<128xi32, #tpu.memory_space<vmem>>) target_semaphore(%run_scoped3A : memref<!tpu.dma_semaphore, #tpu.memory_space<semaphore_mem>>)
        %dma_wait3A_203 = tpu.memref_slice %arg2[%add3A_42] : memref<655360xi32, #tpu.memory_space<hbm>> -> memref<128xi32, #tpu.memory_space<hbm>>
        %dma_wait3A_204 = tpu.memref_slice %arg2[%add3A_42] : memref<655360xi32, #tpu.memory_space<hbm>> -> memref<128xi32, #tpu.memory_space<hbm>>
        tpu.wait_dma2 semaphore(%run_scoped3A : memref<!tpu.dma_semaphore, #tpu.memory_space<semaphore_mem>>) src(%dma_wait3A_204 : memref<128xi32, #tpu.memory_space<hbm>>) dst(%arg7 : memref<128xi32, #tpu.memory_space<vmem>>)
        tpu.yield
      }) : () -> ()
      "tpu.region"() ({
        %run_scoped3A = tpu.sem_alloc : memref<!tpu.dma_semaphore, #tpu.memory_space<semaphore_mem>>
        %dma_start3A_201 = tpu.memref_slice %arg3[%add3A_42] : memref<655360xi32, #tpu.memory_space<hbm>> -> memref<128xi32, #tpu.memory_space<hbm>>
        %dma_start3A_202 = tpu.memref_slice %arg3[%add3A_42] : memref<655360xi32, #tpu.memory_space<hbm>> -> memref<128xi32, #tpu.memory_space<hbm>>
        tpu.enqueue_dma source(%dma_start3A_202 : memref<128xi32, #tpu.memory_space<hbm>>) target(%arg8 : memref<128xi32, #tpu.memory_space<vmem>>) target_semaphore(%run_scoped3A : memref<!tpu.dma_semaphore, #tpu.memory_space<semaphore_mem>>)
        %dma_wait3A_203 = tpu.memref_slice %arg3[%add3A_42] : memref<655360xi32, #tpu.memory_space<hbm>> -> memref<128xi32, #tpu.memory_space<hbm>>
        %dma_wait3A_204 = tpu.memref_slice %arg3[%add3A_42] : memref<655360xi32, #tpu.memory_space<hbm>> -> memref<128xi32, #tpu.memory_space<hbm>>
        tpu.wait_dma2 semaphore(%run_scoped3A : memref<!tpu.dma_semaphore, #tpu.memory_space<semaphore_mem>>) src(%dma_wait3A_204 : memref<128xi32, #tpu.memory_space<hbm>>) dst(%arg8 : memref<128xi32, #tpu.memory_space<vmem>>)
        tpu.yield
      }) : () -> ()
      %get3A = arith.constant 0 : index
      %get3A_43 = tpu.vector_load %arg8[%get3A] {strides = array<i32>} : memref<128xi32, #tpu.memory_space<vmem>>, vector<16xi32>,
      %get3A_44 = vector.shape_cast %get3A_43 : vector<16xi32> to vector<16xi32>
      %add3A_45 = vector.broadcast %mul3A_25 : i32 to vector<16xi32>
      %add3A_46 = arith.addi %get3A_44, %add3A_45 : vector<16xi32>
      %swap3A = arith.constant 0 : index
      %swap3A_47 = tpu.vector_load %arg8[%swap3A] {strides = array<i32>} : memref<128xi32, #tpu.memory_space<vmem>>, vector<16xi32>,
      %swap3A_48 = vector.shape_cast %swap3A_47 : vector<16xi32> to vector<16xi32>
      %swap3A_49 = vector.shape_cast %add3A_46 : vector<16xi32> to vector<16xi32>
      tpu.vector_store %arg8[%swap3A], %swap3A_49 {strides = array<i32>} : memref<128xi32, #tpu.memory_space<vmem>>, vector<16xi32>,
      %get3A_50 = arith.constant 0 : index
      %get3A_51 = tpu.vector_load %arg7[%get3A_50] {strides = array<i32>} : memref<128xi32, #tpu.memory_space<vmem>>, vector<16xi32>,
      %get3A_52 = vector.shape_cast %get3A_51 : vector<16xi32> to vector<16xi32>
      %add3A_53 = vector.broadcast %mul3A_25 : i32 to vector<16xi32>
      %add3A_54 = arith.addi %get3A_52, %add3A_53 : vector<16xi32>
      %swap3A_55 = arith.constant 0 : index
      %swap3A_56 = tpu.vector_load %arg9[%swap3A_55] {strides = array<i32>} : memref<128xi32, #tpu.memory_space<vmem>>, vector<16xi32>,
      %swap3A_57 = vector.shape_cast %swap3A_56 : vector<16xi32> to vector<16xi32>
      %swap3A_58 = vector.shape_cast %add3A_54 : vector<16xi32> to vector<16xi32>
      tpu.vector_store %arg9[%swap3A_55], %swap3A_58 {strides = array<i32>} : memref<128xi32, #tpu.memory_space<vmem>>, vector<16xi32>,
      %get3A_59 = arith.constant 16 : index
      %get3A_60 = tpu.vector_load %arg8[%get3A_59] {strides = array<i32>} : memref<128xi32, #tpu.memory_space<vmem>>, vector<16xi32>,
      %get3A_61 = vector.shape_cast %get3A_60 : vector<16xi32> to vector<16xi32>
      %add3A_62 = vector.broadcast %mul3A_25 : i32 to vector<16xi32>
      %add3A_63 = arith.addi %get3A_61, %add3A_62 : vector<16xi32>
      %swap3A_64 = arith.constant 16 : index
      %swap3A_65 = tpu.vector_load %arg8[%swap3A_64] {strides = array<i32>} : memref<128xi32, #tpu.memory_space<vmem>>, vector<16xi32>,
      %swap3A_66 = vector.shape_cast %swap3A_65 : vector<16xi32> to vector<16xi32>
      %swap3A_67 = vector.shape_cast %add3A_63 : vector<16xi32> to vector<16xi32>
      tpu.vector_store %arg8[%swap3A_64], %swap3A_67 {strides = array<i32>} : memref<128xi32, #tpu.memory_space<vmem>>, vector<16xi32>,
      %get3A_68 = arith.constant 16 : index
      %get3A_69 = tpu.vector_load %arg7[%get3A_68] {strides = array<i32>} : memref<128xi32, #tpu.memory_space<vmem>>, vector<16xi32>,
      %get3A_70 = vector.shape_cast %get3A_69 : vector<16xi32> to vector<16xi32>
      %add3A_71 = vector.broadcast %mul3A_25 : i32 to vector<16xi32>
      %add3A_72 = arith.addi %get3A_70, %add3A_71 : vector<16xi32>
      %swap3A_73 = arith.constant 16 : index
      %swap3A_74 = tpu.vector_load %arg9[%swap3A_73] {strides = array<i32>} : memref<128xi32, #tpu.memory_space<vmem>>, vector<16xi32>,
      %swap3A_75 = vector.shape_cast %swap3A_74 : vector<16xi32> to vector<16xi32>
      %swap3A_76 = vector.shape_cast %add3A_72 : vector<16xi32> to vector<16xi32>
      tpu.vector_store %arg9[%swap3A_73], %swap3A_76 {strides = array<i32>} : memref<128xi32, #tpu.memory_space<vmem>>, vector<16xi32>,
      %get3A_77 = arith.constant 32 : index
      %get3A_78 = tpu.vector_load %arg8[%get3A_77] {strides = array<i32>} : memref<128xi32, #tpu.memory_space<vmem>>, vector<16xi32>,
      %get3A_79 = vector.shape_cast %get3A_78 : vector<16xi32> to vector<16xi32>
      %add3A_80 = vector.broadcast %mul3A_25 : i32 to vector<16xi32>
      %add3A_81 = arith.addi %get3A_79, %add3A_80 : vector<16xi32>
      %swap3A_82 = arith.constant 32 : index
      %swap3A_83 = tpu.vector_load %arg8[%swap3A_82] {strides = array<i32>} : memref<128xi32, #tpu.memory_space<vmem>>, vector<16xi32>,
      %swap3A_84 = vector.shape_cast %swap3A_83 : vector<16xi32> to vector<16xi32>
      %swap3A_85 = vector.shape_cast %add3A_81 : vector<16xi32> to vector<16xi32>
      tpu.vector_store %arg8[%swap3A_82], %swap3A_85 {strides = array<i32>} : memref<128xi32, #tpu.memory_space<vmem>>, vector<16xi32>,
      %get3A_86 = arith.constant 32 : index
      %get3A_87 = tpu.vector_load %arg7[%get3A_86] {strides = array<i32>} : memref<128xi32, #tpu.memory_space<vmem>>, vector<16xi32>,
      %get3A_88 = vector.shape_cast %get3A_87 : vector<16xi32> to vector<16xi32>
      %add3A_89 = vector.broadcast %mul3A_25 : i32 to vector<16xi32>
      %add3A_90 = arith.addi %get3A_88, %add3A_89 : vector<16xi32>
      %swap3A_91 = arith.constant 32 : index
      %swap3A_92 = tpu.vector_load %arg9[%swap3A_91] {strides = array<i32>} : memref<128xi32, #tpu.memory_space<vmem>>, vector<16xi32>,
      %swap3A_93 = vector.shape_cast %swap3A_92 : vector<16xi32> to vector<16xi32>
      %swap3A_94 = vector.shape_cast %add3A_90 : vector<16xi32> to vector<16xi32>
      tpu.vector_store %arg9[%swap3A_91], %swap3A_94 {strides = array<i32>} : memref<128xi32, #tpu.memory_space<vmem>>, vector<16xi32>,
      %get3A_95 = arith.constant 48 : index
      %get3A_96 = tpu.vector_load %arg8[%get3A_95] {strides = array<i32>} : memref<128xi32, #tpu.memory_space<vmem>>, vector<16xi32>,
      %get3A_97 = vector.shape_cast %get3A_96 : vector<16xi32> to vector<16xi32>
      %add3A_98 = vector.broadcast %mul3A_25 : i32 to vector<16xi32>
      %add3A_99 = arith.addi %get3A_97, %add3A_98 : vector<16xi32>
      %swap3A_100 = arith.constant 48 : index
      %swap3A_101 = tpu.vector_load %arg8[%swap3A_100] {strides = array<i32>} : memref<128xi32, #tpu.memory_space<vmem>>, vector<16xi32>,
      %swap3A_102 = vector.shape_cast %swap3A_101 : vector<16xi32> to vector<16xi32>
      %swap3A_103 = vector.shape_cast %add3A_99 : vector<16xi32> to vector<16xi32>
      tpu.vector_store %arg8[%swap3A_100], %swap3A_103 {strides = array<i32>} : memref<128xi32, #tpu.memory_space<vmem>>, vector<16xi32>,
      %get3A_104 = arith.constant 48 : index
      %get3A_105 = tpu.vector_load %arg7[%get3A_104] {strides = array<i32>} : memref<128xi32, #tpu.memory_space<vmem>>, vector<16xi32>,
      %get3A_106 = vector.shape_cast %get3A_105 : vector<16xi32> to vector<16xi32>
      %add3A_107 = vector.broadcast %mul3A_25 : i32 to vector<16xi32>
      %add3A_108 = arith.addi %get3A_106, %add3A_107 : vector<16xi32>
      %swap3A_109 = arith.constant 48 : index
      %swap3A_110 = tpu.vector_load %arg9[%swap3A_109] {strides = array<i32>} : memref<128xi32, #tpu.memory_space<vmem>>, vector<16xi32>,
      %swap3A_111 = vector.shape_cast %swap3A_110 : vector<16xi32> to vector<16xi32>
      %swap3A_112 = vector.shape_cast %add3A_108 : vector<16xi32> to vector<16xi32>
      tpu.vector_store %arg9[%swap3A_109], %swap3A_112 {strides = array<i32>} : memref<128xi32, #tpu.memory_space<vmem>>, vector<16xi32>,
      %get3A_113 = arith.constant 64 : index
      %get3A_114 = tpu.vector_load %arg8[%get3A_113] {strides = array<i32>} : memref<128xi32, #tpu.memory_space<vmem>>, vector<16xi32>,
      %get3A_115 = vector.shape_cast %get3A_114 : vector<16xi32> to vector<16xi32>
      %add3A_116 = vector.broadcast %mul3A_25 : i32 to vector<16xi32>
      %add3A_117 = arith.addi %get3A_115, %add3A_116 : vector<16xi32>
      %swap3A_118 = arith.constant 64 : index
      %swap3A_119 = tpu.vector_load %arg8[%swap3A_118] {strides = array<i32>} : memref<128xi32, #tpu.memory_space<vmem>>, vector<16xi32>,
      %swap3A_120 = vector.shape_cast %swap3A_119 : vector<16xi32> to vector<16xi32>
      %swap3A_121 = vector.shape_cast %add3A_117 : vector<16xi32> to vector<16xi32>
      tpu.vector_store %arg8[%swap3A_118], %swap3A_121 {strides = array<i32>} : memref<128xi32, #tpu.memory_space<vmem>>, vector<16xi32>,
      %get3A_122 = arith.constant 64 : index
      %get3A_123 = tpu.vector_load %arg7[%get3A_122] {strides = array<i32>} : memref<128xi32, #tpu.memory_space<vmem>>, vector<16xi32>,
      %get3A_124 = vector.shape_cast %get3A_123 : vector<16xi32> to vector<16xi32>
      %add3A_125 = vector.broadcast %mul3A_25 : i32 to vector<16xi32>
      %add3A_126 = arith.addi %get3A_124, %add3A_125 : vector<16xi32>
      %swap3A_127 = arith.constant 64 : index
      %swap3A_128 = tpu.vector_load %arg9[%swap3A_127] {strides = array<i32>} : memref<128xi32, #tpu.memory_space<vmem>>, vector<16xi32>,
      %swap3A_129 = vector.shape_cast %swap3A_128 : vector<16xi32> to vector<16xi32>
      %swap3A_130 = vector.shape_cast %add3A_126 : vector<16xi32> to vector<16xi32>
      tpu.vector_store %arg9[%swap3A_127], %swap3A_130 {strides = array<i32>} : memref<128xi32, #tpu.memory_space<vmem>>, vector<16xi32>,
      %get3A_131 = arith.constant 80 : index
      %get3A_132 = tpu.vector_load %arg8[%get3A_131] {strides = array<i32>} : memref<128xi32, #tpu.memory_space<vmem>>, vector<16xi32>,
      %get3A_133 = vector.shape_cast %get3A_132 : vector<16xi32> to vector<16xi32>
      %add3A_134 = vector.broadcast %mul3A_25 : i32 to vector<16xi32>
      %add3A_135 = arith.addi %get3A_133, %add3A_134 : vector<16xi32>
      %swap3A_136 = arith.constant 80 : index
      %swap3A_137 = tpu.vector_load %arg8[%swap3A_136] {strides = array<i32>} : memref<128xi32, #tpu.memory_space<vmem>>, vector<16xi32>,
      %swap3A_138 = vector.shape_cast %swap3A_137 : vector<16xi32> to vector<16xi32>
      %swap3A_139 = vector.shape_cast %add3A_135 : vector<16xi32> to vector<16xi32>
      tpu.vector_store %arg8[%swap3A_136], %swap3A_139 {strides = array<i32>} : memref<128xi32, #tpu.memory_space<vmem>>, vector<16xi32>,
      %get3A_140 = arith.constant 80 : index
      %get3A_141 = tpu.vector_load %arg7[%get3A_140] {strides = array<i32>} : memref<128xi32, #tpu.memory_space<vmem>>, vector<16xi32>,
      %get3A_142 = vector.shape_cast %get3A_141 : vector<16xi32> to vector<16xi32>
      %add3A_143 = vector.broadcast %mul3A_25 : i32 to vector<16xi32>
      %add3A_144 = arith.addi %get3A_142, %add3A_143 : vector<16xi32>
      %swap3A_145 = arith.constant 80 : index
      %swap3A_146 = tpu.vector_load %arg9[%swap3A_145] {strides = array<i32>} : memref<128xi32, #tpu.memory_space<vmem>>, vector<16xi32>,
      %swap3A_147 = vector.shape_cast %swap3A_146 : vector<16xi32> to vector<16xi32>
      %swap3A_148 = vector.shape_cast %add3A_144 : vector<16xi32> to vector<16xi32>
      tpu.vector_store %arg9[%swap3A_145], %swap3A_148 {strides = array<i32>} : memref<128xi32, #tpu.memory_space<vmem>>, vector<16xi32>,
      %get3A_149 = arith.constant 96 : index
      %get3A_150 = tpu.vector_load %arg8[%get3A_149] {strides = array<i32>} : memref<128xi32, #tpu.memory_space<vmem>>, vector<16xi32>,
      %get3A_151 = vector.shape_cast %get3A_150 : vector<16xi32> to vector<16xi32>
      %add3A_152 = vector.broadcast %mul3A_25 : i32 to vector<16xi32>
      %add3A_153 = arith.addi %get3A_151, %add3A_152 : vector<16xi32>
      %swap3A_154 = arith.constant 96 : index
      %swap3A_155 = tpu.vector_load %arg8[%swap3A_154] {strides = array<i32>} : memref<128xi32, #tpu.memory_space<vmem>>, vector<16xi32>,
      %swap3A_156 = vector.shape_cast %swap3A_155 : vector<16xi32> to vector<16xi32>
      %swap3A_157 = vector.shape_cast %add3A_153 : vector<16xi32> to vector<16xi32>
      tpu.vector_store %arg8[%swap3A_154], %swap3A_157 {strides = array<i32>} : memref<128xi32, #tpu.memory_space<vmem>>, vector<16xi32>,
      %get3A_158 = arith.constant 96 : index
      %get3A_159 = tpu.vector_load %arg7[%get3A_158] {strides = array<i32>} : memref<128xi32, #tpu.memory_space<vmem>>, vector<16xi32>,
      %get3A_160 = vector.shape_cast %get3A_159 : vector<16xi32> to vector<16xi32>
      %add3A_161 = vector.broadcast %mul3A_25 : i32 to vector<16xi32>
      %add3A_162 = arith.addi %get3A_160, %add3A_161 : vector<16xi32>
      %swap3A_163 = arith.constant 96 : index
      %swap3A_164 = tpu.vector_load %arg9[%swap3A_163] {strides = array<i32>} : memref<128xi32, #tpu.memory_space<vmem>>, vector<16xi32>,
      %swap3A_165 = vector.shape_cast %swap3A_164 : vector<16xi32> to vector<16xi32>
      %swap3A_166 = vector.shape_cast %add3A_162 : vector<16xi32> to vector<16xi32>
      tpu.vector_store %arg9[%swap3A_163], %swap3A_166 {strides = array<i32>} : memref<128xi32, #tpu.memory_space<vmem>>, vector<16xi32>,
      %get3A_167 = arith.constant 112 : index
      %get3A_168 = tpu.vector_load %arg8[%get3A_167] {strides = array<i32>} : memref<128xi32, #tpu.memory_space<vmem>>, vector<16xi32>,
      %get3A_169 = vector.shape_cast %get3A_168 : vector<16xi32> to vector<16xi32>
      %add3A_170 = vector.broadcast %mul3A_25 : i32 to vector<16xi32>
      %add3A_171 = arith.addi %get3A_169, %add3A_170 : vector<16xi32>
      %swap3A_172 = arith.constant 112 : index
      %swap3A_173 = tpu.vector_load %arg8[%swap3A_172] {strides = array<i32>} : memref<128xi32, #tpu.memory_space<vmem>>, vector<16xi32>,
      %swap3A_174 = vector.shape_cast %swap3A_173 : vector<16xi32> to vector<16xi32>
      %swap3A_175 = vector.shape_cast %add3A_171 : vector<16xi32> to vector<16xi32>
      tpu.vector_store %arg8[%swap3A_172], %swap3A_175 {strides = array<i32>} : memref<128xi32, #tpu.memory_space<vmem>>, vector<16xi32>,
      %get3A_176 = arith.constant 112 : index
      %get3A_177 = tpu.vector_load %arg7[%get3A_176] {strides = array<i32>} : memref<128xi32, #tpu.memory_space<vmem>>, vector<16xi32>,
      %get3A_178 = vector.shape_cast %get3A_177 : vector<16xi32> to vector<16xi32>
      %add3A_179 = vector.broadcast %mul3A_25 : i32 to vector<16xi32>
      %add3A_180 = arith.addi %get3A_178, %add3A_179 : vector<16xi32>
      %swap3A_181 = arith.constant 112 : index
      %swap3A_182 = tpu.vector_load %arg9[%swap3A_181] {strides = array<i32>} : memref<128xi32, #tpu.memory_space<vmem>>, vector<16xi32>,
      %swap3A_183 = vector.shape_cast %swap3A_182 : vector<16xi32> to vector<16xi32>
      %swap3A_184 = vector.shape_cast %add3A_180 : vector<16xi32> to vector<16xi32>
      tpu.vector_store %arg9[%swap3A_181], %swap3A_184 {strides = array<i32>} : memref<128xi32, #tpu.memory_space<vmem>>, vector<16xi32>,
      %dma_start3A = arith.constant 0 : i32
      %dma_start3A_185 = arith.constant 0 : i32
      %dma_start3A_186 = tpu.memref_slice %arg4[%dma_start3A, %dma_start3A_185] : memref<20480x128xf32, #tpu.memory_space<hbm>> -> memref<20480x128xf32, #tpu.memory_space<hbm>>
      tpu.enqueue_indirect_dma source(%dma_start3A_186 : memref<20480x128xf32, #tpu.memory_space<hbm>>) target(%arg10 : memref<128x128xf32, #tpu.memory_space<vmem>>) offsets(%arg8 : memref<128xi32, #tpu.memory_space<vmem>>) semaphore(%arg13 : memref<!tpu.dma_semaphore, #tpu.memory_space<semaphore_mem>>)
      %dma_start3A_187 = arith.constant 0 : i32
      %dma_start3A_188 = arith.constant 0 : i32
      %dma_start3A_189 = tpu.memref_slice %arg5[%dma_start3A_187, %dma_start3A_188] : memref<20480x128xf32, #tpu.memory_space<hbm>> -> memref<20480x128xf32, #tpu.memory_space<hbm>>
      tpu.enqueue_indirect_dma source(%dma_start3A_189 : memref<20480x128xf32, #tpu.memory_space<hbm>>) target(%arg11 : memref<128x128xf32, #tpu.memory_space<vmem>>) offsets(%arg9 : memref<128xi32, #tpu.memory_space<vmem>>) semaphore(%arg14 : memref<!tpu.dma_semaphore, #tpu.memory_space<semaphore_mem>>)
      %dma_wait3A = arith.constant 0 : i32
      %dma_wait3A_190 = arith.constant 0 : i32
      %dma_wait3A_191 = tpu.memref_slice %arg4[%dma_wait3A, %dma_wait3A_190] : memref<20480x128xf32, #tpu.memory_space<hbm>> -> memref<20480x128xf32, #tpu.memory_space<hbm>>
      tpu.wait_indirect_dma semaphore(%arg13 : memref<!tpu.dma_semaphore, #tpu.memory_space<semaphore_mem>>) src(%dma_wait3A_191 : memref<20480x128xf32, #tpu.memory_space<hbm>>) dst(%arg10 : memref<128x128xf32, #tpu.memory_space<vmem>>)
      %dma_wait3A_192 = arith.constant 0 : i32
      %dma_wait3A_193 = arith.constant 0 : i32
      %dma_wait3A_194 = tpu.memref_slice %arg5[%dma_wait3A_192, %dma_wait3A_193] : memref<20480x128xf32, #tpu.memory_space<hbm>> -> memref<20480x128xf32, #tpu.memory_space<hbm>>
      tpu.wait_indirect_dma semaphore(%arg14 : memref<!tpu.dma_semaphore, #tpu.memory_space<semaphore_mem>>) src(%dma_wait3A_194 : memref<20480x128xf32, #tpu.memory_space<hbm>>) dst(%arg11 : memref<128x128xf32, #tpu.memory_space<vmem>>)
      %scan3A_195 = arith.constant 0 : i32
      %scan3A_196 = arith.constant 0 : i32
      %scan3A_197 = arith.constant 128 : i32
      %scan3A_198 = arith.addi %scan3A_196, %scan3A_197 : i32
      %scan3A_199 = arith.constant 1 : i32
      scf.for %scan3A_201 = %scan3A_196 to %scan3A_198 step %scan3A_199  : i32 {
        %get3A_202 = arith.index_cast %scan3A_201 : i32 to index
        %get3A_203 = arith.constant 0 : index
        %get3A_204 = tpu.vector_load %arg10[%get3A_202, %get3A_203] {strides = array<i32>} : memref<128x128xf32, #tpu.memory_space<vmem>>, vector<1x16xf32>,
        %get3A_205 = vector.shape_cast %get3A_204 : vector<1x16xf32> to vector<16xf32>
        %get3A_206 = arith.index_cast %scan3A_201 : i32 to index
        %get3A_207 = arith.constant 0 : index
        %get3A_208 = tpu.vector_load %arg11[%get3A_206, %get3A_207] {strides = array<i32>} : memref<128x128xf32, #tpu.memory_space<vmem>>, vector<1x16xf32>,
        %get3A_209 = vector.shape_cast %get3A_208 : vector<1x16xf32> to vector<16xf32>
        %add3A_210 = arith.addf %get3A_205, %get3A_209 : vector<16xf32>
        %max3A = arith.constant 0.000000e+00 : f32
        %max3A_211 = vector.broadcast %max3A : f32 to vector<16xf32>
        %max3A_212 = arith.maximumf %add3A_210, %max3A_211 : vector<16xf32>
        %swap3A_213 = arith.index_cast %scan3A_201 : i32 to index
        %swap3A_214 = arith.constant 0 : index
        %swap3A_215 = tpu.vector_load %arg10[%swap3A_213, %swap3A_214] {strides = array<i32>} : memref<128x128xf32, #tpu.memory_space<vmem>>, vector<1x16xf32>,
        %swap3A_216 = vector.shape_cast %swap3A_215 : vector<1x16xf32> to vector<16xf32>
        %swap3A_217 = vector.shape_cast %max3A_212 : vector<16xf32> to vector<1x16xf32>
        tpu.vector_store %arg10[%swap3A_213, %swap3A_214], %swap3A_217 {strides = array<i32>} : memref<128x128xf32, #tpu.memory_space<vmem>>, vector<1x16xf32>,
        %get3A_218 = arith.index_cast %scan3A_201 : i32 to index
        %get3A_219 = arith.constant 16 : index
        %get3A_220 = tpu.vector_load %arg10[%get3A_218, %get3A_219] {strides = array<i32>} : memref<128x128xf32, #tpu.memory_space<vmem>>, vector<1x16xf32>,
        %get3A_221 = vector.shape_cast %get3A_220 : vector<1x16xf32> to vector<16xf32>
        %get3A_222 = arith.index_cast %scan3A_201 : i32 to index
        %get3A_223 = arith.constant 16 : index
        %get3A_224 = tpu.vector_load %arg11[%get3A_222, %get3A_223] {strides = array<i32>} : memref<128x128xf32, #tpu.memory_space<vmem>>, vector<1x16xf32>,
        %get3A_225 = vector.shape_cast %get3A_224 : vector<1x16xf32> to vector<16xf32>
        %add3A_226 = arith.addf %get3A_221, %get3A_225 : vector<16xf32>
        %max3A_227 = arith.constant 0.000000e+00 : f32
        %max3A_228 = vector.broadcast %max3A_227 : f32 to vector<16xf32>
        %max3A_229 = arith.maximumf %add3A_226, %max3A_228 : vector<16xf32>
        %swap3A_230 = arith.index_cast %scan3A_201 : i32 to index
        %swap3A_231 = arith.constant 16 : index
        %swap3A_232 = tpu.vector_load %arg10[%swap3A_230, %swap3A_231] {strides = array<i32>} : memref<128x128xf32, #tpu.memory_space<vmem>>, vector<1x16xf32>,
        %swap3A_233 = vector.shape_cast %swap3A_232 : vector<1x16xf32> to vector<16xf32>
        %swap3A_234 = vector.shape_cast %max3A_229 : vector<16xf32> to vector<1x16xf32>
        tpu.vector_store %arg10[%swap3A_230, %swap3A_231], %swap3A_234 {strides = array<i32>} : memref<128x128xf32, #tpu.memory_space<vmem>>, vector<1x16xf32>,
        %get3A_235 = arith.index_cast %scan3A_201 : i32 to index
        %get3A_236 = arith.constant 32 : index
        %get3A_237 = tpu.vector_load %arg10[%get3A_235, %get3A_236] {strides = array<i32>} : memref<128x128xf32, #tpu.memory_space<vmem>>, vector<1x16xf32>,
        %get3A_238 = vector.shape_cast %get3A_237 : vector<1x16xf32> to vector<16xf32>
        %get3A_239 = arith.index_cast %scan3A_201 : i32 to index
        %get3A_240 = arith.constant 32 : index
        %get3A_241 = tpu.vector_load %arg11[%get3A_239, %get3A_240] {strides = array<i32>} : memref<128x128xf32, #tpu.memory_space<vmem>>, vector<1x16xf32>,
        %get3A_242 = vector.shape_cast %get3A_241 : vector<1x16xf32> to vector<16xf32>
        %add3A_243 = arith.addf %get3A_238, %get3A_242 : vector<16xf32>
        %max3A_244 = arith.constant 0.000000e+00 : f32
        %max3A_245 = vector.broadcast %max3A_244 : f32 to vector<16xf32>
        %max3A_246 = arith.maximumf %add3A_243, %max3A_245 : vector<16xf32>
        %swap3A_247 = arith.index_cast %scan3A_201 : i32 to index
        %swap3A_248 = arith.constant 32 : index
        %swap3A_249 = tpu.vector_load %arg10[%swap3A_247, %swap3A_248] {strides = array<i32>} : memref<128x128xf32, #tpu.memory_space<vmem>>, vector<1x16xf32>,
        %swap3A_250 = vector.shape_cast %swap3A_249 : vector<1x16xf32> to vector<16xf32>
        %swap3A_251 = vector.shape_cast %max3A_246 : vector<16xf32> to vector<1x16xf32>
        tpu.vector_store %arg10[%swap3A_247, %swap3A_248], %swap3A_251 {strides = array<i32>} : memref<128x128xf32, #tpu.memory_space<vmem>>, vector<1x16xf32>,
        %get3A_252 = arith.index_cast %scan3A_201 : i32 to index
        %get3A_253 = arith.constant 48 : index
        %get3A_254 = tpu.vector_load %arg10[%get3A_252, %get3A_253] {strides = array<i32>} : memref<128x128xf32, #tpu.memory_space<vmem>>, vector<1x16xf32>,
        %get3A_255 = vector.shape_cast %get3A_254 : vector<1x16xf32> to vector<16xf32>
        %get3A_256 = arith.index_cast %scan3A_201 : i32 to index
        %get3A_257 = arith.constant 48 : index
        %get3A_258 = tpu.vector_load %arg11[%get3A_256, %get3A_257] {strides = array<i32>} : memref<128x128xf32, #tpu.memory_space<vmem>>, vector<1x16xf32>,
        %get3A_259 = vector.shape_cast %get3A_258 : vector<1x16xf32> to vector<16xf32>
        %add3A_260 = arith.addf %get3A_255, %get3A_259 : vector<16xf32>
        %max3A_261 = arith.constant 0.000000e+00 : f32
        %max3A_262 = vector.broadcast %max3A_261 : f32 to vector<16xf32>
        %max3A_263 = arith.maximumf %add3A_260, %max3A_262 : vector<16xf32>
        %swap3A_264 = arith.index_cast %scan3A_201 : i32 to index
        %swap3A_265 = arith.constant 48 : index
        %swap3A_266 = tpu.vector_load %arg10[%swap3A_264, %swap3A_265] {strides = array<i32>} : memref<128x128xf32, #tpu.memory_space<vmem>>, vector<1x16xf32>,
        %swap3A_267 = vector.shape_cast %swap3A_266 : vector<1x16xf32> to vector<16xf32>
        %swap3A_268 = vector.shape_cast %max3A_263 : vector<16xf32> to vector<1x16xf32>
        tpu.vector_store %arg10[%swap3A_264, %swap3A_265], %swap3A_268 {strides = array<i32>} : memref<128x128xf32, #tpu.memory_space<vmem>>, vector<1x16xf32>,
        %get3A_269 = arith.index_cast %scan3A_201 : i32 to index
        %get3A_270 = arith.constant 64 : index
        %get3A_271 = tpu.vector_load %arg10[%get3A_269, %get3A_270] {strides = array<i32>} : memref<128x128xf32, #tpu.memory_space<vmem>>, vector<1x16xf32>,
        %get3A_272 = vector.shape_cast %get3A_271 : vector<1x16xf32> to vector<16xf32>
        %get3A_273 = arith.index_cast %scan3A_201 : i32 to index
        %get3A_274 = arith.constant 64 : index
        %get3A_275 = tpu.vector_load %arg11[%get3A_273, %get3A_274] {strides = array<i32>} : memref<128x128xf32, #tpu.memory_space<vmem>>, vector<1x16xf32>,
        %get3A_276 = vector.shape_cast %get3A_275 : vector<1x16xf32> to vector<16xf32>
        %add3A_277 = arith.addf %get3A_272, %get3A_276 : vector<16xf32>
        %max3A_278 = arith.constant 0.000000e+00 : f32
        %max3A_279 = vector.broadcast %max3A_278 : f32 to vector<16xf32>
        %max3A_280 = arith.maximumf %add3A_277, %max3A_279 : vector<16xf32>
        %swap3A_281 = arith.index_cast %scan3A_201 : i32 to index
        %swap3A_282 = arith.constant 64 : index
        %swap3A_283 = tpu.vector_load %arg10[%swap3A_281, %swap3A_282] {strides = array<i32>} : memref<128x128xf32, #tpu.memory_space<vmem>>, vector<1x16xf32>,
        %swap3A_284 = vector.shape_cast %swap3A_283 : vector<1x16xf32> to vector<16xf32>
        %swap3A_285 = vector.shape_cast %max3A_280 : vector<16xf32> to vector<1x16xf32>
        tpu.vector_store %arg10[%swap3A_281, %swap3A_282], %swap3A_285 {strides = array<i32>} : memref<128x128xf32, #tpu.memory_space<vmem>>, vector<1x16xf32>,
        %get3A_286 = arith.index_cast %scan3A_201 : i32 to index
        %get3A_287 = arith.constant 80 : index
        %get3A_288 = tpu.vector_load %arg10[%get3A_286, %get3A_287] {strides = array<i32>} : memref<128x128xf32, #tpu.memory_space<vmem>>, vector<1x16xf32>,
        %get3A_289 = vector.shape_cast %get3A_288 : vector<1x16xf32> to vector<16xf32>
        %get3A_290 = arith.index_cast %scan3A_201 : i32 to index
        %get3A_291 = arith.constant 80 : index
        %get3A_292 = tpu.vector_load %arg11[%get3A_290, %get3A_291] {strides = array<i32>} : memref<128x128xf32, #tpu.memory_space<vmem>>, vector<1x16xf32>,
        %get3A_293 = vector.shape_cast %get3A_292 : vector<1x16xf32> to vector<16xf32>
        %add3A_294 = arith.addf %get3A_289, %get3A_293 : vector<16xf32>
        %max3A_295 = arith.constant 0.000000e+00 : f32
        %max3A_296 = vector.broadcast %max3A_295 : f32 to vector<16xf32>
        %max3A_297 = arith.maximumf %add3A_294, %max3A_296 : vector<16xf32>
        %swap3A_298 = arith.index_cast %scan3A_201 : i32 to index
        %swap3A_299 = arith.constant 80 : index
        %swap3A_300 = tpu.vector_load %arg10[%swap3A_298, %swap3A_299] {strides = array<i32>} : memref<128x128xf32, #tpu.memory_space<vmem>>, vector<1x16xf32>,
        %swap3A_301 = vector.shape_cast %swap3A_300 : vector<1x16xf32> to vector<16xf32>
        %swap3A_302 = vector.shape_cast %max3A_297 : vector<16xf32> to vector<1x16xf32>
        tpu.vector_store %arg10[%swap3A_298, %swap3A_299], %swap3A_302 {strides = array<i32>} : memref<128x128xf32, #tpu.memory_space<vmem>>, vector<1x16xf32>,
        %get3A_303 = arith.index_cast %scan3A_201 : i32 to index
        %get3A_304 = arith.constant 96 : index
        %get3A_305 = tpu.vector_load %arg10[%get3A_303, %get3A_304] {strides = array<i32>} : memref<128x128xf32, #tpu.memory_space<vmem>>, vector<1x16xf32>,
        %get3A_306 = vector.shape_cast %get3A_305 : vector<1x16xf32> to vector<16xf32>
        %get3A_307 = arith.index_cast %scan3A_201 : i32 to index
        %get3A_308 = arith.constant 96 : index
        %get3A_309 = tpu.vector_load %arg11[%get3A_307, %get3A_308] {strides = array<i32>} : memref<128x128xf32, #tpu.memory_space<vmem>>, vector<1x16xf32>,
        %get3A_310 = vector.shape_cast %get3A_309 : vector<1x16xf32> to vector<16xf32>
        %add3A_311 = arith.addf %get3A_306, %get3A_310 : vector<16xf32>
        %max3A_312 = arith.constant 0.000000e+00 : f32
        %max3A_313 = vector.broadcast %max3A_312 : f32 to vector<16xf32>
        %max3A_314 = arith.maximumf %add3A_311, %max3A_313 : vector<16xf32>
        %swap3A_315 = arith.index_cast %scan3A_201 : i32 to index
        %swap3A_316 = arith.constant 96 : index
        %swap3A_317 = tpu.vector_load %arg10[%swap3A_315, %swap3A_316] {strides = array<i32>} : memref<128x128xf32, #tpu.memory_space<vmem>>, vector<1x16xf32>,
        %swap3A_318 = vector.shape_cast %swap3A_317 : vector<1x16xf32> to vector<16xf32>
        %swap3A_319 = vector.shape_cast %max3A_314 : vector<16xf32> to vector<1x16xf32>
        tpu.vector_store %arg10[%swap3A_315, %swap3A_316], %swap3A_319 {strides = array<i32>} : memref<128x128xf32, #tpu.memory_space<vmem>>, vector<1x16xf32>,
        %get3A_320 = arith.index_cast %scan3A_201 : i32 to index
        %get3A_321 = arith.constant 112 : index
        %get3A_322 = tpu.vector_load %arg10[%get3A_320, %get3A_321] {strides = array<i32>} : memref<128x128xf32, #tpu.memory_space<vmem>>, vector<1x16xf32>,
        %get3A_323 = vector.shape_cast %get3A_322 : vector<1x16xf32> to vector<16xf32>
        %get3A_324 = arith.index_cast %scan3A_201 : i32 to index
        %get3A_325 = arith.constant 112 : index
        %get3A_326 = tpu.vector_load %arg11[%get3A_324, %get3A_325] {strides = array<i32>} : memref<128x128xf32, #tpu.memory_space<vmem>>, vector<1x16xf32>,
        %get3A_327 = vector.shape_cast %get3A_326 : vector<1x16xf32> to vector<16xf32>
        %add3A_328 = arith.addf %get3A_323, %get3A_327 : vector<16xf32>
        %max3A_329 = arith.constant 0.000000e+00 : f32
        %max3A_330 = vector.broadcast %max3A_329 : f32 to vector<16xf32>
        %max3A_331 = arith.maximumf %add3A_328, %max3A_330 : vector<16xf32>
        %swap3A_332 = arith.index_cast %scan3A_201 : i32 to index
        %swap3A_333 = arith.constant 112 : index
        %swap3A_334 = tpu.vector_load %arg10[%swap3A_332, %swap3A_333] {strides = array<i32>} : memref<128x128xf32, #tpu.memory_space<vmem>>, vector<1x16xf32>,
        %swap3A_335 = vector.shape_cast %swap3A_334 : vector<1x16xf32> to vector<16xf32>
        %swap3A_336 = vector.shape_cast %max3A_331 : vector<16xf32> to vector<1x16xf32>
        tpu.vector_store %arg10[%swap3A_332, %swap3A_333], %swap3A_336 {strides = array<i32>} : memref<128x128xf32, #tpu.memory_space<vmem>>, vector<1x16xf32>,
      }
      %scan3A_200 = arith.constant 128 : i32
      "tpu.region"() ({
        %run_scoped3A = tpu.sem_alloc : memref<!tpu.dma_semaphore, #tpu.memory_space<semaphore_mem>>
        %dma_start3A_201 = arith.constant 0 : i32
        %dma_start3A_202 = arith.constant 0 : i32
        %dma_start3A_203 = tpu.memref_slice %arg12[%dma_start3A_201, %dma_start3A_202] : memref<10240x128xf32, #tpu.memory_space<vmem_shared>> -> memref<10240x128xf32, #tpu.memory_space<vmem_shared>>
        tpu.enqueue_indirect_dma source(%arg10 : memref<128x128xf32, #tpu.memory_space<vmem>>) target(%dma_start3A_203 : memref<10240x128xf32, #tpu.memory_space<vmem_shared>>) offsets(%arg7 : memref<128xi32, #tpu.memory_space<vmem>>) semaphore(%run_scoped3A : memref<!tpu.dma_semaphore, #tpu.memory_space<semaphore_mem>>) {add = true}
        %dma_wait3A_204 = arith.constant 0 : i32
        %dma_wait3A_205 = arith.constant 0 : i32
        %dma_wait3A_206 = tpu.memref_slice %arg12[%dma_wait3A_204, %dma_wait3A_205] : memref<10240x128xf32, #tpu.memory_space<vmem_shared>> -> memref<10240x128xf32, #tpu.memory_space<vmem_shared>>
        tpu.wait_indirect_dma semaphore(%run_scoped3A : memref<!tpu.dma_semaphore, #tpu.memory_space<semaphore_mem>>) src(%arg10 : memref<128x128xf32, #tpu.memory_space<vmem>>) dst(%dma_wait3A_206 : memref<10240x128xf32, #tpu.memory_space<vmem_shared>>)
        tpu.yield
      }) : () -> ()
    }
    %scan3A_33 = arith.constant 320 : i32
    %barrier3A_34 = arith.constant 0 : index
    tpu.barrier barrier_id(%barrier3A_34)
    %mul3A_35 = arith.constant 640 : i32
    %mul3A_36 = arith.muli %arg1, %mul3A_35 : i32
    %mul3A_37 = arith.constant 640 : i32
    %mul3A_38 = arith.muli %arg1, %mul3A_37 : i32
    "tpu.region"() ({
      %run_scoped3A = tpu.sem_alloc : memref<!tpu.dma_semaphore, #tpu.memory_space<semaphore_mem>>
      %dma_start3A = arith.constant 0 : i32
      %dma_start3A_39 = tpu.memref_slice %arg6[%arg0, %mul3A_38, %dma_start3A] : memref<2x10240x128xf32, #tpu.memory_space<hbm>> -> memref<1x640x128xf32, #tpu.memory_space<hbm>>
      %dma_start3A_40 = tpu.memref_squeeze %dma_start3A_39 : memref<1x640x128xf32, #tpu.memory_space<hbm>> -> memref<640x128xf32, #tpu.memory_space<hbm>>
      %dma_start3A_41 = arith.constant 0 : i32
      %dma_start3A_42 = tpu.memref_slice %arg12[%mul3A_36, %dma_start3A_41] : memref<10240x128xf32, #tpu.memory_space<vmem_shared>> -> memref<640x128xf32, #tpu.memory_space<vmem_shared>>
      tpu.enqueue_dma source(%dma_start3A_42 : memref<640x128xf32, #tpu.memory_space<vmem_shared>>) target(%dma_start3A_40 : memref<640x128xf32, #tpu.memory_space<hbm>>) target_semaphore(%run_scoped3A : memref<!tpu.dma_semaphore, #tpu.memory_space<semaphore_mem>>)
      %dma_wait3A = arith.constant 0 : i32
      %dma_wait3A_43 = tpu.memref_slice %arg6[%arg0, %mul3A_38, %dma_wait3A] : memref<2x10240x128xf32, #tpu.memory_space<hbm>> -> memref<1x640x128xf32, #tpu.memory_space<hbm>>
      %dma_wait3A_44 = tpu.memref_squeeze %dma_wait3A_43 : memref<1x640x128xf32, #tpu.memory_space<hbm>> -> memref<640x128xf32, #tpu.memory_space<hbm>>
      %dma_wait3A_45 = arith.constant 0 : i32
      %dma_wait3A_46 = tpu.memref_slice %arg12[%mul3A_36, %dma_wait3A_45] : memref<10240x128xf32, #tpu.memory_space<vmem_shared>> -> memref<640x128xf32, #tpu.memory_space<vmem_shared>>
      tpu.wait_dma2 semaphore(%run_scoped3A : memref<!tpu.dma_semaphore, #tpu.memory_space<semaphore_mem>>) src(%dma_wait3A_46 : memref<640x128xf32, #tpu.memory_space<vmem_shared>>) dst(%dma_wait3A_44 : memref<640x128xf32, #tpu.memory_space<hbm>>)
      tpu.yield
    }) : () -> ()
    return
  }
}

#map = affine_map<(d0, d1) -> (0, 0)>
#map1 = affine_map<(d0, d1) -> (0, 0, 0)>
module attributes {stable_mosaic.version = 14 : i64} {
  func.func @_deg_body(%arg0: i32, %arg1: i32, %arg2: memref<10240x64xi32, #tpu.memory_space<hbm>>, %arg3: memref<2x10240x128xf32, #tpu.memory_space<hbm>>, %arg4: memref<8x64xi32, #tpu.memory_space<vmem>>, %arg5: memref<64x128xf32, #tpu.memory_space<vmem>>, %arg6: memref<10240x128xf32, #tpu.memory_space<vmem_shared>>) attributes {dimension_semantics = [#tpu.dimension_semantics<core_parallel>, #tpu.dimension_semantics<subcore_parallel>], iteration_bounds = array<i64: 2, 16>, scalar_prefetch = 0 : i64, scratch_operands = 3 : i64, tpu.core_type = #tpu.core_type<sc_vector_subcore>, window_params = [{transform_indices = #map}, {transform_indices = #map1}]} {
    %broadcast_in_dim3A = arith.constant 0.000000e+00 : f32
    %broadcast_in_dim3A_0 = vector.broadcast %broadcast_in_dim3A : f32 to vector<16xf32>
    %broadcast_in_dim3A_1 = arith.constant 1.000000e+00 : f32
    %broadcast_in_dim3A_2 = vector.broadcast %broadcast_in_dim3A_1 : f32 to vector<16xf32>
    %scan3A = arith.constant 0 : i32
    %scan3A_3 = arith.constant 0 : i32
    %scan3A_4 = arith.constant 64 : i32
    %scan3A_5 = arith.addi %scan3A_3, %scan3A_4 : i32
    %scan3A_6 = arith.constant 1 : i32
    scf.for %scan3A_68 = %scan3A_3 to %scan3A_5 step %scan3A_6  : i32 {
      %swap3A = arith.index_cast %scan3A_68 : i32 to index
      %swap3A_69 = arith.constant 0 : index
      %swap3A_70 = tpu.vector_load %arg5[%swap3A, %swap3A_69] {strides = array<i32>} : memref<64x128xf32, #tpu.memory_space<vmem>>, vector<1x16xf32>,
      %swap3A_71 = vector.shape_cast %swap3A_70 : vector<1x16xf32> to vector<16xf32>
      %swap3A_72 = vector.shape_cast %broadcast_in_dim3A_0 : vector<16xf32> to vector<1x16xf32>
      tpu.vector_store %arg5[%swap3A, %swap3A_69], %swap3A_72 {strides = array<i32>} : memref<64x128xf32, #tpu.memory_space<vmem>>, vector<1x16xf32>,
      %swap3A_73 = arith.index_cast %scan3A_68 : i32 to index
      %swap3A_74 = arith.constant 16 : index
      %swap3A_75 = tpu.vector_load %arg5[%swap3A_73, %swap3A_74] {strides = array<i32>} : memref<64x128xf32, #tpu.memory_space<vmem>>, vector<1x16xf32>,
      %swap3A_76 = vector.shape_cast %swap3A_75 : vector<1x16xf32> to vector<16xf32>
      %swap3A_77 = vector.shape_cast %broadcast_in_dim3A_0 : vector<16xf32> to vector<1x16xf32>
      tpu.vector_store %arg5[%swap3A_73, %swap3A_74], %swap3A_77 {strides = array<i32>} : memref<64x128xf32, #tpu.memory_space<vmem>>, vector<1x16xf32>,
      %swap3A_78 = arith.index_cast %scan3A_68 : i32 to index
      %swap3A_79 = arith.constant 32 : index
      %swap3A_80 = tpu.vector_load %arg5[%swap3A_78, %swap3A_79] {strides = array<i32>} : memref<64x128xf32, #tpu.memory_space<vmem>>, vector<1x16xf32>,
      %swap3A_81 = vector.shape_cast %swap3A_80 : vector<1x16xf32> to vector<16xf32>
      %swap3A_82 = vector.shape_cast %broadcast_in_dim3A_0 : vector<16xf32> to vector<1x16xf32>
      tpu.vector_store %arg5[%swap3A_78, %swap3A_79], %swap3A_82 {strides = array<i32>} : memref<64x128xf32, #tpu.memory_space<vmem>>, vector<1x16xf32>,
      %swap3A_83 = arith.index_cast %scan3A_68 : i32 to index
      %swap3A_84 = arith.constant 48 : index
      %swap3A_85 = tpu.vector_load %arg5[%swap3A_83, %swap3A_84] {strides = array<i32>} : memref<64x128xf32, #tpu.memory_space<vmem>>, vector<1x16xf32>,
      %swap3A_86 = vector.shape_cast %swap3A_85 : vector<1x16xf32> to vector<16xf32>
      %swap3A_87 = vector.shape_cast %broadcast_in_dim3A_0 : vector<16xf32> to vector<1x16xf32>
      tpu.vector_store %arg5[%swap3A_83, %swap3A_84], %swap3A_87 {strides = array<i32>} : memref<64x128xf32, #tpu.memory_space<vmem>>, vector<1x16xf32>,
      %swap3A_88 = arith.index_cast %scan3A_68 : i32 to index
      %swap3A_89 = arith.constant 64 : index
      %swap3A_90 = tpu.vector_load %arg5[%swap3A_88, %swap3A_89] {strides = array<i32>} : memref<64x128xf32, #tpu.memory_space<vmem>>, vector<1x16xf32>,
      %swap3A_91 = vector.shape_cast %swap3A_90 : vector<1x16xf32> to vector<16xf32>
      %swap3A_92 = vector.shape_cast %broadcast_in_dim3A_0 : vector<16xf32> to vector<1x16xf32>
      tpu.vector_store %arg5[%swap3A_88, %swap3A_89], %swap3A_92 {strides = array<i32>} : memref<64x128xf32, #tpu.memory_space<vmem>>, vector<1x16xf32>,
      %swap3A_93 = arith.index_cast %scan3A_68 : i32 to index
      %swap3A_94 = arith.constant 80 : index
      %swap3A_95 = tpu.vector_load %arg5[%swap3A_93, %swap3A_94] {strides = array<i32>} : memref<64x128xf32, #tpu.memory_space<vmem>>, vector<1x16xf32>,
      %swap3A_96 = vector.shape_cast %swap3A_95 : vector<1x16xf32> to vector<16xf32>
      %swap3A_97 = vector.shape_cast %broadcast_in_dim3A_0 : vector<16xf32> to vector<1x16xf32>
      tpu.vector_store %arg5[%swap3A_93, %swap3A_94], %swap3A_97 {strides = array<i32>} : memref<64x128xf32, #tpu.memory_space<vmem>>, vector<1x16xf32>,
      %swap3A_98 = arith.index_cast %scan3A_68 : i32 to index
      %swap3A_99 = arith.constant 96 : index
      %swap3A_100 = tpu.vector_load %arg5[%swap3A_98, %swap3A_99] {strides = array<i32>} : memref<64x128xf32, #tpu.memory_space<vmem>>, vector<1x16xf32>,
      %swap3A_101 = vector.shape_cast %swap3A_100 : vector<1x16xf32> to vector<16xf32>
      %swap3A_102 = vector.shape_cast %broadcast_in_dim3A_0 : vector<16xf32> to vector<1x16xf32>
      tpu.vector_store %arg5[%swap3A_98, %swap3A_99], %swap3A_102 {strides = array<i32>} : memref<64x128xf32, #tpu.memory_space<vmem>>, vector<1x16xf32>,
      %swap3A_103 = arith.index_cast %scan3A_68 : i32 to index
      %swap3A_104 = arith.constant 112 : index
      %swap3A_105 = tpu.vector_load %arg5[%swap3A_103, %swap3A_104] {strides = array<i32>} : memref<64x128xf32, #tpu.memory_space<vmem>>, vector<1x16xf32>,
      %swap3A_106 = vector.shape_cast %swap3A_105 : vector<1x16xf32> to vector<16xf32>
      %swap3A_107 = vector.shape_cast %broadcast_in_dim3A_0 : vector<16xf32> to vector<1x16xf32>
      tpu.vector_store %arg5[%swap3A_103, %swap3A_104], %swap3A_107 {strides = array<i32>} : memref<64x128xf32, #tpu.memory_space<vmem>>, vector<1x16xf32>,
    }
    %scan3A_7 = arith.constant 64 : i32
    %mul3A = arith.constant 640 : i32
    %mul3A_8 = arith.muli %arg1, %mul3A : i32
    %add3A = arith.constant 0 : i32
    %add3A_9 = arith.addi %mul3A_8, %add3A : i32
    "tpu.region"() ({
      %run_scoped3A = tpu.sem_alloc : memref<!tpu.dma_semaphore, #tpu.memory_space<semaphore_mem>>
      %dma_start3A = arith.constant 0 : i32
      %dma_start3A_68 = tpu.memref_slice %arg6[%add3A_9, %dma_start3A] : memref<10240x128xf32, #tpu.memory_space<vmem_shared>> -> memref<64x128xf32, #tpu.memory_space<vmem_shared>>
      %dma_start3A_69 = arith.constant 0 : i32
      %dma_start3A_70 = tpu.memref_slice %arg6[%add3A_9, %dma_start3A_69] : memref<10240x128xf32, #tpu.memory_space<vmem_shared>> -> memref<64x128xf32, #tpu.memory_space<vmem_shared>>
      tpu.enqueue_dma source(%arg5 : memref<64x128xf32, #tpu.memory_space<vmem>>) target(%dma_start3A_70 : memref<64x128xf32, #tpu.memory_space<vmem_shared>>) target_semaphore(%run_scoped3A : memref<!tpu.dma_semaphore, #tpu.memory_space<semaphore_mem>>)
      %dma_wait3A = arith.constant 0 : i32
      %dma_wait3A_71 = tpu.memref_slice %arg6[%add3A_9, %dma_wait3A] : memref<10240x128xf32, #tpu.memory_space<vmem_shared>> -> memref<64x128xf32, #tpu.memory_space<vmem_shared>>
      %dma_wait3A_72 = arith.constant 0 : i32
      %dma_wait3A_73 = tpu.memref_slice %arg6[%add3A_9, %dma_wait3A_72] : memref<10240x128xf32, #tpu.memory_space<vmem_shared>> -> memref<64x128xf32, #tpu.memory_space<vmem_shared>>
      tpu.wait_dma2 semaphore(%run_scoped3A : memref<!tpu.dma_semaphore, #tpu.memory_space<semaphore_mem>>) src(%arg5 : memref<64x128xf32, #tpu.memory_space<vmem>>) dst(%dma_wait3A_73 : memref<64x128xf32, #tpu.memory_space<vmem_shared>>)
      tpu.yield
    }) : () -> ()
    %mul3A_10 = arith.constant 640 : i32
    %mul3A_11 = arith.muli %arg1, %mul3A_10 : i32
    %add3A_12 = arith.constant 64 : i32
    %add3A_13 = arith.addi %mul3A_11, %add3A_12 : i32
    "tpu.region"() ({
      %run_scoped3A = tpu.sem_alloc : memref<!tpu.dma_semaphore, #tpu.memory_space<semaphore_mem>>
      %dma_start3A = arith.constant 0 : i32
      %dma_start3A_68 = tpu.memref_slice %arg6[%add3A_13, %dma_start3A] : memref<10240x128xf32, #tpu.memory_space<vmem_shared>> -> memref<64x128xf32, #tpu.memory_space<vmem_shared>>
      %dma_start3A_69 = arith.constant 0 : i32
      %dma_start3A_70 = tpu.memref_slice %arg6[%add3A_13, %dma_start3A_69] : memref<10240x128xf32, #tpu.memory_space<vmem_shared>> -> memref<64x128xf32, #tpu.memory_space<vmem_shared>>
      tpu.enqueue_dma source(%arg5 : memref<64x128xf32, #tpu.memory_space<vmem>>) target(%dma_start3A_70 : memref<64x128xf32, #tpu.memory_space<vmem_shared>>) target_semaphore(%run_scoped3A : memref<!tpu.dma_semaphore, #tpu.memory_space<semaphore_mem>>)
      %dma_wait3A = arith.constant 0 : i32
      %dma_wait3A_71 = tpu.memref_slice %arg6[%add3A_13, %dma_wait3A] : memref<10240x128xf32, #tpu.memory_space<vmem_shared>> -> memref<64x128xf32, #tpu.memory_space<vmem_shared>>
      %dma_wait3A_72 = arith.constant 0 : i32
      %dma_wait3A_73 = tpu.memref_slice %arg6[%add3A_13, %dma_wait3A_72] : memref<10240x128xf32, #tpu.memory_space<vmem_shared>> -> memref<64x128xf32, #tpu.memory_space<vmem_shared>>
      tpu.wait_dma2 semaphore(%run_scoped3A : memref<!tpu.dma_semaphore, #tpu.memory_space<semaphore_mem>>) src(%arg5 : memref<64x128xf32, #tpu.memory_space<vmem>>) dst(%dma_wait3A_73 : memref<64x128xf32, #tpu.memory_space<vmem_shared>>)
      tpu.yield
    }) : () -> ()
    %mul3A_14 = arith.constant 640 : i32
    %mul3A_15 = arith.muli %arg1, %mul3A_14 : i32
    %add3A_16 = arith.constant 128 : i32
    %add3A_17 = arith.addi %mul3A_15, %add3A_16 : i32
    "tpu.region"() ({
      %run_scoped3A = tpu.sem_alloc : memref<!tpu.dma_semaphore, #tpu.memory_space<semaphore_mem>>
      %dma_start3A = arith.constant 0 : i32
      %dma_start3A_68 = tpu.memref_slice %arg6[%add3A_17, %dma_start3A] : memref<10240x128xf32, #tpu.memory_space<vmem_shared>> -> memref<64x128xf32, #tpu.memory_space<vmem_shared>>
      %dma_start3A_69 = arith.constant 0 : i32
      %dma_start3A_70 = tpu.memref_slice %arg6[%add3A_17, %dma_start3A_69] : memref<10240x128xf32, #tpu.memory_space<vmem_shared>> -> memref<64x128xf32, #tpu.memory_space<vmem_shared>>
      tpu.enqueue_dma source(%arg5 : memref<64x128xf32, #tpu.memory_space<vmem>>) target(%dma_start3A_70 : memref<64x128xf32, #tpu.memory_space<vmem_shared>>) target_semaphore(%run_scoped3A : memref<!tpu.dma_semaphore, #tpu.memory_space<semaphore_mem>>)
      %dma_wait3A = arith.constant 0 : i32
      %dma_wait3A_71 = tpu.memref_slice %arg6[%add3A_17, %dma_wait3A] : memref<10240x128xf32, #tpu.memory_space<vmem_shared>> -> memref<64x128xf32, #tpu.memory_space<vmem_shared>>
      %dma_wait3A_72 = arith.constant 0 : i32
      %dma_wait3A_73 = tpu.memref_slice %arg6[%add3A_17, %dma_wait3A_72] : memref<10240x128xf32, #tpu.memory_space<vmem_shared>> -> memref<64x128xf32, #tpu.memory_space<vmem_shared>>
      tpu.wait_dma2 semaphore(%run_scoped3A : memref<!tpu.dma_semaphore, #tpu.memory_space<semaphore_mem>>) src(%arg5 : memref<64x128xf32, #tpu.memory_space<vmem>>) dst(%dma_wait3A_73 : memref<64x128xf32, #tpu.memory_space<vmem_shared>>)
      tpu.yield
    }) : () -> ()
    %mul3A_18 = arith.constant 640 : i32
    %mul3A_19 = arith.muli %arg1, %mul3A_18 : i32
    %add3A_20 = arith.constant 192 : i32
    %add3A_21 = arith.addi %mul3A_19, %add3A_20 : i32
    "tpu.region"() ({
      %run_scoped3A = tpu.sem_alloc : memref<!tpu.dma_semaphore, #tpu.memory_space<semaphore_mem>>
      %dma_start3A = arith.constant 0 : i32
      %dma_start3A_68 = tpu.memref_slice %arg6[%add3A_21, %dma_start3A] : memref<10240x128xf32, #tpu.memory_space<vmem_shared>> -> memref<64x128xf32, #tpu.memory_space<vmem_shared>>
      %dma_start3A_69 = arith.constant 0 : i32
      %dma_start3A_70 = tpu.memref_slice %arg6[%add3A_21, %dma_start3A_69] : memref<10240x128xf32, #tpu.memory_space<vmem_shared>> -> memref<64x128xf32, #tpu.memory_space<vmem_shared>>
      tpu.enqueue_dma source(%arg5 : memref<64x128xf32, #tpu.memory_space<vmem>>) target(%dma_start3A_70 : memref<64x128xf32, #tpu.memory_space<vmem_shared>>) target_semaphore(%run_scoped3A : memref<!tpu.dma_semaphore, #tpu.memory_space<semaphore_mem>>)
      %dma_wait3A = arith.constant 0 : i32
      %dma_wait3A_71 = tpu.memref_slice %arg6[%add3A_21, %dma_wait3A] : memref<10240x128xf32, #tpu.memory_space<vmem_shared>> -> memref<64x128xf32, #tpu.memory_space<vmem_shared>>
      %dma_wait3A_72 = arith.constant 0 : i32
      %dma_wait3A_73 = tpu.memref_slice %arg6[%add3A_21, %dma_wait3A_72] : memref<10240x128xf32, #tpu.memory_space<vmem_shared>> -> memref<64x128xf32, #tpu.memory_space<vmem_shared>>
      tpu.wait_dma2 semaphore(%run_scoped3A : memref<!tpu.dma_semaphore, #tpu.memory_space<semaphore_mem>>) src(%arg5 : memref<64x128xf32, #tpu.memory_space<vmem>>) dst(%dma_wait3A_73 : memref<64x128xf32, #tpu.memory_space<vmem_shared>>)
      tpu.yield
    }) : () -> ()
    %mul3A_22 = arith.constant 640 : i32
    %mul3A_23 = arith.muli %arg1, %mul3A_22 : i32
    %add3A_24 = arith.constant 256 : i32
    %add3A_25 = arith.addi %mul3A_23, %add3A_24 : i32
    "tpu.region"() ({
      %run_scoped3A = tpu.sem_alloc : memref<!tpu.dma_semaphore, #tpu.memory_space<semaphore_mem>>
      %dma_start3A = arith.constant 0 : i32
      %dma_start3A_68 = tpu.memref_slice %arg6[%add3A_25, %dma_start3A] : memref<10240x128xf32, #tpu.memory_space<vmem_shared>> -> memref<64x128xf32, #tpu.memory_space<vmem_shared>>
      %dma_start3A_69 = arith.constant 0 : i32
      %dma_start3A_70 = tpu.memref_slice %arg6[%add3A_25, %dma_start3A_69] : memref<10240x128xf32, #tpu.memory_space<vmem_shared>> -> memref<64x128xf32, #tpu.memory_space<vmem_shared>>
      tpu.enqueue_dma source(%arg5 : memref<64x128xf32, #tpu.memory_space<vmem>>) target(%dma_start3A_70 : memref<64x128xf32, #tpu.memory_space<vmem_shared>>) target_semaphore(%run_scoped3A : memref<!tpu.dma_semaphore, #tpu.memory_space<semaphore_mem>>)
      %dma_wait3A = arith.constant 0 : i32
      %dma_wait3A_71 = tpu.memref_slice %arg6[%add3A_25, %dma_wait3A] : memref<10240x128xf32, #tpu.memory_space<vmem_shared>> -> memref<64x128xf32, #tpu.memory_space<vmem_shared>>
      %dma_wait3A_72 = arith.constant 0 : i32
      %dma_wait3A_73 = tpu.memref_slice %arg6[%add3A_25, %dma_wait3A_72] : memref<10240x128xf32, #tpu.memory_space<vmem_shared>> -> memref<64x128xf32, #tpu.memory_space<vmem_shared>>
      tpu.wait_dma2 semaphore(%run_scoped3A : memref<!tpu.dma_semaphore, #tpu.memory_space<semaphore_mem>>) src(%arg5 : memref<64x128xf32, #tpu.memory_space<vmem>>) dst(%dma_wait3A_73 : memref<64x128xf32, #tpu.memory_space<vmem_shared>>)
      tpu.yield
    }) : () -> ()
    %mul3A_26 = arith.constant 640 : i32
    %mul3A_27 = arith.muli %arg1, %mul3A_26 : i32
    %add3A_28 = arith.constant 320 : i32
    %add3A_29 = arith.addi %mul3A_27, %add3A_28 : i32
    "tpu.region"() ({
      %run_scoped3A = tpu.sem_alloc : memref<!tpu.dma_semaphore, #tpu.memory_space<semaphore_mem>>
      %dma_start3A = arith.constant 0 : i32
      %dma_start3A_68 = tpu.memref_slice %arg6[%add3A_29, %dma_start3A] : memref<10240x128xf32, #tpu.memory_space<vmem_shared>> -> memref<64x128xf32, #tpu.memory_space<vmem_shared>>
      %dma_start3A_69 = arith.constant 0 : i32
      %dma_start3A_70 = tpu.memref_slice %arg6[%add3A_29, %dma_start3A_69] : memref<10240x128xf32, #tpu.memory_space<vmem_shared>> -> memref<64x128xf32, #tpu.memory_space<vmem_shared>>
      tpu.enqueue_dma source(%arg5 : memref<64x128xf32, #tpu.memory_space<vmem>>) target(%dma_start3A_70 : memref<64x128xf32, #tpu.memory_space<vmem_shared>>) target_semaphore(%run_scoped3A : memref<!tpu.dma_semaphore, #tpu.memory_space<semaphore_mem>>)
      %dma_wait3A = arith.constant 0 : i32
      %dma_wait3A_71 = tpu.memref_slice %arg6[%add3A_29, %dma_wait3A] : memref<10240x128xf32, #tpu.memory_space<vmem_shared>> -> memref<64x128xf32, #tpu.memory_space<vmem_shared>>
      %dma_wait3A_72 = arith.constant 0 : i32
      %dma_wait3A_73 = tpu.memref_slice %arg6[%add3A_29, %dma_wait3A_72] : memref<10240x128xf32, #tpu.memory_space<vmem_shared>> -> memref<64x128xf32, #tpu.memory_space<vmem_shared>>
      tpu.wait_dma2 semaphore(%run_scoped3A : memref<!tpu.dma_semaphore, #tpu.memory_space<semaphore_mem>>) src(%arg5 : memref<64x128xf32, #tpu.memory_space<vmem>>) dst(%dma_wait3A_73 : memref<64x128xf32, #tpu.memory_space<vmem_shared>>)
      tpu.yield
    }) : () -> ()
    %mul3A_30 = arith.constant 640 : i32
    %mul3A_31 = arith.muli %arg1, %mul3A_30 : i32
    %add3A_32 = arith.constant 384 : i32
    %add3A_33 = arith.addi %mul3A_31, %add3A_32 : i32
    "tpu.region"() ({
      %run_scoped3A = tpu.sem_alloc : memref<!tpu.dma_semaphore, #tpu.memory_space<semaphore_mem>>
      %dma_start3A = arith.constant 0 : i32
      %dma_start3A_68 = tpu.memref_slice %arg6[%add3A_33, %dma_start3A] : memref<10240x128xf32, #tpu.memory_space<vmem_shared>> -> memref<64x128xf32, #tpu.memory_space<vmem_shared>>
      %dma_start3A_69 = arith.constant 0 : i32
      %dma_start3A_70 = tpu.memref_slice %arg6[%add3A_33, %dma_start3A_69] : memref<10240x128xf32, #tpu.memory_space<vmem_shared>> -> memref<64x128xf32, #tpu.memory_space<vmem_shared>>
      tpu.enqueue_dma source(%arg5 : memref<64x128xf32, #tpu.memory_space<vmem>>) target(%dma_start3A_70 : memref<64x128xf32, #tpu.memory_space<vmem_shared>>) target_semaphore(%run_scoped3A : memref<!tpu.dma_semaphore, #tpu.memory_space<semaphore_mem>>)
      %dma_wait3A = arith.constant 0 : i32
      %dma_wait3A_71 = tpu.memref_slice %arg6[%add3A_33, %dma_wait3A] : memref<10240x128xf32, #tpu.memory_space<vmem_shared>> -> memref<64x128xf32, #tpu.memory_space<vmem_shared>>
      %dma_wait3A_72 = arith.constant 0 : i32
      %dma_wait3A_73 = tpu.memref_slice %arg6[%add3A_33, %dma_wait3A_72] : memref<10240x128xf32, #tpu.memory_space<vmem_shared>> -> memref<64x128xf32, #tpu.memory_space<vmem_shared>>
      tpu.wait_dma2 semaphore(%run_scoped3A : memref<!tpu.dma_semaphore, #tpu.memory_space<semaphore_mem>>) src(%arg5 : memref<64x128xf32, #tpu.memory_space<vmem>>) dst(%dma_wait3A_73 : memref<64x128xf32, #tpu.memory_space<vmem_shared>>)
      tpu.yield
    }) : () -> ()
    %mul3A_34 = arith.constant 640 : i32
    %mul3A_35 = arith.muli %arg1, %mul3A_34 : i32
    %add3A_36 = arith.constant 448 : i32
    %add3A_37 = arith.addi %mul3A_35, %add3A_36 : i32
    "tpu.region"() ({
      %run_scoped3A = tpu.sem_alloc : memref<!tpu.dma_semaphore, #tpu.memory_space<semaphore_mem>>
      %dma_start3A = arith.constant 0 : i32
      %dma_start3A_68 = tpu.memref_slice %arg6[%add3A_37, %dma_start3A] : memref<10240x128xf32, #tpu.memory_space<vmem_shared>> -> memref<64x128xf32, #tpu.memory_space<vmem_shared>>
      %dma_start3A_69 = arith.constant 0 : i32
      %dma_start3A_70 = tpu.memref_slice %arg6[%add3A_37, %dma_start3A_69] : memref<10240x128xf32, #tpu.memory_space<vmem_shared>> -> memref<64x128xf32, #tpu.memory_space<vmem_shared>>
      tpu.enqueue_dma source(%arg5 : memref<64x128xf32, #tpu.memory_space<vmem>>) target(%dma_start3A_70 : memref<64x128xf32, #tpu.memory_space<vmem_shared>>) target_semaphore(%run_scoped3A : memref<!tpu.dma_semaphore, #tpu.memory_space<semaphore_mem>>)
      %dma_wait3A = arith.constant 0 : i32
      %dma_wait3A_71 = tpu.memref_slice %arg6[%add3A_37, %dma_wait3A] : memref<10240x128xf32, #tpu.memory_space<vmem_shared>> -> memref<64x128xf32, #tpu.memory_space<vmem_shared>>
      %dma_wait3A_72 = arith.constant 0 : i32
      %dma_wait3A_73 = tpu.memref_slice %arg6[%add3A_37, %dma_wait3A_72] : memref<10240x128xf32, #tpu.memory_space<vmem_shared>> -> memref<64x128xf32, #tpu.memory_space<vmem_shared>>
      tpu.wait_dma2 semaphore(%run_scoped3A : memref<!tpu.dma_semaphore, #tpu.memory_space<semaphore_mem>>) src(%arg5 : memref<64x128xf32, #tpu.memory_space<vmem>>) dst(%dma_wait3A_73 : memref<64x128xf32, #tpu.memory_space<vmem_shared>>)
      tpu.yield
    }) : () -> ()
    %mul3A_38 = arith.constant 640 : i32
    %mul3A_39 = arith.muli %arg1, %mul3A_38 : i32
    %add3A_40 = arith.constant 512 : i32
    %add3A_41 = arith.addi %mul3A_39, %add3A_40 : i32
    "tpu.region"() ({
      %run_scoped3A = tpu.sem_alloc : memref<!tpu.dma_semaphore, #tpu.memory_space<semaphore_mem>>
      %dma_start3A = arith.constant 0 : i32
      %dma_start3A_68 = tpu.memref_slice %arg6[%add3A_41, %dma_start3A] : memref<10240x128xf32, #tpu.memory_space<vmem_shared>> -> memref<64x128xf32, #tpu.memory_space<vmem_shared>>
      %dma_start3A_69 = arith.constant 0 : i32
      %dma_start3A_70 = tpu.memref_slice %arg6[%add3A_41, %dma_start3A_69] : memref<10240x128xf32, #tpu.memory_space<vmem_shared>> -> memref<64x128xf32, #tpu.memory_space<vmem_shared>>
      tpu.enqueue_dma source(%arg5 : memref<64x128xf32, #tpu.memory_space<vmem>>) target(%dma_start3A_70 : memref<64x128xf32, #tpu.memory_space<vmem_shared>>) target_semaphore(%run_scoped3A : memref<!tpu.dma_semaphore, #tpu.memory_space<semaphore_mem>>)
      %dma_wait3A = arith.constant 0 : i32
      %dma_wait3A_71 = tpu.memref_slice %arg6[%add3A_41, %dma_wait3A] : memref<10240x128xf32, #tpu.memory_space<vmem_shared>> -> memref<64x128xf32, #tpu.memory_space<vmem_shared>>
      %dma_wait3A_72 = arith.constant 0 : i32
      %dma_wait3A_73 = tpu.memref_slice %arg6[%add3A_41, %dma_wait3A_72] : memref<10240x128xf32, #tpu.memory_space<vmem_shared>> -> memref<64x128xf32, #tpu.memory_space<vmem_shared>>
      tpu.wait_dma2 semaphore(%run_scoped3A : memref<!tpu.dma_semaphore, #tpu.memory_space<semaphore_mem>>) src(%arg5 : memref<64x128xf32, #tpu.memory_space<vmem>>) dst(%dma_wait3A_73 : memref<64x128xf32, #tpu.memory_space<vmem_shared>>)
      tpu.yield
    }) : () -> ()
    %mul3A_42 = arith.constant 640 : i32
    %mul3A_43 = arith.muli %arg1, %mul3A_42 : i32
    %add3A_44 = arith.constant 576 : i32
    %add3A_45 = arith.addi %mul3A_43, %add3A_44 : i32
    "tpu.region"() ({
      %run_scoped3A = tpu.sem_alloc : memref<!tpu.dma_semaphore, #tpu.memory_space<semaphore_mem>>
      %dma_start3A = arith.constant 0 : i32
      %dma_start3A_68 = tpu.memref_slice %arg6[%add3A_45, %dma_start3A] : memref<10240x128xf32, #tpu.memory_space<vmem_shared>> -> memref<64x128xf32, #tpu.memory_space<vmem_shared>>
      %dma_start3A_69 = arith.constant 0 : i32
      %dma_start3A_70 = tpu.memref_slice %arg6[%add3A_45, %dma_start3A_69] : memref<10240x128xf32, #tpu.memory_space<vmem_shared>> -> memref<64x128xf32, #tpu.memory_space<vmem_shared>>
      tpu.enqueue_dma source(%arg5 : memref<64x128xf32, #tpu.memory_space<vmem>>) target(%dma_start3A_70 : memref<64x128xf32, #tpu.memory_space<vmem_shared>>) target_semaphore(%run_scoped3A : memref<!tpu.dma_semaphore, #tpu.memory_space<semaphore_mem>>)
      %dma_wait3A = arith.constant 0 : i32
      %dma_wait3A_71 = tpu.memref_slice %arg6[%add3A_45, %dma_wait3A] : memref<10240x128xf32, #tpu.memory_space<vmem_shared>> -> memref<64x128xf32, #tpu.memory_space<vmem_shared>>
      %dma_wait3A_72 = arith.constant 0 : i32
      %dma_wait3A_73 = tpu.memref_slice %arg6[%add3A_45, %dma_wait3A_72] : memref<10240x128xf32, #tpu.memory_space<vmem_shared>> -> memref<64x128xf32, #tpu.memory_space<vmem_shared>>
      tpu.wait_dma2 semaphore(%run_scoped3A : memref<!tpu.dma_semaphore, #tpu.memory_space<semaphore_mem>>) src(%arg5 : memref<64x128xf32, #tpu.memory_space<vmem>>) dst(%dma_wait3A_73 : memref<64x128xf32, #tpu.memory_space<vmem_shared>>)
      tpu.yield
    }) : () -> ()
    %scan3A_46 = arith.constant 0 : i32
    %scan3A_47 = arith.constant 0 : i32
    %scan3A_48 = arith.constant 64 : i32
    %scan3A_49 = arith.addi %scan3A_47, %scan3A_48 : i32
    %scan3A_50 = arith.constant 1 : i32
    scf.for %scan3A_68 = %scan3A_47 to %scan3A_49 step %scan3A_50  : i32 {
      %swap3A = arith.index_cast %scan3A_68 : i32 to index
      %swap3A_69 = arith.constant 0 : index
      %swap3A_70 = tpu.vector_load %arg5[%swap3A, %swap3A_69] {strides = array<i32>} : memref<64x128xf32, #tpu.memory_space<vmem>>, vector<1x16xf32>,
      %swap3A_71 = vector.shape_cast %swap3A_70 : vector<1x16xf32> to vector<16xf32>
      %swap3A_72 = vector.shape_cast %broadcast_in_dim3A_2 : vector<16xf32> to vector<1x16xf32>
      tpu.vector_store %arg5[%swap3A, %swap3A_69], %swap3A_72 {strides = array<i32>} : memref<64x128xf32, #tpu.memory_space<vmem>>, vector<1x16xf32>,
      %swap3A_73 = arith.index_cast %scan3A_68 : i32 to index
      %swap3A_74 = arith.constant 16 : index
      %swap3A_75 = tpu.vector_load %arg5[%swap3A_73, %swap3A_74] {strides = array<i32>} : memref<64x128xf32, #tpu.memory_space<vmem>>, vector<1x16xf32>,
      %swap3A_76 = vector.shape_cast %swap3A_75 : vector<1x16xf32> to vector<16xf32>
      %swap3A_77 = vector.shape_cast %broadcast_in_dim3A_2 : vector<16xf32> to vector<1x16xf32>
      tpu.vector_store %arg5[%swap3A_73, %swap3A_74], %swap3A_77 {strides = array<i32>} : memref<64x128xf32, #tpu.memory_space<vmem>>, vector<1x16xf32>,
      %swap3A_78 = arith.index_cast %scan3A_68 : i32 to index
      %swap3A_79 = arith.constant 32 : index
      %swap3A_80 = tpu.vector_load %arg5[%swap3A_78, %swap3A_79] {strides = array<i32>} : memref<64x128xf32, #tpu.memory_space<vmem>>, vector<1x16xf32>,
      %swap3A_81 = vector.shape_cast %swap3A_80 : vector<1x16xf32> to vector<16xf32>
      %swap3A_82 = vector.shape_cast %broadcast_in_dim3A_2 : vector<16xf32> to vector<1x16xf32>
      tpu.vector_store %arg5[%swap3A_78, %swap3A_79], %swap3A_82 {strides = array<i32>} : memref<64x128xf32, #tpu.memory_space<vmem>>, vector<1x16xf32>,
      %swap3A_83 = arith.index_cast %scan3A_68 : i32 to index
      %swap3A_84 = arith.constant 48 : index
      %swap3A_85 = tpu.vector_load %arg5[%swap3A_83, %swap3A_84] {strides = array<i32>} : memref<64x128xf32, #tpu.memory_space<vmem>>, vector<1x16xf32>,
      %swap3A_86 = vector.shape_cast %swap3A_85 : vector<1x16xf32> to vector<16xf32>
      %swap3A_87 = vector.shape_cast %broadcast_in_dim3A_2 : vector<16xf32> to vector<1x16xf32>
      tpu.vector_store %arg5[%swap3A_83, %swap3A_84], %swap3A_87 {strides = array<i32>} : memref<64x128xf32, #tpu.memory_space<vmem>>, vector<1x16xf32>,
      %swap3A_88 = arith.index_cast %scan3A_68 : i32 to index
      %swap3A_89 = arith.constant 64 : index
      %swap3A_90 = tpu.vector_load %arg5[%swap3A_88, %swap3A_89] {strides = array<i32>} : memref<64x128xf32, #tpu.memory_space<vmem>>, vector<1x16xf32>,
      %swap3A_91 = vector.shape_cast %swap3A_90 : vector<1x16xf32> to vector<16xf32>
      %swap3A_92 = vector.shape_cast %broadcast_in_dim3A_2 : vector<16xf32> to vector<1x16xf32>
      tpu.vector_store %arg5[%swap3A_88, %swap3A_89], %swap3A_92 {strides = array<i32>} : memref<64x128xf32, #tpu.memory_space<vmem>>, vector<1x16xf32>,
      %swap3A_93 = arith.index_cast %scan3A_68 : i32 to index
      %swap3A_94 = arith.constant 80 : index
      %swap3A_95 = tpu.vector_load %arg5[%swap3A_93, %swap3A_94] {strides = array<i32>} : memref<64x128xf32, #tpu.memory_space<vmem>>, vector<1x16xf32>,
      %swap3A_96 = vector.shape_cast %swap3A_95 : vector<1x16xf32> to vector<16xf32>
      %swap3A_97 = vector.shape_cast %broadcast_in_dim3A_2 : vector<16xf32> to vector<1x16xf32>
      tpu.vector_store %arg5[%swap3A_93, %swap3A_94], %swap3A_97 {strides = array<i32>} : memref<64x128xf32, #tpu.memory_space<vmem>>, vector<1x16xf32>,
      %swap3A_98 = arith.index_cast %scan3A_68 : i32 to index
      %swap3A_99 = arith.constant 96 : index
      %swap3A_100 = tpu.vector_load %arg5[%swap3A_98, %swap3A_99] {strides = array<i32>} : memref<64x128xf32, #tpu.memory_space<vmem>>, vector<1x16xf32>,
      %swap3A_101 = vector.shape_cast %swap3A_100 : vector<1x16xf32> to vector<16xf32>
      %swap3A_102 = vector.shape_cast %broadcast_in_dim3A_2 : vector<16xf32> to vector<1x16xf32>
      tpu.vector_store %arg5[%swap3A_98, %swap3A_99], %swap3A_102 {strides = array<i32>} : memref<64x128xf32, #tpu.memory_space<vmem>>, vector<1x16xf32>,
      %swap3A_103 = arith.index_cast %scan3A_68 : i32 to index
      %swap3A_104 = arith.constant 112 : index
      %swap3A_105 = tpu.vector_load %arg5[%swap3A_103, %swap3A_104] {strides = array<i32>} : memref<64x128xf32, #tpu.memory_space<vmem>>, vector<1x16xf32>,
      %swap3A_106 = vector.shape_cast %swap3A_105 : vector<1x16xf32> to vector<16xf32>
      %swap3A_107 = vector.shape_cast %broadcast_in_dim3A_2 : vector<16xf32> to vector<1x16xf32>
      tpu.vector_store %arg5[%swap3A_103, %swap3A_104], %swap3A_107 {strides = array<i32>} : memref<64x128xf32, #tpu.memory_space<vmem>>, vector<1x16xf32>,
    }
    %scan3A_51 = arith.constant 64 : i32
    %barrier3A = arith.constant 0 : index
    tpu.barrier barrier_id(%barrier3A)
    %mul3A_52 = arith.constant 5120 : i32
    %mul3A_53 = arith.muli %arg0, %mul3A_52 : i32
    %mul3A_54 = arith.constant 320 : i32
    %mul3A_55 = arith.muli %arg1, %mul3A_54 : i32
    %add3A_56 = arith.addi %mul3A_53, %mul3A_55 : i32
    %scan3A_57 = arith.constant 0 : i32
    %scan3A_58 = arith.constant 0 : i32
    %scan3A_59 = arith.constant 40 : i32
    %scan3A_60 = arith.addi %scan3A_58, %scan3A_59 : i32
    %scan3A_61 = arith.constant 1 : i32
    scf.for %scan3A_68 = %scan3A_58 to %scan3A_60 step %scan3A_61  : i32 {
      %mul3A_69 = arith.constant 8 : i32
      %mul3A_70 = arith.muli %scan3A_68, %mul3A_69 : i32
      %add3A_71 = arith.addi %add3A_56, %mul3A_70 : i32
      "tpu.region"() ({
        %run_scoped3A_79 = tpu.sem_alloc : memref<!tpu.dma_semaphore, #tpu.memory_space<semaphore_mem>>
        %dma_start3A = arith.constant 0 : i32
        %dma_start3A_80 = tpu.memref_slice %arg2[%add3A_71, %dma_start3A] : memref<10240x64xi32, #tpu.memory_space<hbm>> -> memref<8x64xi32, #tpu.memory_space<hbm>>
        %dma_start3A_81 = arith.constant 0 : i32
        %dma_start3A_82 = tpu.memref_slice %arg2[%add3A_71, %dma_start3A_81] : memref<10240x64xi32, #tpu.memory_space<hbm>> -> memref<8x64xi32, #tpu.memory_space<hbm>>
        tpu.enqueue_dma source(%dma_start3A_82 : memref<8x64xi32, #tpu.memory_space<hbm>>) target(%arg4 : memref<8x64xi32, #tpu.memory_space<vmem>>) target_semaphore(%run_scoped3A_79 : memref<!tpu.dma_semaphore, #tpu.memory_space<semaphore_mem>>)
        %dma_wait3A = arith.constant 0 : i32
        %dma_wait3A_83 = tpu.memref_slice %arg2[%add3A_71, %dma_wait3A] : memref<10240x64xi32, #tpu.memory_space<hbm>> -> memref<8x64xi32, #tpu.memory_space<hbm>>
        %dma_wait3A_84 = arith.constant 0 : i32
        %dma_wait3A_85 = tpu.memref_slice %arg2[%add3A_71, %dma_wait3A_84] : memref<10240x64xi32, #tpu.memory_space<hbm>> -> memref<8x64xi32, #tpu.memory_space<hbm>>
        tpu.wait_dma2 semaphore(%run_scoped3A_79 : memref<!tpu.dma_semaphore, #tpu.memory_space<semaphore_mem>>) src(%dma_wait3A_85 : memref<8x64xi32, #tpu.memory_space<hbm>>) dst(%arg4 : memref<8x64xi32, #tpu.memory_space<vmem>>)
        tpu.yield
      }) : () -> ()
      %run_scoped3A = arith.constant 0 : i32
      "tpu.region"() ({
        %run_scoped3A_79 = tpu.sem_alloc : memref<!tpu.dma_semaphore, #tpu.memory_space<semaphore_mem>>
        %dma_start3A = arith.constant 0 : i32
        %dma_start3A_80 = tpu.memref_slice %arg4[%run_scoped3A, %dma_start3A] : memref<8x64xi32, #tpu.memory_space<vmem>> -> memref<1x64xi32, #tpu.memory_space<vmem>>
        %dma_start3A_81 = tpu.memref_squeeze %dma_start3A_80 : memref<1x64xi32, #tpu.memory_space<vmem>> -> memref<64xi32, #tpu.memory_space<vmem>>
        %dma_start3A_82 = arith.constant 0 : i32
        %dma_start3A_83 = arith.constant 0 : i32
        %dma_start3A_84 = tpu.memref_slice %arg6[%dma_start3A_82, %dma_start3A_83] : memref<10240x128xf32, #tpu.memory_space<vmem_shared>> -> memref<10240x128xf32, #tpu.memory_space<vmem_shared>>
        tpu.enqueue_indirect_dma source(%arg5 : memref<64x128xf32, #tpu.memory_space<vmem>>) target(%dma_start3A_84 : memref<10240x128xf32, #tpu.memory_space<vmem_shared>>) offsets(%dma_start3A_81 : memref<64xi32, #tpu.memory_space<vmem>>) semaphore(%run_scoped3A_79 : memref<!tpu.dma_semaphore, #tpu.memory_space<semaphore_mem>>) {add = true}
        %dma_wait3A = arith.constant 0 : i32
        %dma_wait3A_85 = tpu.memref_slice %arg4[%run_scoped3A, %dma_wait3A] : memref<8x64xi32, #tpu.memory_space<vmem>> -> memref<1x64xi32, #tpu.memory_space<vmem>>
        %dma_wait3A_86 = tpu.memref_squeeze %dma_wait3A_85 : memref<1x64xi32, #tpu.memory_space<vmem>> -> memref<64xi32, #tpu.memory_space<vmem>>
        %dma_wait3A_87 = arith.constant 0 : i32
        %dma_wait3A_88 = arith.constant 0 : i32
        %dma_wait3A_89 = tpu.memref_slice %arg6[%dma_wait3A_87, %dma_wait3A_88] : memref<10240x128xf32, #tpu.memory_space<vmem_shared>> -> memref<10240x128xf32, #tpu.memory_space<vmem_shared>>
        tpu.wait_indirect_dma semaphore(%run_scoped3A_79 : memref<!tpu.dma_semaphore, #tpu.memory_space<semaphore_mem>>) src(%arg5 : memref<64x128xf32, #tpu.memory_space<vmem>>) dst(%dma_wait3A_89 : memref<10240x128xf32, #tpu.memory_space<vmem_shared>>)
        tpu.yield
      }) : () -> ()
      %run_scoped3A_72 = arith.constant 1 : i32
      "tpu.region"() ({
        %run_scoped3A_79 = tpu.sem_alloc : memref<!tpu.dma_semaphore, #tpu.memory_space<semaphore_mem>>
        %dma_start3A = arith.constant 0 : i32
        %dma_start3A_80 = tpu.memref_slice %arg4[%run_scoped3A_72, %dma_start3A] : memref<8x64xi32, #tpu.memory_space<vmem>> -> memref<1x64xi32, #tpu.memory_space<vmem>>
        %dma_start3A_81 = tpu.memref_squeeze %dma_start3A_80 : memref<1x64xi32, #tpu.memory_space<vmem>> -> memref<64xi32, #tpu.memory_space<vmem>>
        %dma_start3A_82 = arith.constant 0 : i32
        %dma_start3A_83 = arith.constant 0 : i32
        %dma_start3A_84 = tpu.memref_slice %arg6[%dma_start3A_82, %dma_start3A_83] : memref<10240x128xf32, #tpu.memory_space<vmem_shared>> -> memref<10240x128xf32, #tpu.memory_space<vmem_shared>>
        tpu.enqueue_indirect_dma source(%arg5 : memref<64x128xf32, #tpu.memory_space<vmem>>) target(%dma_start3A_84 : memref<10240x128xf32, #tpu.memory_space<vmem_shared>>) offsets(%dma_start3A_81 : memref<64xi32, #tpu.memory_space<vmem>>) semaphore(%run_scoped3A_79 : memref<!tpu.dma_semaphore, #tpu.memory_space<semaphore_mem>>) {add = true}
        %dma_wait3A = arith.constant 0 : i32
        %dma_wait3A_85 = tpu.memref_slice %arg4[%run_scoped3A_72, %dma_wait3A] : memref<8x64xi32, #tpu.memory_space<vmem>> -> memref<1x64xi32, #tpu.memory_space<vmem>>
        %dma_wait3A_86 = tpu.memref_squeeze %dma_wait3A_85 : memref<1x64xi32, #tpu.memory_space<vmem>> -> memref<64xi32, #tpu.memory_space<vmem>>
        %dma_wait3A_87 = arith.constant 0 : i32
        %dma_wait3A_88 = arith.constant 0 : i32
        %dma_wait3A_89 = tpu.memref_slice %arg6[%dma_wait3A_87, %dma_wait3A_88] : memref<10240x128xf32, #tpu.memory_space<vmem_shared>> -> memref<10240x128xf32, #tpu.memory_space<vmem_shared>>
        tpu.wait_indirect_dma semaphore(%run_scoped3A_79 : memref<!tpu.dma_semaphore, #tpu.memory_space<semaphore_mem>>) src(%arg5 : memref<64x128xf32, #tpu.memory_space<vmem>>) dst(%dma_wait3A_89 : memref<10240x128xf32, #tpu.memory_space<vmem_shared>>)
        tpu.yield
      }) : () -> ()
      %run_scoped3A_73 = arith.constant 2 : i32
      "tpu.region"() ({
        %run_scoped3A_79 = tpu.sem_alloc : memref<!tpu.dma_semaphore, #tpu.memory_space<semaphore_mem>>
        %dma_start3A = arith.constant 0 : i32
        %dma_start3A_80 = tpu.memref_slice %arg4[%run_scoped3A_73, %dma_start3A] : memref<8x64xi32, #tpu.memory_space<vmem>> -> memref<1x64xi32, #tpu.memory_space<vmem>>
        %dma_start3A_81 = tpu.memref_squeeze %dma_start3A_80 : memref<1x64xi32, #tpu.memory_space<vmem>> -> memref<64xi32, #tpu.memory_space<vmem>>
        %dma_start3A_82 = arith.constant 0 : i32
        %dma_start3A_83 = arith.constant 0 : i32
        %dma_start3A_84 = tpu.memref_slice %arg6[%dma_start3A_82, %dma_start3A_83] : memref<10240x128xf32, #tpu.memory_space<vmem_shared>> -> memref<10240x128xf32, #tpu.memory_space<vmem_shared>>
        tpu.enqueue_indirect_dma source(%arg5 : memref<64x128xf32, #tpu.memory_space<vmem>>) target(%dma_start3A_84 : memref<10240x128xf32, #tpu.memory_space<vmem_shared>>) offsets(%dma_start3A_81 : memref<64xi32, #tpu.memory_space<vmem>>) semaphore(%run_scoped3A_79 : memref<!tpu.dma_semaphore, #tpu.memory_space<semaphore_mem>>) {add = true}
        %dma_wait3A = arith.constant 0 : i32
        %dma_wait3A_85 = tpu.memref_slice %arg4[%run_scoped3A_73, %dma_wait3A] : memref<8x64xi32, #tpu.memory_space<vmem>> -> memref<1x64xi32, #tpu.memory_space<vmem>>
        %dma_wait3A_86 = tpu.memref_squeeze %dma_wait3A_85 : memref<1x64xi32, #tpu.memory_space<vmem>> -> memref<64xi32, #tpu.memory_space<vmem>>
        %dma_wait3A_87 = arith.constant 0 : i32
        %dma_wait3A_88 = arith.constant 0 : i32
        %dma_wait3A_89 = tpu.memref_slice %arg6[%dma_wait3A_87, %dma_wait3A_88] : memref<10240x128xf32, #tpu.memory_space<vmem_shared>> -> memref<10240x128xf32, #tpu.memory_space<vmem_shared>>
        tpu.wait_indirect_dma semaphore(%run_scoped3A_79 : memref<!tpu.dma_semaphore, #tpu.memory_space<semaphore_mem>>) src(%arg5 : memref<64x128xf32, #tpu.memory_space<vmem>>) dst(%dma_wait3A_89 : memref<10240x128xf32, #tpu.memory_space<vmem_shared>>)
        tpu.yield
      }) : () -> ()
      %run_scoped3A_74 = arith.constant 3 : i32
      "tpu.region"() ({
        %run_scoped3A_79 = tpu.sem_alloc : memref<!tpu.dma_semaphore, #tpu.memory_space<semaphore_mem>>
        %dma_start3A = arith.constant 0 : i32
        %dma_start3A_80 = tpu.memref_slice %arg4[%run_scoped3A_74, %dma_start3A] : memref<8x64xi32, #tpu.memory_space<vmem>> -> memref<1x64xi32, #tpu.memory_space<vmem>>
        %dma_start3A_81 = tpu.memref_squeeze %dma_start3A_80 : memref<1x64xi32, #tpu.memory_space<vmem>> -> memref<64xi32, #tpu.memory_space<vmem>>
        %dma_start3A_82 = arith.constant 0 : i32
        %dma_start3A_83 = arith.constant 0 : i32
        %dma_start3A_84 = tpu.memref_slice %arg6[%dma_start3A_82, %dma_start3A_83] : memref<10240x128xf32, #tpu.memory_space<vmem_shared>> -> memref<10240x128xf32, #tpu.memory_space<vmem_shared>>
        tpu.enqueue_indirect_dma source(%arg5 : memref<64x128xf32, #tpu.memory_space<vmem>>) target(%dma_start3A_84 : memref<10240x128xf32, #tpu.memory_space<vmem_shared>>) offsets(%dma_start3A_81 : memref<64xi32, #tpu.memory_space<vmem>>) semaphore(%run_scoped3A_79 : memref<!tpu.dma_semaphore, #tpu.memory_space<semaphore_mem>>) {add = true}
        %dma_wait3A = arith.constant 0 : i32
        %dma_wait3A_85 = tpu.memref_slice %arg4[%run_scoped3A_74, %dma_wait3A] : memref<8x64xi32, #tpu.memory_space<vmem>> -> memref<1x64xi32, #tpu.memory_space<vmem>>
        %dma_wait3A_86 = tpu.memref_squeeze %dma_wait3A_85 : memref<1x64xi32, #tpu.memory_space<vmem>> -> memref<64xi32, #tpu.memory_space<vmem>>
        %dma_wait3A_87 = arith.constant 0 : i32
        %dma_wait3A_88 = arith.constant 0 : i32
        %dma_wait3A_89 = tpu.memref_slice %arg6[%dma_wait3A_87, %dma_wait3A_88] : memref<10240x128xf32, #tpu.memory_space<vmem_shared>> -> memref<10240x128xf32, #tpu.memory_space<vmem_shared>>
        tpu.wait_indirect_dma semaphore(%run_scoped3A_79 : memref<!tpu.dma_semaphore, #tpu.memory_space<semaphore_mem>>) src(%arg5 : memref<64x128xf32, #tpu.memory_space<vmem>>) dst(%dma_wait3A_89 : memref<10240x128xf32, #tpu.memory_space<vmem_shared>>)
        tpu.yield
      }) : () -> ()
      %run_scoped3A_75 = arith.constant 4 : i32
      "tpu.region"() ({
        %run_scoped3A_79 = tpu.sem_alloc : memref<!tpu.dma_semaphore, #tpu.memory_space<semaphore_mem>>
        %dma_start3A = arith.constant 0 : i32
        %dma_start3A_80 = tpu.memref_slice %arg4[%run_scoped3A_75, %dma_start3A] : memref<8x64xi32, #tpu.memory_space<vmem>> -> memref<1x64xi32, #tpu.memory_space<vmem>>
        %dma_start3A_81 = tpu.memref_squeeze %dma_start3A_80 : memref<1x64xi32, #tpu.memory_space<vmem>> -> memref<64xi32, #tpu.memory_space<vmem>>
        %dma_start3A_82 = arith.constant 0 : i32
        %dma_start3A_83 = arith.constant 0 : i32
        %dma_start3A_84 = tpu.memref_slice %arg6[%dma_start3A_82, %dma_start3A_83] : memref<10240x128xf32, #tpu.memory_space<vmem_shared>> -> memref<10240x128xf32, #tpu.memory_space<vmem_shared>>
        tpu.enqueue_indirect_dma source(%arg5 : memref<64x128xf32, #tpu.memory_space<vmem>>) target(%dma_start3A_84 : memref<10240x128xf32, #tpu.memory_space<vmem_shared>>) offsets(%dma_start3A_81 : memref<64xi32, #tpu.memory_space<vmem>>) semaphore(%run_scoped3A_79 : memref<!tpu.dma_semaphore, #tpu.memory_space<semaphore_mem>>) {add = true}
        %dma_wait3A = arith.constant 0 : i32
        %dma_wait3A_85 = tpu.memref_slice %arg4[%run_scoped3A_75, %dma_wait3A] : memref<8x64xi32, #tpu.memory_space<vmem>> -> memref<1x64xi32, #tpu.memory_space<vmem>>
        %dma_wait3A_86 = tpu.memref_squeeze %dma_wait3A_85 : memref<1x64xi32, #tpu.memory_space<vmem>> -> memref<64xi32, #tpu.memory_space<vmem>>
        %dma_wait3A_87 = arith.constant 0 : i32
        %dma_wait3A_88 = arith.constant 0 : i32
        %dma_wait3A_89 = tpu.memref_slice %arg6[%dma_wait3A_87, %dma_wait3A_88] : memref<10240x128xf32, #tpu.memory_space<vmem_shared>> -> memref<10240x128xf32, #tpu.memory_space<vmem_shared>>
        tpu.wait_indirect_dma semaphore(%run_scoped3A_79 : memref<!tpu.dma_semaphore, #tpu.memory_space<semaphore_mem>>) src(%arg5 : memref<64x128xf32, #tpu.memory_space<vmem>>) dst(%dma_wait3A_89 : memref<10240x128xf32, #tpu.memory_space<vmem_shared>>)
        tpu.yield
      }) : () -> ()
      %run_scoped3A_76 = arith.constant 5 : i32
      "tpu.region"() ({
        %run_scoped3A_79 = tpu.sem_alloc : memref<!tpu.dma_semaphore, #tpu.memory_space<semaphore_mem>>
        %dma_start3A = arith.constant 0 : i32
        %dma_start3A_80 = tpu.memref_slice %arg4[%run_scoped3A_76, %dma_start3A] : memref<8x64xi32, #tpu.memory_space<vmem>> -> memref<1x64xi32, #tpu.memory_space<vmem>>
        %dma_start3A_81 = tpu.memref_squeeze %dma_start3A_80 : memref<1x64xi32, #tpu.memory_space<vmem>> -> memref<64xi32, #tpu.memory_space<vmem>>
        %dma_start3A_82 = arith.constant 0 : i32
        %dma_start3A_83 = arith.constant 0 : i32
        %dma_start3A_84 = tpu.memref_slice %arg6[%dma_start3A_82, %dma_start3A_83] : memref<10240x128xf32, #tpu.memory_space<vmem_shared>> -> memref<10240x128xf32, #tpu.memory_space<vmem_shared>>
        tpu.enqueue_indirect_dma source(%arg5 : memref<64x128xf32, #tpu.memory_space<vmem>>) target(%dma_start3A_84 : memref<10240x128xf32, #tpu.memory_space<vmem_shared>>) offsets(%dma_start3A_81 : memref<64xi32, #tpu.memory_space<vmem>>) semaphore(%run_scoped3A_79 : memref<!tpu.dma_semaphore, #tpu.memory_space<semaphore_mem>>) {add = true}
        %dma_wait3A = arith.constant 0 : i32
        %dma_wait3A_85 = tpu.memref_slice %arg4[%run_scoped3A_76, %dma_wait3A] : memref<8x64xi32, #tpu.memory_space<vmem>> -> memref<1x64xi32, #tpu.memory_space<vmem>>
        %dma_wait3A_86 = tpu.memref_squeeze %dma_wait3A_85 : memref<1x64xi32, #tpu.memory_space<vmem>> -> memref<64xi32, #tpu.memory_space<vmem>>
        %dma_wait3A_87 = arith.constant 0 : i32
        %dma_wait3A_88 = arith.constant 0 : i32
        %dma_wait3A_89 = tpu.memref_slice %arg6[%dma_wait3A_87, %dma_wait3A_88] : memref<10240x128xf32, #tpu.memory_space<vmem_shared>> -> memref<10240x128xf32, #tpu.memory_space<vmem_shared>>
        tpu.wait_indirect_dma semaphore(%run_scoped3A_79 : memref<!tpu.dma_semaphore, #tpu.memory_space<semaphore_mem>>) src(%arg5 : memref<64x128xf32, #tpu.memory_space<vmem>>) dst(%dma_wait3A_89 : memref<10240x128xf32, #tpu.memory_space<vmem_shared>>)
        tpu.yield
      }) : () -> ()
      %run_scoped3A_77 = arith.constant 6 : i32
      "tpu.region"() ({
        %run_scoped3A_79 = tpu.sem_alloc : memref<!tpu.dma_semaphore, #tpu.memory_space<semaphore_mem>>
        %dma_start3A = arith.constant 0 : i32
        %dma_start3A_80 = tpu.memref_slice %arg4[%run_scoped3A_77, %dma_start3A] : memref<8x64xi32, #tpu.memory_space<vmem>> -> memref<1x64xi32, #tpu.memory_space<vmem>>
        %dma_start3A_81 = tpu.memref_squeeze %dma_start3A_80 : memref<1x64xi32, #tpu.memory_space<vmem>> -> memref<64xi32, #tpu.memory_space<vmem>>
        %dma_start3A_82 = arith.constant 0 : i32
        %dma_start3A_83 = arith.constant 0 : i32
        %dma_start3A_84 = tpu.memref_slice %arg6[%dma_start3A_82, %dma_start3A_83] : memref<10240x128xf32, #tpu.memory_space<vmem_shared>> -> memref<10240x128xf32, #tpu.memory_space<vmem_shared>>
        tpu.enqueue_indirect_dma source(%arg5 : memref<64x128xf32, #tpu.memory_space<vmem>>) target(%dma_start3A_84 : memref<10240x128xf32, #tpu.memory_space<vmem_shared>>) offsets(%dma_start3A_81 : memref<64xi32, #tpu.memory_space<vmem>>) semaphore(%run_scoped3A_79 : memref<!tpu.dma_semaphore, #tpu.memory_space<semaphore_mem>>) {add = true}
        %dma_wait3A = arith.constant 0 : i32
        %dma_wait3A_85 = tpu.memref_slice %arg4[%run_scoped3A_77, %dma_wait3A] : memref<8x64xi32, #tpu.memory_space<vmem>> -> memref<1x64xi32, #tpu.memory_space<vmem>>
        %dma_wait3A_86 = tpu.memref_squeeze %dma_wait3A_85 : memref<1x64xi32, #tpu.memory_space<vmem>> -> memref<64xi32, #tpu.memory_space<vmem>>
        %dma_wait3A_87 = arith.constant 0 : i32
        %dma_wait3A_88 = arith.constant 0 : i32
        %dma_wait3A_89 = tpu.memref_slice %arg6[%dma_wait3A_87, %dma_wait3A_88] : memref<10240x128xf32, #tpu.memory_space<vmem_shared>> -> memref<10240x128xf32, #tpu.memory_space<vmem_shared>>
        tpu.wait_indirect_dma semaphore(%run_scoped3A_79 : memref<!tpu.dma_semaphore, #tpu.memory_space<semaphore_mem>>) src(%arg5 : memref<64x128xf32, #tpu.memory_space<vmem>>) dst(%dma_wait3A_89 : memref<10240x128xf32, #tpu.memory_space<vmem_shared>>)
        tpu.yield
      }) : () -> ()
      %run_scoped3A_78 = arith.constant 7 : i32
      "tpu.region"() ({
        %run_scoped3A_79 = tpu.sem_alloc : memref<!tpu.dma_semaphore, #tpu.memory_space<semaphore_mem>>
        %dma_start3A = arith.constant 0 : i32
        %dma_start3A_80 = tpu.memref_slice %arg4[%run_scoped3A_78, %dma_start3A] : memref<8x64xi32, #tpu.memory_space<vmem>> -> memref<1x64xi32, #tpu.memory_space<vmem>>
        %dma_start3A_81 = tpu.memref_squeeze %dma_start3A_80 : memref<1x64xi32, #tpu.memory_space<vmem>> -> memref<64xi32, #tpu.memory_space<vmem>>
        %dma_start3A_82 = arith.constant 0 : i32
        %dma_start3A_83 = arith.constant 0 : i32
        %dma_start3A_84 = tpu.memref_slice %arg6[%dma_start3A_82, %dma_start3A_83] : memref<10240x128xf32, #tpu.memory_space<vmem_shared>> -> memref<10240x128xf32, #tpu.memory_space<vmem_shared>>
        tpu.enqueue_indirect_dma source(%arg5 : memref<64x128xf32, #tpu.memory_space<vmem>>) target(%dma_start3A_84 : memref<10240x128xf32, #tpu.memory_space<vmem_shared>>) offsets(%dma_start3A_81 : memref<64xi32, #tpu.memory_space<vmem>>) semaphore(%run_scoped3A_79 : memref<!tpu.dma_semaphore, #tpu.memory_space<semaphore_mem>>) {add = true}
        %dma_wait3A = arith.constant 0 : i32
        %dma_wait3A_85 = tpu.memref_slice %arg4[%run_scoped3A_78, %dma_wait3A] : memref<8x64xi32, #tpu.memory_space<vmem>> -> memref<1x64xi32, #tpu.memory_space<vmem>>
        %dma_wait3A_86 = tpu.memref_squeeze %dma_wait3A_85 : memref<1x64xi32, #tpu.memory_space<vmem>> -> memref<64xi32, #tpu.memory_space<vmem>>
        %dma_wait3A_87 = arith.constant 0 : i32
        %dma_wait3A_88 = arith.constant 0 : i32
        %dma_wait3A_89 = tpu.memref_slice %arg6[%dma_wait3A_87, %dma_wait3A_88] : memref<10240x128xf32, #tpu.memory_space<vmem_shared>> -> memref<10240x128xf32, #tpu.memory_space<vmem_shared>>
        tpu.wait_indirect_dma semaphore(%run_scoped3A_79 : memref<!tpu.dma_semaphore, #tpu.memory_space<semaphore_mem>>) src(%arg5 : memref<64x128xf32, #tpu.memory_space<vmem>>) dst(%dma_wait3A_89 : memref<10240x128xf32, #tpu.memory_space<vmem_shared>>)
        tpu.yield
      }) : () -> ()
    }
    %scan3A_62 = arith.constant 40 : i32
    %barrier3A_63 = arith.constant 0 : index
    tpu.barrier barrier_id(%barrier3A_63)
    %mul3A_64 = arith.constant 640 : i32
    %mul3A_65 = arith.muli %arg1, %mul3A_64 : i32
    %mul3A_66 = arith.constant 640 : i32
    %mul3A_67 = arith.muli %arg1, %mul3A_66 : i32
    "tpu.region"() ({
      %run_scoped3A = tpu.sem_alloc : memref<!tpu.dma_semaphore, #tpu.memory_space<semaphore_mem>>
      %dma_start3A = arith.constant 0 : i32
      %dma_start3A_68 = tpu.memref_slice %arg3[%arg0, %mul3A_67, %dma_start3A] : memref<2x10240x128xf32, #tpu.memory_space<hbm>> -> memref<1x640x128xf32, #tpu.memory_space<hbm>>
      %dma_start3A_69 = tpu.memref_squeeze %dma_start3A_68 : memref<1x640x128xf32, #tpu.memory_space<hbm>> -> memref<640x128xf32, #tpu.memory_space<hbm>>
      %dma_start3A_70 = arith.constant 0 : i32
      %dma_start3A_71 = tpu.memref_slice %arg6[%mul3A_65, %dma_start3A_70] : memref<10240x128xf32, #tpu.memory_space<vmem_shared>> -> memref<640x128xf32, #tpu.memory_space<vmem_shared>>
      tpu.enqueue_dma source(%dma_start3A_71 : memref<640x128xf32, #tpu.memory_space<vmem_shared>>) target(%dma_start3A_69 : memref<640x128xf32, #tpu.memory_space<hbm>>) target_semaphore(%run_scoped3A : memref<!tpu.dma_semaphore, #tpu.memory_space<semaphore_mem>>)
      %dma_wait3A = arith.constant 0 : i32
      %dma_wait3A_72 = tpu.memref_slice %arg3[%arg0, %mul3A_67, %dma_wait3A] : memref<2x10240x128xf32, #tpu.memory_space<hbm>> -> memref<1x640x128xf32, #tpu.memory_space<hbm>>
      %dma_wait3A_73 = tpu.memref_squeeze %dma_wait3A_72 : memref<1x640x128xf32, #tpu.memory_space<hbm>> -> memref<640x128xf32, #tpu.memory_space<hbm>>
      %dma_wait3A_74 = arith.constant 0 : i32
      %dma_wait3A_75 = tpu.memref_slice %arg6[%mul3A_65, %dma_wait3A_74] : memref<10240x128xf32, #tpu.memory_space<vmem_shared>> -> memref<640x128xf32, #tpu.memory_space<vmem_shared>>
      tpu.wait_dma2 semaphore(%run_scoped3A : memref<!tpu.dma_semaphore, #tpu.memory_space<semaphore_mem>>) src(%dma_wait3A_75 : memref<640x128xf32, #tpu.memory_space<vmem_shared>>) dst(%dma_wait3A_73 : memref<640x128xf32, #tpu.memory_space<hbm>>)
      tpu.yield
    }) : () -> ()
    return
  }
}

module attributes {stable_mosaic.version = 14 : i64} {
  func.func @_node0_body(%arg0: i32, %arg1: memref<2x1024x128xf32, #tpu.memory_space<vmem>>, %arg2: memref<1x128xf32, #tpu.memory_space<vmem>>, %arg3: memref<1x128xf32, #tpu.memory_space<vmem>>, %arg4: memref<1x128xf32, #tpu.memory_space<vmem>>, %arg5: memref<128x128xf32, #tpu.memory_space<vmem>>, %arg6: memref<1x128xf32, #tpu.memory_space<vmem>>, %arg7: memref<128x128xf32, #tpu.memory_space<vmem>>, %arg8: memref<128x128xf32, #tpu.memory_space<vmem>>, %arg9: memref<128x128xf32, #tpu.memory_space<vmem>>, %arg10: memref<128x128xf32, #tpu.memory_space<vmem>>, %arg11: memref<1x128xf32, #tpu.memory_space<vmem>>, %arg12: memref<1x128xf32, #tpu.memory_space<vmem>>, %arg13: memref<1024x128xf32, #tpu.memory_space<vmem>>, %arg14: memref<1024x16xf32, #tpu.memory_space<vmem>>, %arg15: memref<2x1024x128xf32, #tpu.memory_space<vmem>>, %arg16: memref<2x1024x128xf32, #tpu.memory_space<vmem>>) attributes {dimension_semantics = [#tpu.dimension_semantics<arbitrary>], iteration_bounds = array<i64: 10>, scalar_prefetch = 0 : i64, scratch_operands = 0 : i64, tpu.core_type = #tpu.core_type<tc>, window_params = [{transform_indices = @transform_0, window_bounds = array<i64: 2, 1024, 128>}, {pipeline_mode = #tpu.pipeline_mode<synchronous>, transform_indices = @transform_1, window_bounds = array<i64: 1, 128>}, {pipeline_mode = #tpu.pipeline_mode<synchronous>, transform_indices = @transform_2, window_bounds = array<i64: 1, 128>}, {pipeline_mode = #tpu.pipeline_mode<synchronous>, transform_indices = @transform_3, window_bounds = array<i64: 1, 128>}, {pipeline_mode = #tpu.pipeline_mode<synchronous>, transform_indices = @transform_4, window_bounds = array<i64: 128, 128>}, {pipeline_mode = #tpu.pipeline_mode<synchronous>, transform_indices = @transform_5, window_bounds = array<i64: 1, 128>}, {pipeline_mode = #tpu.pipeline_mode<synchronous>, transform_indices = @transform_6, window_bounds = array<i64: 128, 128>}, {pipeline_mode = #tpu.pipeline_mode<synchronous>, transform_indices = @transform_7, window_bounds = array<i64: 128, 128>}, {pipeline_mode = #tpu.pipeline_mode<synchronous>, transform_indices = @transform_8, window_bounds = array<i64: 128, 128>}, {pipeline_mode = #tpu.pipeline_mode<synchronous>, transform_indices = @transform_9, window_bounds = array<i64: 128, 128>}, {pipeline_mode = #tpu.pipeline_mode<synchronous>, transform_indices = @transform_10, window_bounds = array<i64: 1, 128>}, {pipeline_mode = #tpu.pipeline_mode<synchronous>, transform_indices = @transform_11, window_bounds = array<i64: 1, 128>}, {transform_indices = @transform_12, window_bounds = array<i64: 1024, 128>}, {transform_indices = @transform_13, window_bounds = array<i64: 1024, 16>}, {transform_indices = @transform_14, window_bounds = array<i64: 2, 1024, 128>}, {transform_indices = @transform_15, window_bounds = array<i64: 2, 1024, 128>}]} {
    %get3A = arith.constant 0 : index
    %get3A_0 = arith.constant 0 : index
    %get3A_1 = arith.constant 0 : index
    %get3A_2 = vector.load %arg1[%get3A, %get3A_0, %get3A_1] : memref<2x1024x128xf32, #tpu.memory_space<vmem>>, vector<1x1024x128xf32>
    %get3A_3 = vector.shape_cast %get3A_2 : vector<1x1024x128xf32> to vector<1024x128xf32>
    %get3A_4 = arith.constant 1 : index
    %get3A_5 = arith.constant 0 : index
    %get3A_6 = arith.constant 0 : index
    %get3A_7 = vector.load %arg1[%get3A_4, %get3A_5, %get3A_6] : memref<2x1024x128xf32, #tpu.memory_space<vmem>>, vector<1x1024x128xf32>
    %get3A_8 = vector.shape_cast %get3A_7 : vector<1x1024x128xf32> to vector<1024x128xf32>
    %add3A = arith.addf %get3A_3, %get3A_8 : vector<1024x128xf32>
    %slice3A = vector.extract_strided_slice %add3A {offsets = [0, 0], sizes = [1024, 16], strides = [1, 1]} : vector<1024x128xf32> to vector<1024x16xf32>
    %swap3A = arith.constant 0 : index
    %swap3A_9 = arith.constant 0 : index
    %swap3A_10 = vector.load %arg14[%swap3A, %swap3A_9] : memref<1024x16xf32, #tpu.memory_space<vmem>>, vector<1024x16xf32>
    tpu.vector_store %arg14[%swap3A, %swap3A_9], %slice3A {strides = array<i32>} : memref<1024x16xf32, #tpu.memory_space<vmem>>, vector<1024x16xf32>,
    %slice3A_11 = vector.extract_strided_slice %slice3A {offsets = [0, 0], sizes = [1024, 1], strides = [1, 1]} : vector<1024x16xf32> to vector<1024x1xf32>
    %max3A = arith.constant 1.000000e+00 : f32
    %max3A_12 = vector.broadcast %max3A : f32 to vector<1024x1xf32>
    %max3A_13 = arith.maximumf %slice3A_11, %max3A_12 : vector<1024x1xf32>
    %get3A_14 = arith.constant 0 : index
    %get3A_15 = arith.constant 0 : index
    %get3A_16 = vector.load %arg3[%get3A_14, %get3A_15] : memref<1x128xf32, #tpu.memory_space<vmem>>, vector<1x128xf32>
    %mul3A = vector.broadcast %max3A_13 : vector<1024x1xf32> to vector<1024x128xf32>
    %mul3A_17 = vector.broadcast %get3A_16 : vector<1x128xf32> to vector<1024x128xf32>
    %mul3A_18 = arith.mulf %mul3A, %mul3A_17 : vector<1024x128xf32>
    %get3A_19 = arith.constant 0 : index
    %get3A_20 = arith.constant 0 : index
    %get3A_21 = vector.load %arg4[%get3A_19, %get3A_20] : memref<1x128xf32, #tpu.memory_space<vmem>>, vector<1x128xf32>
    %add3A_22 = vector.broadcast %get3A_21 : vector<1x128xf32> to vector<1024x128xf32>
    %add3A_23 = arith.addf %mul3A_18, %add3A_22 : vector<1024x128xf32>
    %max3A_24 = arith.constant 0.000000e+00 : f32
    %max3A_25 = vector.broadcast %max3A_24 : f32 to vector<1024x128xf32>
    %max3A_26 = arith.maximumf %add3A_23, %max3A_25 : vector<1024x128xf32>
    %get3A_27 = arith.constant 0 : index
    %get3A_28 = arith.constant 0 : index
    %get3A_29 = vector.load %arg2[%get3A_27, %get3A_28] : memref<1x128xf32, #tpu.memory_space<vmem>>, vector<1x128xf32>
    %get3A_30 = arith.constant 0 : index
    %get3A_31 = arith.constant 0 : index
    %get3A_32 = vector.load %arg5[%get3A_30, %get3A_31] : memref<128x128xf32, #tpu.memory_space<vmem>>, vector<128x128xf32>
    %dot_general3A = arith.constant dense<0.000000e+00> : vector<1024x128xf32>
    %dot_general3A_33 = tpu.matmul %max3A_26, %get3A_32, %dot_general3A {dimension_numbers = #tpu.dot_dimension_numbers<[1], [0], [0], [1], [0, 0, 1, 1], [], []>, transpose_lhs_hint = false} : vector<1024x128xf32>, vector<128x128xf32>, vector<1024x128xf32> -> vector<1024x128xf32>
    %add3A_34 = vector.broadcast %get3A_29 : vector<1x128xf32> to vector<1024x128xf32>
    %add3A_35 = arith.addf %add3A_34, %dot_general3A_33 : vector<1024x128xf32>
    %get3A_36 = arith.constant 0 : index
    %get3A_37 = arith.constant 0 : index
    %get3A_38 = vector.load %arg6[%get3A_36, %get3A_37] : memref<1x128xf32, #tpu.memory_space<vmem>>, vector<1x128xf32>
    %add3A_39 = vector.broadcast %get3A_38 : vector<1x128xf32> to vector<1024x128xf32>
    %add3A_40 = arith.addf %add3A_35, %add3A_39 : vector<1024x128xf32>
    %swap3A_41 = arith.constant 0 : index
    %swap3A_42 = arith.constant 0 : index
    %swap3A_43 = vector.load %arg13[%swap3A_41, %swap3A_42] : memref<1024x128xf32, #tpu.memory_space<vmem>>, vector<1024x128xf32>
    tpu.vector_store %arg13[%swap3A_41, %swap3A_42], %add3A_40 {strides = array<i32>} : memref<1024x128xf32, #tpu.memory_space<vmem>>, vector<1024x128xf32>,
    %get3A_44 = arith.constant 0 : index
    %get3A_45 = arith.constant 0 : index
    %get3A_46 = vector.load %arg7[%get3A_44, %get3A_45] : memref<128x128xf32, #tpu.memory_space<vmem>>, vector<128x128xf32>
    %dot_general3A_47 = arith.constant dense<0.000000e+00> : vector<1024x128xf32>
    %dot_general3A_48 = tpu.matmul %add3A_40, %get3A_46, %dot_general3A_47 {dimension_numbers = #tpu.dot_dimension_numbers<[1], [0], [0], [1], [0, 0, 1, 1], [], []>, transpose_lhs_hint = false} : vector<1024x128xf32>, vector<128x128xf32>, vector<1024x128xf32> -> vector<1024x128xf32>
    %swap3A_49 = arith.constant 0 : index
    %swap3A_50 = arith.constant 0 : index
    %swap3A_51 = arith.constant 0 : index
    %swap3A_52 = vector.load %arg15[%swap3A_49, %swap3A_50, %swap3A_51] : memref<2x1024x128xf32, #tpu.memory_space<vmem>>, vector<1x1024x128xf32>
    %swap3A_53 = vector.shape_cast %swap3A_52 : vector<1x1024x128xf32> to vector<1024x128xf32>
    %swap3A_54 = vector.shape_cast %dot_general3A_48 : vector<1024x128xf32> to vector<1x1024x128xf32>
    tpu.vector_store %arg15[%swap3A_49, %swap3A_50, %swap3A_51], %swap3A_54 {strides = array<i32>} : memref<2x1024x128xf32, #tpu.memory_space<vmem>>, vector<1x1024x128xf32>,
    %get3A_55 = arith.constant 0 : index
    %get3A_56 = arith.constant 0 : index
    %get3A_57 = vector.load %arg8[%get3A_55, %get3A_56] : memref<128x128xf32, #tpu.memory_space<vmem>>, vector<128x128xf32>
    %dot_general3A_58 = arith.constant dense<0.000000e+00> : vector<1024x128xf32>
    %dot_general3A_59 = tpu.matmul %add3A_40, %get3A_57, %dot_general3A_58 {dimension_numbers = #tpu.dot_dimension_numbers<[1], [0], [0], [1], [0, 0, 1, 1], [], []>, transpose_lhs_hint = false} : vector<1024x128xf32>, vector<128x128xf32>, vector<1024x128xf32> -> vector<1024x128xf32>
    %swap3A_60 = arith.constant 1 : index
    %swap3A_61 = arith.constant 0 : index
    %swap3A_62 = arith.constant 0 : index
    %swap3A_63 = vector.load %arg15[%swap3A_60, %swap3A_61, %swap3A_62] : memref<2x1024x128xf32, #tpu.memory_space<vmem>>, vector<1x1024x128xf32>
    %swap3A_64 = vector.shape_cast %swap3A_63 : vector<1x1024x128xf32> to vector<1024x128xf32>
    %swap3A_65 = vector.shape_cast %dot_general3A_59 : vector<1024x128xf32> to vector<1x1024x128xf32>
    tpu.vector_store %arg15[%swap3A_60, %swap3A_61, %swap3A_62], %swap3A_65 {strides = array<i32>} : memref<2x1024x128xf32, #tpu.memory_space<vmem>>, vector<1x1024x128xf32>,
    %get3A_66 = arith.constant 0 : index
    %get3A_67 = arith.constant 0 : index
    %get3A_68 = vector.load %arg9[%get3A_66, %get3A_67] : memref<128x128xf32, #tpu.memory_space<vmem>>, vector<128x128xf32>
    %dot_general3A_69 = arith.constant dense<0.000000e+00> : vector<1024x128xf32>
    %dot_general3A_70 = tpu.matmul %add3A_40, %get3A_68, %dot_general3A_69 {dimension_numbers = #tpu.dot_dimension_numbers<[1], [0], [0], [1], [0, 0, 1, 1], [], []>, transpose_lhs_hint = false} : vector<1024x128xf32>, vector<128x128xf32>, vector<1024x128xf32> -> vector<1024x128xf32>
    %get3A_71 = arith.constant 0 : index
    %get3A_72 = arith.constant 0 : index
    %get3A_73 = vector.load %arg11[%get3A_71, %get3A_72] : memref<1x128xf32, #tpu.memory_space<vmem>>, vector<1x128xf32>
    %add3A_74 = vector.broadcast %get3A_73 : vector<1x128xf32> to vector<1024x128xf32>
    %add3A_75 = arith.addf %dot_general3A_70, %add3A_74 : vector<1024x128xf32>
    %swap3A_76 = arith.constant 0 : index
    %swap3A_77 = arith.constant 0 : index
    %swap3A_78 = arith.constant 0 : index
    %swap3A_79 = vector.load %arg16[%swap3A_76, %swap3A_77, %swap3A_78] : memref<2x1024x128xf32, #tpu.memory_space<vmem>>, vector<1x1024x128xf32>
    %swap3A_80 = vector.shape_cast %swap3A_79 : vector<1x1024x128xf32> to vector<1024x128xf32>
    %swap3A_81 = vector.shape_cast %add3A_75 : vector<1024x128xf32> to vector<1x1024x128xf32>
    tpu.vector_store %arg16[%swap3A_76, %swap3A_77, %swap3A_78], %swap3A_81 {strides = array<i32>} : memref<2x1024x128xf32, #tpu.memory_space<vmem>>, vector<1x1024x128xf32>,
    %get3A_82 = arith.constant 0 : index
    %get3A_83 = arith.constant 0 : index
    %get3A_84 = vector.load %arg10[%get3A_82, %get3A_83] : memref<128x128xf32, #tpu.memory_space<vmem>>, vector<128x128xf32>
    %dot_general3A_85 = arith.constant dense<0.000000e+00> : vector<1024x128xf32>
    %dot_general3A_86 = tpu.matmul %add3A_40, %get3A_84, %dot_general3A_85 {dimension_numbers = #tpu.dot_dimension_numbers<[1], [0], [0], [1], [0, 0, 1, 1], [], []>, transpose_lhs_hint = false} : vector<1024x128xf32>, vector<128x128xf32>, vector<1024x128xf32> -> vector<1024x128xf32>
    %get3A_87 = arith.constant 0 : index
    %get3A_88 = arith.constant 0 : index
    %get3A_89 = vector.load %arg12[%get3A_87, %get3A_88] : memref<1x128xf32, #tpu.memory_space<vmem>>, vector<1x128xf32>
    %add3A_90 = vector.broadcast %get3A_89 : vector<1x128xf32> to vector<1024x128xf32>
    %add3A_91 = arith.addf %dot_general3A_86, %add3A_90 : vector<1024x128xf32>
    %swap3A_92 = arith.constant 1 : index
    %swap3A_93 = arith.constant 0 : index
    %swap3A_94 = arith.constant 0 : index
    %swap3A_95 = vector.load %arg16[%swap3A_92, %swap3A_93, %swap3A_94] : memref<2x1024x128xf32, #tpu.memory_space<vmem>>, vector<1x1024x128xf32>
    %swap3A_96 = vector.shape_cast %swap3A_95 : vector<1x1024x128xf32> to vector<1024x128xf32>
    %swap3A_97 = vector.shape_cast %add3A_91 : vector<1024x128xf32> to vector<1x1024x128xf32>
    tpu.vector_store %arg16[%swap3A_92, %swap3A_93, %swap3A_94], %swap3A_97 {strides = array<i32>} : memref<2x1024x128xf32, #tpu.memory_space<vmem>>, vector<1x1024x128xf32>,
    return
  }
  func.func @transform_0(%arg0: i32) -> (i32, i32, i32) {
    %c0_i32 = arith.constant 0 : i32
    %c0_i32_0 = arith.constant 0 : i32
    %c0_i32_1 = arith.constant 0 : i32
    return %c0_i32, %arg0, %c0_i32_0 : i32, i32, i32
  }
  func.func @transform_1(%arg0: i32) -> (i32, i32) {
    %c0_i32 = arith.constant 0 : i32
    %c0_i32_0 = arith.constant 0 : i32
    %c0_i32_1 = arith.constant 0 : i32
    return %c0_i32, %c0_i32_0 : i32, i32
  }
  func.func @transform_2(%arg0: i32) -> (i32, i32) {
    %c0_i32 = arith.constant 0 : i32
    %c0_i32_0 = arith.constant 0 : i32
    %c0_i32_1 = arith.constant 0 : i32
    return %c0_i32, %c0_i32_0 : i32, i32
  }
  func.func @transform_3(%arg0: i32) -> (i32, i32) {
    %c0_i32 = arith.constant 0 : i32
    %c0_i32_0 = arith.constant 0 : i32
    %c0_i32_1 = arith.constant 0 : i32
    return %c0_i32, %c0_i32_0 : i32, i32
  }
  func.func @transform_4(%arg0: i32) -> (i32, i32) {
    %c0_i32 = arith.constant 0 : i32
    %c0_i32_0 = arith.constant 0 : i32
    %c0_i32_1 = arith.constant 0 : i32
    return %c0_i32, %c0_i32_0 : i32, i32
  }
  func.func @transform_5(%arg0: i32) -> (i32, i32) {
    %c0_i32 = arith.constant 0 : i32
    %c0_i32_0 = arith.constant 0 : i32
    %c0_i32_1 = arith.constant 0 : i32
    return %c0_i32, %c0_i32_0 : i32, i32
  }
  func.func @transform_6(%arg0: i32) -> (i32, i32) {
    %c0_i32 = arith.constant 0 : i32
    %c0_i32_0 = arith.constant 0 : i32
    %c0_i32_1 = arith.constant 0 : i32
    return %c0_i32, %c0_i32_0 : i32, i32
  }
  func.func @transform_7(%arg0: i32) -> (i32, i32) {
    %c0_i32 = arith.constant 0 : i32
    %c0_i32_0 = arith.constant 0 : i32
    %c0_i32_1 = arith.constant 0 : i32
    return %c0_i32, %c0_i32_0 : i32, i32
  }
  func.func @transform_8(%arg0: i32) -> (i32, i32) {
    %c0_i32 = arith.constant 0 : i32
    %c0_i32_0 = arith.constant 0 : i32
    %c0_i32_1 = arith.constant 0 : i32
    return %c0_i32, %c0_i32_0 : i32, i32
  }
  func.func @transform_9(%arg0: i32) -> (i32, i32) {
    %c0_i32 = arith.constant 0 : i32
    %c0_i32_0 = arith.constant 0 : i32
    %c0_i32_1 = arith.constant 0 : i32
    return %c0_i32, %c0_i32_0 : i32, i32
  }
  func.func @transform_10(%arg0: i32) -> (i32, i32) {
    %c0_i32 = arith.constant 0 : i32
    %c0_i32_0 = arith.constant 0 : i32
    %c0_i32_1 = arith.constant 0 : i32
    return %c0_i32, %c0_i32_0 : i32, i32
  }
  func.func @transform_11(%arg0: i32) -> (i32, i32) {
    %c0_i32 = arith.constant 0 : i32
    %c0_i32_0 = arith.constant 0 : i32
    %c0_i32_1 = arith.constant 0 : i32
    return %c0_i32, %c0_i32_0 : i32, i32
  }
  func.func @transform_12(%arg0: i32) -> (i32, i32) {
    %c0_i32 = arith.constant 0 : i32
    %c0_i32_0 = arith.constant 0 : i32
    return %arg0, %c0_i32 : i32, i32
  }
  func.func @transform_13(%arg0: i32) -> (i32, i32) {
    %c0_i32 = arith.constant 0 : i32
    %c0_i32_0 = arith.constant 0 : i32
    return %arg0, %c0_i32 : i32, i32
  }
  func.func @transform_14(%arg0: i32) -> (i32, i32, i32) {
    %c0_i32 = arith.constant 0 : i32
    %c0_i32_0 = arith.constant 0 : i32
    %c0_i32_1 = arith.constant 0 : i32
    return %c0_i32, %arg0, %c0_i32_0 : i32, i32, i32
  }
  func.func @transform_15(%arg0: i32) -> (i32, i32, i32) {
    %c0_i32 = arith.constant 0 : i32
    %c0_i32_0 = arith.constant 0 : i32
    %c0_i32_1 = arith.constant 0 : i32
    return %c0_i32, %arg0, %c0_i32_0 : i32, i32, i32
  }
}

module attributes {stable_mosaic.version = 14 : i64} {
  func.func @_node1_body(%arg0: i32, %arg1: memref<2x1024x128xf32, #tpu.memory_space<vmem>>, %arg2: memref<1024x16xf32, #tpu.memory_space<vmem>>, %arg3: memref<1024x128xf32, #tpu.memory_space<vmem>>, %arg4: memref<128x128xf32, #tpu.memory_space<vmem>>, %arg5: memref<128x128xf32, #tpu.memory_space<vmem>>, %arg6: memref<1x128xf32, #tpu.memory_space<vmem>>, %arg7: memref<128x512xf32, #tpu.memory_space<vmem>>, %arg8: memref<1x512xf32, #tpu.memory_space<vmem>>, %arg9: memref<1x128xf32, #tpu.memory_space<vmem>>, %arg10: memref<1x128xf32, #tpu.memory_space<vmem>>, %arg11: memref<128x128xf32, #tpu.memory_space<vmem>>, %arg12: memref<128x128xf32, #tpu.memory_space<vmem>>, %arg13: memref<128x128xf32, #tpu.memory_space<vmem>>, %arg14: memref<128x128xf32, #tpu.memory_space<vmem>>, %arg15: memref<1x128xf32, #tpu.memory_space<vmem>>, %arg16: memref<1x128xf32, #tpu.memory_space<vmem>>, %arg17: memref<1024x128xf32, #tpu.memory_space<vmem>>, %arg18: memref<1024x128xf32, #tpu.memory_space<vmem>>, %arg19: memref<2x1024x128xf32, #tpu.memory_space<vmem>>, %arg20: memref<2x1024x128xf32, #tpu.memory_space<vmem>>) attributes {dimension_semantics = [#tpu.dimension_semantics<arbitrary>], iteration_bounds = array<i64: 10>, scalar_prefetch = 0 : i64, scratch_operands = 0 : i64, tpu.core_type = #tpu.core_type<tc>, window_params = [{transform_indices = @transform_0, window_bounds = array<i64: 2, 1024, 128>}, {transform_indices = @transform_1, window_bounds = array<i64: 1024, 16>}, {transform_indices = @transform_2, window_bounds = array<i64: 1024, 128>}, {pipeline_mode = #tpu.pipeline_mode<synchronous>, transform_indices = @transform_3, window_bounds = array<i64: 128, 128>}, {pipeline_mode = #tpu.pipeline_mode<synchronous>, transform_indices = @transform_4, window_bounds = array<i64: 128, 128>}, {pipeline_mode = #tpu.pipeline_mode<synchronous>, transform_indices = @transform_5, window_bounds = array<i64: 1, 128>}, {pipeline_mode = #tpu.pipeline_mode<synchronous>, transform_indices = @transform_6, window_bounds = array<i64: 128, 512>}, {pipeline_mode = #tpu.pipeline_mode<synchronous>, transform_indices = @transform_7, window_bounds = array<i64: 1, 512>}, {pipeline_mode = #tpu.pipeline_mode<synchronous>, transform_indices = @transform_8, window_bounds = array<i64: 1, 128>}, {pipeline_mode = #tpu.pipeline_mode<synchronous>, transform_indices = @transform_9, window_bounds = array<i64: 1, 128>}, {pipeline_mode = #tpu.pipeline_mode<synchronous>, transform_indices = @transform_10, window_bounds = array<i64: 128, 128>}, {pipeline_mode = #tpu.pipeline_mode<synchronous>, transform_indices = @transform_11, window_bounds = array<i64: 128, 128>}, {pipeline_mode = #tpu.pipeline_mode<synchronous>, transform_indices = @transform_12, window_bounds = array<i64: 128, 128>}, {pipeline_mode = #tpu.pipeline_mode<synchronous>, transform_indices = @transform_13, window_bounds = array<i64: 128, 128>}, {pipeline_mode = #tpu.pipeline_mode<synchronous>, transform_indices = @transform_14, window_bounds = array<i64: 1, 128>}, {pipeline_mode = #tpu.pipeline_mode<synchronous>, transform_indices = @transform_15, window_bounds = array<i64: 1, 128>}, {transform_indices = @transform_16, window_bounds = array<i64: 1024, 128>}, {transform_indices = @transform_17, window_bounds = array<i64: 1024, 128>}, {transform_indices = @transform_18, window_bounds = array<i64: 2, 1024, 128>}, {transform_indices = @transform_19, window_bounds = array<i64: 2, 1024, 128>}]} {
    %get3A = arith.constant 0 : index
    %get3A_0 = arith.constant 0 : index
    %get3A_1 = vector.load %arg3[%get3A, %get3A_0] : memref<1024x128xf32, #tpu.memory_space<vmem>>, vector<1024x128xf32>
    %get3A_2 = arith.constant 0 : index
    %get3A_3 = arith.constant 0 : index
    %get3A_4 = arith.constant 0 : index
    %get3A_5 = vector.load %arg1[%get3A_2, %get3A_3, %get3A_4] : memref<2x1024x128xf32, #tpu.memory_space<vmem>>, vector<1x1024x128xf32>
    %get3A_6 = vector.shape_cast %get3A_5 : vector<1x1024x128xf32> to vector<1024x128xf32>
    %get3A_7 = arith.constant 0 : index
    %get3A_8 = arith.constant 0 : index
    %get3A_9 = vector.load %arg4[%get3A_7, %get3A_8] : memref<128x128xf32, #tpu.memory_space<vmem>>, vector<128x128xf32>
    %dot_general3A = arith.constant dense<0.000000e+00> : vector<1024x128xf32>
    %dot_general3A_10 = tpu.matmul %get3A_6, %get3A_9, %dot_general3A {dimension_numbers = #tpu.dot_dimension_numbers<[1], [0], [0], [1], [0, 0, 1, 1], [], []>, transpose_lhs_hint = false} : vector<1024x128xf32>, vector<128x128xf32>, vector<1024x128xf32> -> vector<1024x128xf32>
    %get3A_11 = arith.constant 1 : index
    %get3A_12 = arith.constant 0 : index
    %get3A_13 = arith.constant 0 : index
    %get3A_14 = vector.load %arg1[%get3A_11, %get3A_12, %get3A_13] : memref<2x1024x128xf32, #tpu.memory_space<vmem>>, vector<1x1024x128xf32>
    %get3A_15 = vector.shape_cast %get3A_14 : vector<1x1024x128xf32> to vector<1024x128xf32>
    %get3A_16 = arith.constant 0 : index
    %get3A_17 = arith.constant 0 : index
    %get3A_18 = vector.load %arg5[%get3A_16, %get3A_17] : memref<128x128xf32, #tpu.memory_space<vmem>>, vector<128x128xf32>
    %dot_general3A_19 = arith.constant dense<0.000000e+00> : vector<1024x128xf32>
    %dot_general3A_20 = tpu.matmul %get3A_15, %get3A_18, %dot_general3A_19 {dimension_numbers = #tpu.dot_dimension_numbers<[1], [0], [0], [1], [0, 0, 1, 1], [], []>, transpose_lhs_hint = false} : vector<1024x128xf32>, vector<128x128xf32>, vector<1024x128xf32> -> vector<1024x128xf32>
    %add3A = arith.addf %dot_general3A_10, %dot_general3A_20 : vector<1024x128xf32>
    %get3A_21 = arith.constant 0 : index
    %get3A_22 = arith.constant 0 : index
    %get3A_23 = vector.load %arg2[%get3A_21, %get3A_22] : memref<1024x16xf32, #tpu.memory_space<vmem>>, vector<1024x1xf32>
    %get3A_24 = arith.constant 0 : index
    %get3A_25 = arith.constant 0 : index
    %get3A_26 = vector.load %arg6[%get3A_24, %get3A_25] : memref<1x128xf32, #tpu.memory_space<vmem>>, vector<1x128xf32>
    %mul3A = vector.broadcast %get3A_23 : vector<1024x1xf32> to vector<1024x128xf32>
    %mul3A_27 = vector.broadcast %get3A_26 : vector<1x128xf32> to vector<1024x128xf32>
    %mul3A_28 = arith.mulf %mul3A, %mul3A_27 : vector<1024x128xf32>
    %add3A_29 = arith.addf %add3A, %mul3A_28 : vector<1024x128xf32>
    %get3A_30 = arith.constant 0 : index
    %get3A_31 = arith.constant 0 : index
    %get3A_32 = vector.load %arg2[%get3A_30, %get3A_31] : memref<1024x16xf32, #tpu.memory_space<vmem>>, vector<1024x1xf32>
    %max3A = arith.constant 1.000000e+00 : f32
    %max3A_33 = vector.broadcast %max3A : f32 to vector<1024x1xf32>
    %max3A_34 = arith.maximumf %get3A_32, %max3A_33 : vector<1024x1xf32>
    %div3A = vector.broadcast %max3A_34 : vector<1024x1xf32> to vector<1024x128xf32>
    %div3A_35 = arith.divf %add3A_29, %div3A : vector<1024x128xf32>
    %get3A_36 = arith.constant 0 : index
    %get3A_37 = arith.constant 0 : index
    %get3A_38 = vector.load %arg7[%get3A_36, %get3A_37] : memref<128x512xf32, #tpu.memory_space<vmem>>, vector<128x512xf32>
    %dot_general3A_39 = arith.constant dense<0.000000e+00> : vector<1024x512xf32>
    %dot_general3A_40 = tpu.matmul %div3A_35, %get3A_38, %dot_general3A_39 {dimension_numbers = #tpu.dot_dimension_numbers<[1], [0], [0], [1], [0, 0, 1, 1], [], []>, transpose_lhs_hint = false} : vector<1024x128xf32>, vector<128x512xf32>, vector<1024x512xf32> -> vector<1024x512xf32>
    %get3A_41 = arith.constant 0 : index
    %get3A_42 = arith.constant 0 : index
    %get3A_43 = vector.load %arg8[%get3A_41, %get3A_42] : memref<1x512xf32, #tpu.memory_space<vmem>>, vector<1x512xf32>
    %add3A_44 = vector.broadcast %get3A_43 : vector<1x512xf32> to vector<1024x512xf32>
    %add3A_45 = arith.addf %dot_general3A_40, %add3A_44 : vector<1024x512xf32>
    %slice3A = vector.extract_strided_slice %add3A_45 {offsets = [0, 0], sizes = [1024, 128], strides = [1, 1]} : vector<1024x512xf32> to vector<1024x128xf32>
    %logistic3A = arith.negf %slice3A : vector<1024x128xf32>
    %logistic3A_46 = math.exp %logistic3A : vector<1024x128xf32>
    %logistic3A_47 = arith.constant 1.000000e+00 : f32
    %logistic3A_48 = vector.broadcast %logistic3A_47 : f32 to vector<1024x128xf32>
    %logistic3A_49 = arith.addf %logistic3A_48, %logistic3A_46 : vector<1024x128xf32>
    %logistic3A_50 = arith.divf %logistic3A_48, %logistic3A_49 : vector<1024x128xf32>
    %slice3A_51 = vector.extract_strided_slice %add3A_45 {offsets = [0, 128], sizes = [1024, 128], strides = [1, 1]} : vector<1024x512xf32> to vector<1024x128xf32>
    %logistic3A_52 = arith.negf %slice3A_51 : vector<1024x128xf32>
    %logistic3A_53 = math.exp %logistic3A_52 : vector<1024x128xf32>
    %logistic3A_54 = arith.constant 1.000000e+00 : f32
    %logistic3A_55 = vector.broadcast %logistic3A_54 : f32 to vector<1024x128xf32>
    %logistic3A_56 = arith.addf %logistic3A_55, %logistic3A_53 : vector<1024x128xf32>
    %logistic3A_57 = arith.divf %logistic3A_55, %logistic3A_56 : vector<1024x128xf32>
    %slice3A_58 = vector.extract_strided_slice %add3A_45 {offsets = [0, 256], sizes = [1024, 128], strides = [1, 1]} : vector<1024x512xf32> to vector<1024x128xf32>
    %tanh3A = math.tanh %slice3A_58 : vector<1024x128xf32>
    %slice3A_59 = vector.extract_strided_slice %add3A_45 {offsets = [0, 384], sizes = [1024, 128], strides = [1, 1]} : vector<1024x512xf32> to vector<1024x128xf32>
    %logistic3A_60 = arith.negf %slice3A_59 : vector<1024x128xf32>
    %logistic3A_61 = math.exp %logistic3A_60 : vector<1024x128xf32>
    %logistic3A_62 = arith.constant 1.000000e+00 : f32
    %logistic3A_63 = vector.broadcast %logistic3A_62 : f32 to vector<1024x128xf32>
    %logistic3A_64 = arith.addf %logistic3A_63, %logistic3A_61 : vector<1024x128xf32>
    %logistic3A_65 = arith.divf %logistic3A_63, %logistic3A_64 : vector<1024x128xf32>
    %mul3A_66 = arith.mulf %logistic3A_57, %get3A_1 : vector<1024x128xf32>
    %mul3A_67 = arith.mulf %logistic3A_50, %tanh3A : vector<1024x128xf32>
    %add3A_68 = arith.addf %mul3A_66, %mul3A_67 : vector<1024x128xf32>
    %tanh3A_69 = math.tanh %add3A_68 : vector<1024x128xf32>
    %mul3A_70 = arith.mulf %logistic3A_65, %tanh3A_69 : vector<1024x128xf32>
    %swap3A = arith.constant 0 : index
    %swap3A_71 = arith.constant 0 : index
    %swap3A_72 = vector.load %arg18[%swap3A, %swap3A_71] : memref<1024x128xf32, #tpu.memory_space<vmem>>, vector<1024x128xf32>
    tpu.vector_store %arg18[%swap3A, %swap3A_71], %mul3A_70 {strides = array<i32>} : memref<1024x128xf32, #tpu.memory_space<vmem>>, vector<1024x128xf32>,
    %add3A_73 = arith.addf %get3A_1, %add3A_68 : vector<1024x128xf32>
    %reduce_sum3A = arith.constant dense<0.000000e+00> : vector<1024xf32>
    %reduce_sum3A_74 = vector.multi_reduction <add>, %add3A_73, %reduce_sum3A [1] : vector<1024x128xf32> to vector<1024xf32>
    %broadcast_in_dim3A = vector.shape_cast %reduce_sum3A_74 : vector<1024xf32> to vector<1024x1xf32>
    %div3A_75 = arith.constant 1.280000e+02 : f32
    %div3A_76 = vector.broadcast %div3A_75 : f32 to vector<1024x1xf32>
    %div3A_77 = arith.divf %broadcast_in_dim3A, %div3A_76 : vector<1024x1xf32>
    %sub3A = vector.broadcast %div3A_77 : vector<1024x1xf32> to vector<1024x128xf32>
    %sub3A_78 = arith.subf %add3A_73, %sub3A : vector<1024x128xf32>
    %integer_pow3A = arith.mulf %sub3A_78, %sub3A_78 : vector<1024x128xf32>
    %reduce_sum3A_79 = arith.constant dense<0.000000e+00> : vector<1024xf32>
    %reduce_sum3A_80 = vector.multi_reduction <add>, %integer_pow3A, %reduce_sum3A_79 [1] : vector<1024x128xf32> to vector<1024xf32>
    %broadcast_in_dim3A_81 = vector.shape_cast %reduce_sum3A_80 : vector<1024xf32> to vector<1024x1xf32>
    %div3A_82 = arith.constant 1.280000e+02 : f32
    %div3A_83 = vector.broadcast %div3A_82 : f32 to vector<1024x1xf32>
    %div3A_84 = arith.divf %broadcast_in_dim3A_81, %div3A_83 : vector<1024x1xf32>
    %sub3A_85 = vector.broadcast %div3A_77 : vector<1024x1xf32> to vector<1024x128xf32>
    %sub3A_86 = arith.subf %add3A_73, %sub3A_85 : vector<1024x128xf32>
    %add3A_87 = arith.constant 9.99999974E-6 : f32
    %add3A_88 = vector.broadcast %add3A_87 : f32 to vector<1024x1xf32>
    %add3A_89 = arith.addf %div3A_84, %add3A_88 : vector<1024x1xf32>
    %sqrt3A = math.sqrt %add3A_89 : vector<1024x1xf32>
    %div3A_90 = vector.broadcast %sqrt3A : vector<1024x1xf32> to vector<1024x128xf32>
    %div3A_91 = arith.divf %sub3A_86, %div3A_90 : vector<1024x128xf32>
    %get3A_92 = arith.constant 0 : index
    %get3A_93 = arith.constant 0 : index
    %get3A_94 = vector.load %arg9[%get3A_92, %get3A_93] : memref<1x128xf32, #tpu.memory_space<vmem>>, vector<1x128xf32>
    %mul3A_95 = vector.broadcast %get3A_94 : vector<1x128xf32> to vector<1024x128xf32>
    %mul3A_96 = arith.mulf %div3A_91, %mul3A_95 : vector<1024x128xf32>
    %get3A_97 = arith.constant 0 : index
    %get3A_98 = arith.constant 0 : index
    %get3A_99 = vector.load %arg10[%get3A_97, %get3A_98] : memref<1x128xf32, #tpu.memory_space<vmem>>, vector<1x128xf32>
    %add3A_100 = vector.broadcast %get3A_99 : vector<1x128xf32> to vector<1024x128xf32>
    %add3A_101 = arith.addf %mul3A_96, %add3A_100 : vector<1024x128xf32>
    %swap3A_102 = arith.constant 0 : index
    %swap3A_103 = arith.constant 0 : index
    %swap3A_104 = vector.load %arg17[%swap3A_102, %swap3A_103] : memref<1024x128xf32, #tpu.memory_space<vmem>>, vector<1024x128xf32>
    tpu.vector_store %arg17[%swap3A_102, %swap3A_103], %add3A_101 {strides = array<i32>} : memref<1024x128xf32, #tpu.memory_space<vmem>>, vector<1024x128xf32>,
    %get3A_105 = arith.constant 0 : index
    %get3A_106 = arith.constant 0 : index
    %get3A_107 = vector.load %arg11[%get3A_105, %get3A_106] : memref<128x128xf32, #tpu.memory_space<vmem>>, vector<128x128xf32>
    %dot_general3A_108 = arith.constant dense<0.000000e+00> : vector<1024x128xf32>
    %dot_general3A_109 = tpu.matmul %add3A_101, %get3A_107, %dot_general3A_108 {dimension_numbers = #tpu.dot_dimension_numbers<[1], [0], [0], [1], [0, 0, 1, 1], [], []>, transpose_lhs_hint = false} : vector<1024x128xf32>, vector<128x128xf32>, vector<1024x128xf32> -> vector<1024x128xf32>
    %swap3A_110 = arith.constant 0 : index
    %swap3A_111 = arith.constant 0 : index
    %swap3A_112 = arith.constant 0 : index
    %swap3A_113 = vector.load %arg19[%swap3A_110, %swap3A_111, %swap3A_112] : memref<2x1024x128xf32, #tpu.memory_space<vmem>>, vector<1x1024x128xf32>
    %swap3A_114 = vector.shape_cast %swap3A_113 : vector<1x1024x128xf32> to vector<1024x128xf32>
    %swap3A_115 = vector.shape_cast %dot_general3A_109 : vector<1024x128xf32> to vector<1x1024x128xf32>
    tpu.vector_store %arg19[%swap3A_110, %swap3A_111, %swap3A_112], %swap3A_115 {strides = array<i32>} : memref<2x1024x128xf32, #tpu.memory_space<vmem>>, vector<1x1024x128xf32>,
    %get3A_116 = arith.constant 0 : index
    %get3A_117 = arith.constant 0 : index
    %get3A_118 = vector.load %arg12[%get3A_116, %get3A_117] : memref<128x128xf32, #tpu.memory_space<vmem>>, vector<128x128xf32>
    %dot_general3A_119 = arith.constant dense<0.000000e+00> : vector<1024x128xf32>
    %dot_general3A_120 = tpu.matmul %add3A_101, %get3A_118, %dot_general3A_119 {dimension_numbers = #tpu.dot_dimension_numbers<[1], [0], [0], [1], [0, 0, 1, 1], [], []>, transpose_lhs_hint = false} : vector<1024x128xf32>, vector<128x128xf32>, vector<1024x128xf32> -> vector<1024x128xf32>
    %swap3A_121 = arith.constant 1 : index
    %swap3A_122 = arith.constant 0 : index
    %swap3A_123 = arith.constant 0 : index
    %swap3A_124 = vector.load %arg19[%swap3A_121, %swap3A_122, %swap3A_123] : memref<2x1024x128xf32, #tpu.memory_space<vmem>>, vector<1x1024x128xf32>
    %swap3A_125 = vector.shape_cast %swap3A_124 : vector<1x1024x128xf32> to vector<1024x128xf32>
    %swap3A_126 = vector.shape_cast %dot_general3A_120 : vector<1024x128xf32> to vector<1x1024x128xf32>
    tpu.vector_store %arg19[%swap3A_121, %swap3A_122, %swap3A_123], %swap3A_126 {strides = array<i32>} : memref<2x1024x128xf32, #tpu.memory_space<vmem>>, vector<1x1024x128xf32>,
    %get3A_127 = arith.constant 0 : index
    %get3A_128 = arith.constant 0 : index
    %get3A_129 = vector.load %arg13[%get3A_127, %get3A_128] : memref<128x128xf32, #tpu.memory_space<vmem>>, vector<128x128xf32>
    %dot_general3A_130 = arith.constant dense<0.000000e+00> : vector<1024x128xf32>
    %dot_general3A_131 = tpu.matmul %add3A_101, %get3A_129, %dot_general3A_130 {dimension_numbers = #tpu.dot_dimension_numbers<[1], [0], [0], [1], [0, 0, 1, 1], [], []>, transpose_lhs_hint = false} : vector<1024x128xf32>, vector<128x128xf32>, vector<1024x128xf32> -> vector<1024x128xf32>
    %get3A_132 = arith.constant 0 : index
    %get3A_133 = arith.constant 0 : index
    %get3A_134 = vector.load %arg15[%get3A_132, %get3A_133] : memref<1x128xf32, #tpu.memory_space<vmem>>, vector<1x128xf32>
    %add3A_135 = vector.broadcast %get3A_134 : vector<1x128xf32> to vector<1024x128xf32>
    %add3A_136 = arith.addf %dot_general3A_131, %add3A_135 : vector<1024x128xf32>
    %swap3A_137 = arith.constant 0 : index
    %swap3A_138 = arith.constant 0 : index
    %swap3A_139 = arith.constant 0 : index
    %swap3A_140 = vector.load %arg20[%swap3A_137, %swap3A_138, %swap3A_139] : memref<2x1024x128xf32, #tpu.memory_space<vmem>>, vector<1x1024x128xf32>
    %swap3A_141 = vector.shape_cast %swap3A_140 : vector<1x1024x128xf32> to vector<1024x128xf32>
    %swap3A_142 = vector.shape_cast %add3A_136 : vector<1024x128xf32> to vector<1x1024x128xf32>
    tpu.vector_store %arg20[%swap3A_137, %swap3A_138, %swap3A_139], %swap3A_142 {strides = array<i32>} : memref<2x1024x128xf32, #tpu.memory_space<vmem>>, vector<1x1024x128xf32>,
    %get3A_143 = arith.constant 0 : index
    %get3A_144 = arith.constant 0 : index
    %get3A_145 = vector.load %arg14[%get3A_143, %get3A_144] : memref<128x128xf32, #tpu.memory_space<vmem>>, vector<128x128xf32>
    %dot_general3A_146 = arith.constant dense<0.000000e+00> : vector<1024x128xf32>
    %dot_general3A_147 = tpu.matmul %add3A_101, %get3A_145, %dot_general3A_146 {dimension_numbers = #tpu.dot_dimension_numbers<[1], [0], [0], [1], [0, 0, 1, 1], [], []>, transpose_lhs_hint = false} : vector<1024x128xf32>, vector<128x128xf32>, vector<1024x128xf32> -> vector<1024x128xf32>
    %get3A_148 = arith.constant 0 : index
    %get3A_149 = arith.constant 0 : index
    %get3A_150 = vector.load %arg16[%get3A_148, %get3A_149] : memref<1x128xf32, #tpu.memory_space<vmem>>, vector<1x128xf32>
    %add3A_151 = vector.broadcast %get3A_150 : vector<1x128xf32> to vector<1024x128xf32>
    %add3A_152 = arith.addf %dot_general3A_147, %add3A_151 : vector<1024x128xf32>
    %swap3A_153 = arith.constant 1 : index
    %swap3A_154 = arith.constant 0 : index
    %swap3A_155 = arith.constant 0 : index
    %swap3A_156 = vector.load %arg20[%swap3A_153, %swap3A_154, %swap3A_155] : memref<2x1024x128xf32, #tpu.memory_space<vmem>>, vector<1x1024x128xf32>
    %swap3A_157 = vector.shape_cast %swap3A_156 : vector<1x1024x128xf32> to vector<1024x128xf32>
    %swap3A_158 = vector.shape_cast %add3A_152 : vector<1024x128xf32> to vector<1x1024x128xf32>
    tpu.vector_store %arg20[%swap3A_153, %swap3A_154, %swap3A_155], %swap3A_158 {strides = array<i32>} : memref<2x1024x128xf32, #tpu.memory_space<vmem>>, vector<1x1024x128xf32>,
    return
  }
  func.func @transform_0(%arg0: i32) -> (i32, i32, i32) {
    %c0_i32 = arith.constant 0 : i32
    %c0_i32_0 = arith.constant 0 : i32
    %c0_i32_1 = arith.constant 0 : i32
    return %c0_i32, %arg0, %c0_i32_0 : i32, i32, i32
  }
  func.func @transform_1(%arg0: i32) -> (i32, i32) {
    %c0_i32 = arith.constant 0 : i32
    %c0_i32_0 = arith.constant 0 : i32
    return %arg0, %c0_i32 : i32, i32
  }
  func.func @transform_2(%arg0: i32) -> (i32, i32) {
    %c0_i32 = arith.constant 0 : i32
    %c0_i32_0 = arith.constant 0 : i32
    return %arg0, %c0_i32 : i32, i32
  }
  func.func @transform_3(%arg0: i32) -> (i32, i32) {
    %c0_i32 = arith.constant 0 : i32
    %c0_i32_0 = arith.constant 0 : i32
    %c0_i32_1 = arith.constant 0 : i32
    return %c0_i32, %c0_i32_0 : i32, i32
  }
  func.func @transform_4(%arg0: i32) -> (i32, i32) {
    %c0_i32 = arith.constant 0 : i32
    %c0_i32_0 = arith.constant 0 : i32
    %c0_i32_1 = arith.constant 0 : i32
    return %c0_i32, %c0_i32_0 : i32, i32
  }
  func.func @transform_5(%arg0: i32) -> (i32, i32) {
    %c0_i32 = arith.constant 0 : i32
    %c0_i32_0 = arith.constant 0 : i32
    %c0_i32_1 = arith.constant 0 : i32
    return %c0_i32, %c0_i32_0 : i32, i32
  }
  func.func @transform_6(%arg0: i32) -> (i32, i32) {
    %c0_i32 = arith.constant 0 : i32
    %c0_i32_0 = arith.constant 0 : i32
    %c0_i32_1 = arith.constant 0 : i32
    return %c0_i32, %c0_i32_0 : i32, i32
  }
  func.func @transform_7(%arg0: i32) -> (i32, i32) {
    %c0_i32 = arith.constant 0 : i32
    %c0_i32_0 = arith.constant 0 : i32
    %c0_i32_1 = arith.constant 0 : i32
    return %c0_i32, %c0_i32_0 : i32, i32
  }
  func.func @transform_8(%arg0: i32) -> (i32, i32) {
    %c0_i32 = arith.constant 0 : i32
    %c0_i32_0 = arith.constant 0 : i32
    %c0_i32_1 = arith.constant 0 : i32
    return %c0_i32, %c0_i32_0 : i32, i32
  }
  func.func @transform_9(%arg0: i32) -> (i32, i32) {
    %c0_i32 = arith.constant 0 : i32
    %c0_i32_0 = arith.constant 0 : i32
    %c0_i32_1 = arith.constant 0 : i32
    return %c0_i32, %c0_i32_0 : i32, i32
  }
  func.func @transform_10(%arg0: i32) -> (i32, i32) {
    %c0_i32 = arith.constant 0 : i32
    %c0_i32_0 = arith.constant 0 : i32
    %c0_i32_1 = arith.constant 0 : i32
    return %c0_i32, %c0_i32_0 : i32, i32
  }
  func.func @transform_11(%arg0: i32) -> (i32, i32) {
    %c0_i32 = arith.constant 0 : i32
    %c0_i32_0 = arith.constant 0 : i32
    %c0_i32_1 = arith.constant 0 : i32
    return %c0_i32, %c0_i32_0 : i32, i32
  }
  func.func @transform_12(%arg0: i32) -> (i32, i32) {
    %c0_i32 = arith.constant 0 : i32
    %c0_i32_0 = arith.constant 0 : i32
    %c0_i32_1 = arith.constant 0 : i32
    return %c0_i32, %c0_i32_0 : i32, i32
  }
  func.func @transform_13(%arg0: i32) -> (i32, i32) {
    %c0_i32 = arith.constant 0 : i32
    %c0_i32_0 = arith.constant 0 : i32
    %c0_i32_1 = arith.constant 0 : i32
    return %c0_i32, %c0_i32_0 : i32, i32
  }
  func.func @transform_14(%arg0: i32) -> (i32, i32) {
    %c0_i32 = arith.constant 0 : i32
    %c0_i32_0 = arith.constant 0 : i32
    %c0_i32_1 = arith.constant 0 : i32
    return %c0_i32, %c0_i32_0 : i32, i32
  }
  func.func @transform_15(%arg0: i32) -> (i32, i32) {
    %c0_i32 = arith.constant 0 : i32
    %c0_i32_0 = arith.constant 0 : i32
    %c0_i32_1 = arith.constant 0 : i32
    return %c0_i32, %c0_i32_0 : i32, i32
  }
  func.func @transform_16(%arg0: i32) -> (i32, i32) {
    %c0_i32 = arith.constant 0 : i32
    %c0_i32_0 = arith.constant 0 : i32
    return %arg0, %c0_i32 : i32, i32
  }
  func.func @transform_17(%arg0: i32) -> (i32, i32) {
    %c0_i32 = arith.constant 0 : i32
    %c0_i32_0 = arith.constant 0 : i32
    return %arg0, %c0_i32 : i32, i32
  }
  func.func @transform_18(%arg0: i32) -> (i32, i32, i32) {
    %c0_i32 = arith.constant 0 : i32
    %c0_i32_0 = arith.constant 0 : i32
    %c0_i32_1 = arith.constant 0 : i32
    return %c0_i32, %arg0, %c0_i32_0 : i32, i32, i32
  }
  func.func @transform_19(%arg0: i32) -> (i32, i32, i32) {
    %c0_i32 = arith.constant 0 : i32
    %c0_i32_0 = arith.constant 0 : i32
    %c0_i32_1 = arith.constant 0 : i32
    return %c0_i32, %arg0, %c0_i32_0 : i32, i32, i32
  }
}

module attributes {stable_mosaic.version = 14 : i64} {
  func.func @_node2_body(%arg0: i32, %arg1: memref<2x1024x128xf32, #tpu.memory_space<vmem>>, %arg2: memref<1024x16xf32, #tpu.memory_space<vmem>>, %arg3: memref<1024x128xf32, #tpu.memory_space<vmem>>, %arg4: memref<1024x128xf32, #tpu.memory_space<vmem>>, %arg5: memref<128x128xf32, #tpu.memory_space<vmem>>, %arg6: memref<128x128xf32, #tpu.memory_space<vmem>>, %arg7: memref<1x128xf32, #tpu.memory_space<vmem>>, %arg8: memref<128x512xf32, #tpu.memory_space<vmem>>, %arg9: memref<128x512xf32, #tpu.memory_space<vmem>>, %arg10: memref<1x512xf32, #tpu.memory_space<vmem>>, %arg11: memref<1x128xf32, #tpu.memory_space<vmem>>, %arg12: memref<1x128xf32, #tpu.memory_space<vmem>>, %arg13: memref<128x128xf32, #tpu.memory_space<vmem>>, %arg14: memref<1024x128xf32, #tpu.memory_space<vmem>>) attributes {dimension_semantics = [#tpu.dimension_semantics<arbitrary>], iteration_bounds = array<i64: 10>, scalar_prefetch = 0 : i64, scratch_operands = 0 : i64, tpu.core_type = #tpu.core_type<tc>, window_params = [{transform_indices = @transform_0, window_bounds = array<i64: 2, 1024, 128>}, {transform_indices = @transform_1, window_bounds = array<i64: 1024, 16>}, {transform_indices = @transform_2, window_bounds = array<i64: 1024, 128>}, {transform_indices = @transform_3, window_bounds = array<i64: 1024, 128>}, {pipeline_mode = #tpu.pipeline_mode<synchronous>, transform_indices = @transform_4, window_bounds = array<i64: 128, 128>}, {pipeline_mode = #tpu.pipeline_mode<synchronous>, transform_indices = @transform_5, window_bounds = array<i64: 128, 128>}, {pipeline_mode = #tpu.pipeline_mode<synchronous>, transform_indices = @transform_6, window_bounds = array<i64: 1, 128>}, {pipeline_mode = #tpu.pipeline_mode<synchronous>, transform_indices = @transform_7, window_bounds = array<i64: 128, 512>}, {pipeline_mode = #tpu.pipeline_mode<synchronous>, transform_indices = @transform_8, window_bounds = array<i64: 128, 512>}, {pipeline_mode = #tpu.pipeline_mode<synchronous>, transform_indices = @transform_9, window_bounds = array<i64: 1, 512>}, {pipeline_mode = #tpu.pipeline_mode<synchronous>, transform_indices = @transform_10, window_bounds = array<i64: 1, 128>}, {pipeline_mode = #tpu.pipeline_mode<synchronous>, transform_indices = @transform_11, window_bounds = array<i64: 1, 128>}, {pipeline_mode = #tpu.pipeline_mode<synchronous>, transform_indices = @transform_12, window_bounds = array<i64: 128, 128>}, {transform_indices = @transform_13, window_bounds = array<i64: 1024, 128>}]} {
    %get3A = arith.constant 0 : index
    %get3A_0 = arith.constant 0 : index
    %get3A_1 = vector.load %arg3[%get3A, %get3A_0] : memref<1024x128xf32, #tpu.memory_space<vmem>>, vector<1024x128xf32>
    %get3A_2 = arith.constant 0 : index
    %get3A_3 = arith.constant 0 : index
    %get3A_4 = arith.constant 0 : index
    %get3A_5 = vector.load %arg1[%get3A_2, %get3A_3, %get3A_4] : memref<2x1024x128xf32, #tpu.memory_space<vmem>>, vector<1x1024x128xf32>
    %get3A_6 = vector.shape_cast %get3A_5 : vector<1x1024x128xf32> to vector<1024x128xf32>
    %get3A_7 = arith.constant 0 : index
    %get3A_8 = arith.constant 0 : index
    %get3A_9 = vector.load %arg5[%get3A_7, %get3A_8] : memref<128x128xf32, #tpu.memory_space<vmem>>, vector<128x128xf32>
    %dot_general3A = arith.constant dense<0.000000e+00> : vector<1024x128xf32>
    %dot_general3A_10 = tpu.matmul %get3A_6, %get3A_9, %dot_general3A {dimension_numbers = #tpu.dot_dimension_numbers<[1], [0], [0], [1], [0, 0, 1, 1], [], []>, transpose_lhs_hint = false} : vector<1024x128xf32>, vector<128x128xf32>, vector<1024x128xf32> -> vector<1024x128xf32>
    %get3A_11 = arith.constant 1 : index
    %get3A_12 = arith.constant 0 : index
    %get3A_13 = arith.constant 0 : index
    %get3A_14 = vector.load %arg1[%get3A_11, %get3A_12, %get3A_13] : memref<2x1024x128xf32, #tpu.memory_space<vmem>>, vector<1x1024x128xf32>
    %get3A_15 = vector.shape_cast %get3A_14 : vector<1x1024x128xf32> to vector<1024x128xf32>
    %get3A_16 = arith.constant 0 : index
    %get3A_17 = arith.constant 0 : index
    %get3A_18 = vector.load %arg6[%get3A_16, %get3A_17] : memref<128x128xf32, #tpu.memory_space<vmem>>, vector<128x128xf32>
    %dot_general3A_19 = arith.constant dense<0.000000e+00> : vector<1024x128xf32>
    %dot_general3A_20 = tpu.matmul %get3A_15, %get3A_18, %dot_general3A_19 {dimension_numbers = #tpu.dot_dimension_numbers<[1], [0], [0], [1], [0, 0, 1, 1], [], []>, transpose_lhs_hint = false} : vector<1024x128xf32>, vector<128x128xf32>, vector<1024x128xf32> -> vector<1024x128xf32>
    %add3A = arith.addf %dot_general3A_10, %dot_general3A_20 : vector<1024x128xf32>
    %get3A_21 = arith.constant 0 : index
    %get3A_22 = arith.constant 0 : index
    %get3A_23 = vector.load %arg2[%get3A_21, %get3A_22] : memref<1024x16xf32, #tpu.memory_space<vmem>>, vector<1024x1xf32>
    %get3A_24 = arith.constant 0 : index
    %get3A_25 = arith.constant 0 : index
    %get3A_26 = vector.load %arg7[%get3A_24, %get3A_25] : memref<1x128xf32, #tpu.memory_space<vmem>>, vector<1x128xf32>
    %mul3A = vector.broadcast %get3A_23 : vector<1024x1xf32> to vector<1024x128xf32>
    %mul3A_27 = vector.broadcast %get3A_26 : vector<1x128xf32> to vector<1024x128xf32>
    %mul3A_28 = arith.mulf %mul3A, %mul3A_27 : vector<1024x128xf32>
    %add3A_29 = arith.addf %add3A, %mul3A_28 : vector<1024x128xf32>
    %get3A_30 = arith.constant 0 : index
    %get3A_31 = arith.constant 0 : index
    %get3A_32 = vector.load %arg2[%get3A_30, %get3A_31] : memref<1024x16xf32, #tpu.memory_space<vmem>>, vector<1024x1xf32>
    %max3A = arith.constant 1.000000e+00 : f32
    %max3A_33 = vector.broadcast %max3A : f32 to vector<1024x1xf32>
    %max3A_34 = arith.maximumf %get3A_32, %max3A_33 : vector<1024x1xf32>
    %div3A = vector.broadcast %max3A_34 : vector<1024x1xf32> to vector<1024x128xf32>
    %div3A_35 = arith.divf %add3A_29, %div3A : vector<1024x128xf32>
    %get3A_36 = arith.constant 0 : index
    %get3A_37 = arith.constant 0 : index
    %get3A_38 = vector.load %arg8[%get3A_36, %get3A_37] : memref<128x512xf32, #tpu.memory_space<vmem>>, vector<128x512xf32>
    %dot_general3A_39 = arith.constant dense<0.000000e+00> : vector<1024x512xf32>
    %dot_general3A_40 = tpu.matmul %div3A_35, %get3A_38, %dot_general3A_39 {dimension_numbers = #tpu.dot_dimension_numbers<[1], [0], [0], [1], [0, 0, 1, 1], [], []>, transpose_lhs_hint = false} : vector<1024x128xf32>, vector<128x512xf32>, vector<1024x512xf32> -> vector<1024x512xf32>
    %get3A_41 = arith.constant 0 : index
    %get3A_42 = arith.constant 0 : index
    %get3A_43 = vector.load %arg4[%get3A_41, %get3A_42] : memref<1024x128xf32, #tpu.memory_space<vmem>>, vector<1024x128xf32>
    %get3A_44 = arith.constant 0 : index
    %get3A_45 = arith.constant 0 : index
    %get3A_46 = vector.load %arg9[%get3A_44, %get3A_45] : memref<128x512xf32, #tpu.memory_space<vmem>>, vector<128x512xf32>
    %dot_general3A_47 = arith.constant dense<0.000000e+00> : vector<1024x512xf32>
    %dot_general3A_48 = tpu.matmul %get3A_43, %get3A_46, %dot_general3A_47 {dimension_numbers = #tpu.dot_dimension_numbers<[1], [0], [0], [1], [0, 0, 1, 1], [], []>, transpose_lhs_hint = false} : vector<1024x128xf32>, vector<128x512xf32>, vector<1024x512xf32> -> vector<1024x512xf32>
    %add3A_49 = arith.addf %dot_general3A_40, %dot_general3A_48 : vector<1024x512xf32>
    %get3A_50 = arith.constant 0 : index
    %get3A_51 = arith.constant 0 : index
    %get3A_52 = vector.load %arg10[%get3A_50, %get3A_51] : memref<1x512xf32, #tpu.memory_space<vmem>>, vector<1x512xf32>
    %add3A_53 = vector.broadcast %get3A_52 : vector<1x512xf32> to vector<1024x512xf32>
    %add3A_54 = arith.addf %add3A_49, %add3A_53 : vector<1024x512xf32>
    %slice3A = vector.extract_strided_slice %add3A_54 {offsets = [0, 0], sizes = [1024, 128], strides = [1, 1]} : vector<1024x512xf32> to vector<1024x128xf32>
    %logistic3A = arith.negf %slice3A : vector<1024x128xf32>
    %logistic3A_55 = math.exp %logistic3A : vector<1024x128xf32>
    %logistic3A_56 = arith.constant 1.000000e+00 : f32
    %logistic3A_57 = vector.broadcast %logistic3A_56 : f32 to vector<1024x128xf32>
    %logistic3A_58 = arith.addf %logistic3A_57, %logistic3A_55 : vector<1024x128xf32>
    %logistic3A_59 = arith.divf %logistic3A_57, %logistic3A_58 : vector<1024x128xf32>
    %slice3A_60 = vector.extract_strided_slice %add3A_54 {offsets = [0, 128], sizes = [1024, 128], strides = [1, 1]} : vector<1024x512xf32> to vector<1024x128xf32>
    %logistic3A_61 = arith.negf %slice3A_60 : vector<1024x128xf32>
    %logistic3A_62 = math.exp %logistic3A_61 : vector<1024x128xf32>
    %logistic3A_63 = arith.constant 1.000000e+00 : f32
    %logistic3A_64 = vector.broadcast %logistic3A_63 : f32 to vector<1024x128xf32>
    %logistic3A_65 = arith.addf %logistic3A_64, %logistic3A_62 : vector<1024x128xf32>
    %logistic3A_66 = arith.divf %logistic3A_64, %logistic3A_65 : vector<1024x128xf32>
    %slice3A_67 = vector.extract_strided_slice %add3A_54 {offsets = [0, 256], sizes = [1024, 128], strides = [1, 1]} : vector<1024x512xf32> to vector<1024x128xf32>
    %tanh3A = math.tanh %slice3A_67 : vector<1024x128xf32>
    %mul3A_68 = arith.mulf %logistic3A_66, %get3A_1 : vector<1024x128xf32>
    %mul3A_69 = arith.mulf %logistic3A_59, %tanh3A : vector<1024x128xf32>
    %add3A_70 = arith.addf %mul3A_68, %mul3A_69 : vector<1024x128xf32>
    %add3A_71 = arith.addf %get3A_1, %add3A_70 : vector<1024x128xf32>
    %reduce_sum3A = arith.constant dense<0.000000e+00> : vector<1024xf32>
    %reduce_sum3A_72 = vector.multi_reduction <add>, %add3A_71, %reduce_sum3A [1] : vector<1024x128xf32> to vector<1024xf32>
    %broadcast_in_dim3A = vector.shape_cast %reduce_sum3A_72 : vector<1024xf32> to vector<1024x1xf32>
    %div3A_73 = arith.constant 1.280000e+02 : f32
    %div3A_74 = vector.broadcast %div3A_73 : f32 to vector<1024x1xf32>
    %div3A_75 = arith.divf %broadcast_in_dim3A, %div3A_74 : vector<1024x1xf32>
    %sub3A = vector.broadcast %div3A_75 : vector<1024x1xf32> to vector<1024x128xf32>
    %sub3A_76 = arith.subf %add3A_71, %sub3A : vector<1024x128xf32>
    %integer_pow3A = arith.mulf %sub3A_76, %sub3A_76 : vector<1024x128xf32>
    %reduce_sum3A_77 = arith.constant dense<0.000000e+00> : vector<1024xf32>
    %reduce_sum3A_78 = vector.multi_reduction <add>, %integer_pow3A, %reduce_sum3A_77 [1] : vector<1024x128xf32> to vector<1024xf32>
    %broadcast_in_dim3A_79 = vector.shape_cast %reduce_sum3A_78 : vector<1024xf32> to vector<1024x1xf32>
    %div3A_80 = arith.constant 1.280000e+02 : f32
    %div3A_81 = vector.broadcast %div3A_80 : f32 to vector<1024x1xf32>
    %div3A_82 = arith.divf %broadcast_in_dim3A_79, %div3A_81 : vector<1024x1xf32>
    %sub3A_83 = vector.broadcast %div3A_75 : vector<1024x1xf32> to vector<1024x128xf32>
    %sub3A_84 = arith.subf %add3A_71, %sub3A_83 : vector<1024x128xf32>
    %add3A_85 = arith.constant 9.99999974E-6 : f32
    %add3A_86 = vector.broadcast %add3A_85 : f32 to vector<1024x1xf32>
    %add3A_87 = arith.addf %div3A_82, %add3A_86 : vector<1024x1xf32>
    %sqrt3A = math.sqrt %add3A_87 : vector<1024x1xf32>
    %div3A_88 = vector.broadcast %sqrt3A : vector<1024x1xf32> to vector<1024x128xf32>
    %div3A_89 = arith.divf %sub3A_84, %div3A_88 : vector<1024x128xf32>
    %get3A_90 = arith.constant 0 : index
    %get3A_91 = arith.constant 0 : index
    %get3A_92 = vector.load %arg11[%get3A_90, %get3A_91] : memref<1x128xf32, #tpu.memory_space<vmem>>, vector<1x128xf32>
    %mul3A_93 = vector.broadcast %get3A_92 : vector<1x128xf32> to vector<1024x128xf32>
    %mul3A_94 = arith.mulf %div3A_89, %mul3A_93 : vector<1024x128xf32>
    %get3A_95 = arith.constant 0 : index
    %get3A_96 = arith.constant 0 : index
    %get3A_97 = vector.load %arg12[%get3A_95, %get3A_96] : memref<1x128xf32, #tpu.memory_space<vmem>>, vector<1x128xf32>
    %add3A_98 = vector.broadcast %get3A_97 : vector<1x128xf32> to vector<1024x128xf32>
    %add3A_99 = arith.addf %mul3A_94, %add3A_98 : vector<1024x128xf32>
    %get3A_100 = arith.constant 0 : index
    %get3A_101 = arith.constant 0 : index
    %get3A_102 = vector.load %arg13[%get3A_100, %get3A_101] : memref<128x128xf32, #tpu.memory_space<vmem>>, vector<128x128xf32>
    %dot_general3A_103 = arith.constant dense<0.000000e+00> : vector<1024x128xf32>
    %dot_general3A_104 = tpu.matmul %add3A_99, %get3A_102, %dot_general3A_103 {dimension_numbers = #tpu.dot_dimension_numbers<[1], [0], [0], [1], [0, 0, 1, 1], [], []>, transpose_lhs_hint = false} : vector<1024x128xf32>, vector<128x128xf32>, vector<1024x128xf32> -> vector<1024x128xf32>
    %mul3A_105 = arith.constant 2.000000e+00 : f32
    %mul3A_106 = vector.broadcast %mul3A_105 : f32 to vector<1024x128xf32>
    %mul3A_107 = arith.mulf %dot_general3A_104, %mul3A_106 : vector<1024x128xf32>
    %swap3A = arith.constant 0 : index
    %swap3A_108 = arith.constant 0 : index
    %swap3A_109 = vector.load %arg14[%swap3A, %swap3A_108] : memref<1024x128xf32, #tpu.memory_space<vmem>>, vector<1024x128xf32>
    tpu.vector_store %arg14[%swap3A, %swap3A_108], %mul3A_107 {strides = array<i32>} : memref<1024x128xf32, #tpu.memory_space<vmem>>, vector<1024x128xf32>,
    return
  }
  func.func @transform_0(%arg0: i32) -> (i32, i32, i32) {
    %c0_i32 = arith.constant 0 : i32
    %c0_i32_0 = arith.constant 0 : i32
    %c0_i32_1 = arith.constant 0 : i32
    return %c0_i32, %arg0, %c0_i32_0 : i32, i32, i32
  }
  func.func @transform_1(%arg0: i32) -> (i32, i32) {
    %c0_i32 = arith.constant 0 : i32
    %c0_i32_0 = arith.constant 0 : i32
    return %arg0, %c0_i32 : i32, i32
  }
  func.func @transform_2(%arg0: i32) -> (i32, i32) {
    %c0_i32 = arith.constant 0 : i32
    %c0_i32_0 = arith.constant 0 : i32
    return %arg0, %c0_i32 : i32, i32
  }
  func.func @transform_3(%arg0: i32) -> (i32, i32) {
    %c0_i32 = arith.constant 0 : i32
    %c0_i32_0 = arith.constant 0 : i32
    return %arg0, %c0_i32 : i32, i32
  }
  func.func @transform_4(%arg0: i32) -> (i32, i32) {
    %c0_i32 = arith.constant 0 : i32
    %c0_i32_0 = arith.constant 0 : i32
    %c0_i32_1 = arith.constant 0 : i32
    return %c0_i32, %c0_i32_0 : i32, i32
  }
  func.func @transform_5(%arg0: i32) -> (i32, i32) {
    %c0_i32 = arith.constant 0 : i32
    %c0_i32_0 = arith.constant 0 : i32
    %c0_i32_1 = arith.constant 0 : i32
    return %c0_i32, %c0_i32_0 : i32, i32
  }
  func.func @transform_6(%arg0: i32) -> (i32, i32) {
    %c0_i32 = arith.constant 0 : i32
    %c0_i32_0 = arith.constant 0 : i32
    %c0_i32_1 = arith.constant 0 : i32
    return %c0_i32, %c0_i32_0 : i32, i32
  }
  func.func @transform_7(%arg0: i32) -> (i32, i32) {
    %c0_i32 = arith.constant 0 : i32
    %c0_i32_0 = arith.constant 0 : i32
    %c0_i32_1 = arith.constant 0 : i32
    return %c0_i32, %c0_i32_0 : i32, i32
  }
  func.func @transform_8(%arg0: i32) -> (i32, i32) {
    %c0_i32 = arith.constant 0 : i32
    %c0_i32_0 = arith.constant 0 : i32
    %c0_i32_1 = arith.constant 0 : i32
    return %c0_i32, %c0_i32_0 : i32, i32
  }
  func.func @transform_9(%arg0: i32) -> (i32, i32) {
    %c0_i32 = arith.constant 0 : i32
    %c0_i32_0 = arith.constant 0 : i32
    %c0_i32_1 = arith.constant 0 : i32
    return %c0_i32, %c0_i32_0 : i32, i32
  }
  func.func @transform_10(%arg0: i32) -> (i32, i32) {
    %c0_i32 = arith.constant 0 : i32
    %c0_i32_0 = arith.constant 0 : i32
    %c0_i32_1 = arith.constant 0 : i32
    return %c0_i32, %c0_i32_0 : i32, i32
  }
  func.func @transform_11(%arg0: i32) -> (i32, i32) {
    %c0_i32 = arith.constant 0 : i32
    %c0_i32_0 = arith.constant 0 : i32
    %c0_i32_1 = arith.constant 0 : i32
    return %c0_i32, %c0_i32_0 : i32, i32
  }
  func.func @transform_12(%arg0: i32) -> (i32, i32) {
    %c0_i32 = arith.constant 0 : i32
    %c0_i32_0 = arith.constant 0 : i32
    %c0_i32_1 = arith.constant 0 : i32
    return %c0_i32, %c0_i32_0 : i32, i32
  }
  func.func @transform_13(%arg0: i32) -> (i32, i32) {
    %c0_i32 = arith.constant 0 : i32
    %c0_i32_0 = arith.constant 0 : i32
    return %arg0, %c0_i32 : i32, i32
  }
}

</mosaic_0001>

<sc_bundles>
// kernel: kernel.11.cloned.1.call-start
scs
__scs_entry_jumppad:
0x0: {  	(pc) =	sbr.rel $0x88, $3  }
0x1: {  	(tag) =	ssettag $0x0;
	lr =	simm.s32 $0x1  }
0x2: {  	[smem:$0x3F90] =	sst lr;
	_ =	strace $0xD0000000  }
0x3: {  	_ = 	snop  }
0x4: {  	_ = 	snop  }
0x5: {  	_ = 	snop  }
0x6: {  	_ = 	snop  }
0x7: {  	_ = 	snop  }
__scs_overlays_trampoline_lowered:
0x8: {  	[smem:$0x3F9F] =	sst s0  }
0x9: {  	[smem:$0x3FA0] =	sst s1  }
0xa: {  	[smem:$0x3FA1] =	sst s2  }
0xb: {  	[smem:$0x3FA2] =	sst s3  }
0xc: {  	[smem:$0x3FA3] =	sst s4  }
0xd: {  	[smem:$0x3FA4] =	sst s5  }
0xe: {  	[smem:$0x3FA5] =	sst s6  }
0xf: {  	[smem:$0x3FA6] =	sst s7  }
0x10: {  	[smem:$0x3FA7] =	sst s8  }
0x11: {  	[smem:$0x3FA8] =	sst s9;
	s0 =	simm.s32 @!p0 $0x0  }
0x12: {  	s1 =	sld [smem:$0x3F8E];
	s0 =	simm.s32 @p0 $0x1  }
0x13: {  	[smem:$0x3FA9] =	sst s0;
	s0 =	simm.s32 @!p1 $0x0  }
0x14: {  	s2 =	sld [smem:$0x3F8D];
	s0 =	simm.s32 @p1 $0x1  }
0x15: {  	[smem:$0x3FAA] =	sst s0;
	s0 =	simm.s32 @!p2 $0x0  }
0x16: {  	s3 =	sld [smem:$0x3FDB];
	s0 =	simm.s32 @p2 $0x1  }
0x17: {  	s4 =	simm.s32 $0x1BF5;
	[smem:$0x3FAC] =	sst s0  }
0x18: {  	s0 =	sld [smem:$0x3F8F];
	_ =	swait.ge [sflag:s4], $0x0  }
0x19: {  	s7 =	sld [smem:$0x3F90]  }
0x1a: {  	s8 =	sadd.s32 $0xFFFFE003, lr  }
0x1b: {  	s9 =	sadd.s32 $0xFFFFFEF7, lr;
	s5 =	simm.s32 $0xFFFFFFFF;
	p2 =	slt.u32 s8, $0xFFFFF086  }
0x1c: {  	p1 =	slt.u32 s9, $0xF7A;
	s5 =	simm.s32 @!p2 $0x0  }
0x1d: {  	s5 =	simm.s32 @p1 $0x1;
	p0 =	seq.s32 s7, s2  }
0x1e: {  	s7 =	smul.u32 @!p0 $0xF7A, s2;
	p2 =	seq.s32 @!p0 s5, $0x0  }
0x1f: {  	s9 =	smul.u32 $0xF7A, s1;
	s8 =	simm.s32 @!p0 $0x1BF5;
	p2 =	por !p2, p0  }
0x20: {  	[sflag:s8] =	ssyncset.s32 @!p0 $0xFFFFF086;
	s6 =	sadd.s32 @!p0 s3, s7;
	s7 =	simm.s32 @!p0 $0x108  }
0x21: {  	s3 =	sadd.s32 s3, s9;
	s6 =	sadd.s32 @!p0 $0x88, s6;
	s7 =	simm.s32 @p2 $0x1082  }
0x22: {  	[simem:s7], [sflag:s8] =	dma.local @!p0 [hbm:s6], $0xF7A  }
0x23: {  	s9 =	sor.u32 $0xD0000000, s2;
	s6 =	simm.s32 $0x108;
	_ =	swait.ge @!p0 [sflag:s8], $0x0  }
0x24: {  	s3 =	sadd.s32 $0x88, s3;
	s6 =	simm.s32 @!p1 $0x1082;
	[sflag:s4] =	ssyncset.s32 $0xFFFFF086  }
0x25: {  	[simem:s6], [sflag:s4] =	dma.local [hbm:s3], $0xF7A  }
0x26: {  	[smem:$0x3F90] =	sst s1;
	(tag) =	ssettag s2;
	_ =	strace s9  }
0x27: {  	s1 =	sld [smem:$0x3FA0]  }
0x28: {  	s2 =	sld [smem:$0x3FA1]  }
0x29: {  	s4 =	sld [smem:$0x3FA3]  }
0x2a: {  	p0 =	seq.s32 s5, $0x0;
	s5 =	sld [smem:$0x3FA4]  }
0x2b: {  	s6 =	sld [smem:$0x3FA5]  }
0x2c: {  	s7 =	sld [smem:$0x3FA6]  }
0x2d: {  	s3 =	simm.s32 $0x108;
	s8 =	sld [smem:$0x3FA7]  }
0x2e: {  	s3 =	simm.s32 @!p0 $0x1082;
	s9 =	sld [smem:$0x3FA8]  }
0x2f: {  	lr =	sadd.s32 s0, s3;
	s0 =	sld [smem:$0x3F9F]  }
0x30: {  	s3 =	sld [smem:$0x3FA2]  }
0x31: {  	[smem:$0x3FAB] =	sst s10  }
0x32: {  	s10 =	sld [smem:$0x3FA9];
	_ =	sdelay $0x3  }
0x33: {  	p0 =	seq.s32 s10, $0x1;
	s10 =	sld [smem:$0x3FAB];
	_ =	sdelay $0x3  }
0x34: {  	[smem:$0x3FAB] =	sst s10  }
0x35: {  	s10 =	sld [smem:$0x3FAA];
	_ =	sdelay $0x3  }
0x36: {  	p1 =	seq.s32 s10, $0x1;
	s10 =	sld [smem:$0x3FAB];
	_ =	sdelay $0x3  }
0x37: {  	[smem:$0x3FAB] =	sst s10  }
0x38: {  	s10 =	sld [smem:$0x3FAC]  }
0x39: {  	_ = 	snop;
	(pc) =	sbr.ind lr, $3  }
0x3a: {  	_ = 	snop  }
0x3b: {  	_ = 	snop  }
0x3c: {  	p2 =	seq.s32 s10, $0x1;
	s10 =	sld [smem:$0x3FAB]  }
0x3d: {  	_ =	shalt  }
0x3e: {  	_ =	shalt  }
0x3f: {  	_ =	shalt  }
0x40: {  	_ =	shalt  }
0x41: {  	_ =	shalt  }
0x42: {  	_ =	shalt  }
0x43: {  	_ =	shalt  }
0x44: {  	_ =	shalt  }
0x45: {  	_ =	shalt  }
0x46: {  	_ =	shalt  }
0x47: {  	_ =	shalt  }
0x48: {  	_ =	shalt  }
0x49: {  	_ =	shalt  }
0x4a: {  	_ =	shalt  }
0x4b: {  	_ =	shalt  }
0x4c: {  	_ =	shalt  }
0x4d: {  	_ =	shalt  }
0x4e: {  	_ =	shalt  }
0x4f: {  	_ =	shalt  }
0x50: {  	_ =	shalt  }
0x51: {  	_ =	shalt  }
0x52: {  	_ =	shalt  }
0x53: {  	_ =	shalt  }
0x54: {  	_ =	shalt  }
0x55: {  	_ =	shalt  }
0x56: {  	_ =	shalt  }
0x57: {  	_ =	shalt  }
0x58: {  	_ =	shalt  }
0x59: {  	_ =	shalt  }
0x5a: {  	_ =	shalt  }
0x5b: {  	_ =	shalt  }
0x5c: {  	_ =	shalt  }
0x5d: {  	_ =	shalt  }
0x5e: {  	_ =	shalt  }
0x5f: {  	_ =	shalt  }
0x60: {  	_ =	shalt  }
0x61: {  	_ =	shalt  }
0x62: {  	_ =	shalt  }
0x63: {  	_ =	shalt  }
0x64: {  	_ =	shalt  }
0x65: {  	_ =	shalt  }
0x66: {  	_ =	shalt  }
0x67: {  	_ =	shalt  }
0x68: {  	_ =	shalt  }
0x69: {  	_ =	shalt  }
0x6a: {  	_ =	shalt  }
0x6b: {  	_ =	shalt  }
0x6c: {  	_ =	shalt  }
0x6d: {  	_ =	shalt  }
0x6e: {  	_ =	shalt  }
0x6f: {  	_ =	shalt  }
0x70: {  	_ =	shalt  }
0x71: {  	_ =	shalt  }
0x72: {  	_ =	shalt  }
0x73: {  	_ =	shalt  }
0x74: {  	_ =	shalt  }
0x75: {  	_ =	shalt  }
0x76: {  	_ =	shalt  }
0x77: {  	_ =	shalt  }
0x78: {  	_ =	shalt  }
0x79: {  	_ =	shalt  }
0x7a: {  	_ =	shalt  }
0x7b: {  	_ =	shalt  }
0x7c: {  	_ =	shalt  }
0x7d: {  	_ =	shalt  }
0x7e: {  	_ =	shalt  }
0x7f: {  	_ =	shalt  }
0x80: {  	_ =	shalt  }
0x81: {  	_ =	shalt  }
0x82: {  	_ =	shalt  }
0x83: {  	_ =	shalt  }
0x84: {  	_ =	shalt  }
0x85: {  	_ =	shalt  }
0x86: {  	_ =	shalt  }
0x87: {  	_ =	shalt  }
.Lfunc_end0:
.L_simem_size_0:
called_computation.1_lowered:
.L_overlay_start_0:
0x88: {  	s2 =	sld [smem:$0x3FD9]  }
0x89: {  	s3 =	sld [smem:$0x3FFE];
	_ =	sdelay $0x1  }
0x8a: {  	s1 =	srdreg.scid  }
0x8b: {  	s0 =	sand.u32 $0x1, s1  }
0x8c: {  	s16 =	sshll.u32 s0, $0xA;
	s2 =	sadd.s32 s3, s2  }
0x8d: {  	s2 =	sadd.s32 s2, s16  }
0x8e: {  	[smem:$0x3FB7] =	sst s2  }
0x8f: {  	_ = 	snop  }
0x90: {  	(tm) =	ssettm $0x1  }
0x91: {  	s17 =	sld [smem:$0x3FFB];
	_ =	sdelay $0x3  }
0x92: {  	_ =	strace s17  }
0x93: {  	s2 =	sld [smem:$0x3FFC];
	_ =	sdelay $0x3  }
0x94: {  	_ =	strace s2  }
0x95: {  	s2 =	sld [smem:$0x3FFD];
	_ =	sdelay $0x3  }
0x96: {  	_ =	strace s2  }
0x97: {  	_ =	strace $0x8FFFFFFF  }
0x98: {  	s18 =	sld [smem:$0x3FDB];
	_ =	sdelay $0x1  }
0x99: {  	s19 =	simm.s32 $_scs_section_size  }
0x9a: {  	s4 =	simm.s32 $_size__tile_overlayer_lowered;
	s5 =	simm.s32 $_tile_overlayer_lowered  }
0x9b: {  	s22 =	simm.s32 $0x1BFF;
	s21 =	sshll.u32 s5, $0x1;
	s2 =	sadd.s32 s19, s18  }
0x9c: {  	s6 =	simm.s32 $0x0;
	s20 =	sshll.u32 s4, $0x1;
	s4 =	sadd.s32 s21, s2  }
0x9d: {  	[timem:s6], [sflag:s22] =	dma.local [hbm:s4], s20  }
0x9e: {  	_ =	swait.ge [sflag:s22], s20  }
0x9f: {  	s3 =	ssub.s32 $0x0, s20;
	[sflag:s22] =	ssyncset.done $0x0  }
0xa0: {  	[sflag:s22] =	ssyncadd.s32 s3;
	_ =	sdelay $0x1  }
0xa1: {  	s23 =	simm.s32 $0x1B8B  }
0xa2: {  	_ =	swait.ge [sflag:s23], $0x1  }
0xa3: {  	[sflag:s23] =	ssyncset.done $0x0  }
0xa4: {  	s25 =	simm.s32 $0x1B8E;
	s24 =	sld [smem:$0x3FFE];
	[sflag:s23] =	ssyncadd.s32 $0xFFFFFFFF  }
0xa5: {  	s26 =	simm.s32 $execute0_lowered;
	[smem:$0x3FD2] =	sst s25  }
0xa6: {  	s4 =	sshll.u32 s26, $0x1;
	_ =	strace $0x80000049;
	[dreg:$0x1] =	wrdreg $0xFFFFFFFF  }
0xa7: {  	s28 =	simm.s32 $_size_execute0_lowered;
	s2 =	sadd.s32 s2, s4;
	[dreg:$0x0] =	wrdreg $0x0  }
0xa8: {  	s4 =	sshll.u32 s28, $0x1;
	[dreg:$0x2] =	wrdreg s2  }
0xa9: {  	[dreg:$0x3] =	wrdreg s4  }
0xaa: {  	[dreg:$0x4] =	wrdreg $0xC0  }
0xab: {  	_ =	task [dreg:s6], $0x5FFFF  }
0xac: {  	[dreg:$0x1] =	wrdreg $0xFFFFFFFF  }
0xad: {  	[dreg:$0x0] =	wrdreg $0x60  }
0xae: {  	[dreg:$0x2] =	wrdreg s24  }
0xaf: {  	[dreg:$0x3] =	wrdreg $0x81800  }
0xb0: {  	[dreg:$0x4] =	wrdreg $0x9  }
0xb1: {  	_ =	task.clear_ibuf [dreg:s6], $0x5FFFF;
	_ =	strace $0x90000049  }
0xb2: {  	s29 =	simm.s32 $0x9;
	_ =	strace $0x8000004B  }
0xb3: {  	_ =	swait.ge [sflag:s29], $0x1  }
0xb4: {  	[sflag:s29] =	ssyncadd.s32 $0xFFFFFFFF  }
0xb5: {  	_ =	strace $0x9000004B  }
0xb6: {  	_ =	sfence  }
0xb7: {  	s30 =	sld [smem:$0x0];
	_ =	sdelay $0x2  }
0xb8: {  	s31 =	sshll.u32 s1, $0xD;
	s1 =	sshrl.u32 s1, $0x2  }
0xb9: {  	s3 =	sand.u32 $0x4000, s31;
	s1 =	sadd.s32 s1, s30  }
0xba: {  	s0 =	sor.u32 s3, s0;
	s1 =	sshll.u32 s1, $0x11  }
0xbb: {  	s0 =	sor.u32 s1, s0  }
0xbc: {  	s0 =	sadd.s32 $0x8F2B, s0  }
0xbd: {  	[sflag:s0] =	ssyncadd.remote.s32 $0x1  }
0xbe: {  	_ =	sfence.sel $0xFFFF  }
0xbf: {  	[dreg:$0x0] =	wrdreg $0xFFFFFFFF;
	(pc) =	sbr.abs _section_cstart, $3  }
0xc0: {  	[dreg:$0x1] =	wrdreg $0xFFFFFFFF  }
0xc1: {  	_ =	task.clear_ibuf [dreg:s6], $0x2FFFF;
	_ =	strace $0x9FFFFFFF  }
0xc2: {  	(tm) =	ssettm $0x7FFFFFFF  }
0xc3: {  	_ =	shalt  }
tec
execute0_lowered:
.L_overlay_start_1:
0x0: {  	(tag) =	ssettag $0x1  }
0x1: {  	s9 =	rddreg [dreg:$0x0]  }
0x2: {  	s1 =	rddreg [dreg:$0x1]  }
0x3: {  	s2 =	srdreg.scid;
	s0 =	rddreg [dreg:$0x2]  }
0x4: {  	s3 =	simm.s32 $0x0;
	s17 =	simm.s32 $0x3;
	s18 =	simm.s32 $0x80  }
0x5: {  	s19 =	simm.s32 $0x100;
	s20 =	simm.s32 $0x4180;
	s22 =	simm.s32 $0x2  }
0x6: {  	s23 =	simm.s32 $0x0;
	s12 =	sand.u32 $0x1, s2;
	s2 =	stileid.u32  }
0x7: {  	[smem:$0x7FF] =	sst s3;
	s4 =	sadd.s32 $0x17800, s9;
	s8 =	smul.u32 $0x140000, s12  }
0x8: {  	s5 =	sadd.s32 $0x3800, s9;
	s6 =	sadd.s32 $0x2B800, s9;
	s10 =	smul.u32 $0x14000, s2  }
0x9: {  	s7 =	sadd.s32 $0xA3800, s9;
	s11 =	smul.u32 $0x50000, s2;
	s31 =	ssub.s32 $0x2, s12  }
0xa: {  	_ =	strace $0x8000004A;
	s21 =	smul.u32 $0x2800, s12;
	s14 =	sshrl.u32 s31, $0x1  }
0xb: {  	s8 =	sadd.s32 s10, s8;
	s11 =	sshrl.u32 s11, $0x2;
	s16 =	ssub.s32 s31, s14  }
0xc: {  	v0 =	vmov s21;
	s21 =	simm.s32 $0x1;
	s13 =	sshrl.u32 s8, $0x3;
	s8 =	sadd.s32 s11, s1  }
0xd: {  	s15 =	sadd.s32 s13, s9;
	s9 =	sadd.s32 $0x4000, s8;
	s10 =	sadd.s32 $0x8000, s8  }
0xe: {  	s11 =	sadd.s32 $0xC000, s8;
	s12 =	sadd.s32 $0x10000, s8;
	s13 =	smul.u32 $0x140, s2  }
0xf: {  	v1 =	vimm.f32 $0.0e+00;
	s14 =	sadd.s32 $0xF3800, s15;
	s15 =	smax.u32 s16, $0x1;
	s16 =	simm.s32 $0x180  }
.LBB2_1:
0x10: {  	s24 =	simm.s32 $0x0;
	s25 =	simm.s32 $0x200  }
.LBB2_2:
0x11: {  	p0 =	sne.s32 s25, $0xFE00;
	[tilespmem:s24+$0x1F0] =	vst v1  }
0x12: {  	[tilespmem:s24+$0x180] =	vst v1  }
0x13: {  	[tilespmem:s24+$0x190] =	vst v1  }
.Ltmp0:
0x14: {  	[tilespmem:s24+$0x1A0] =	vst v1;
	(pc) =	sbr.rel @p0 .LBB2_2-.Ltmp0, $4  }
0x15: {  	[tilespmem:s24+$0x1B0] =	vst v1  }
0x16: {  	[tilespmem:s24+$0x1C0] =	vst v1  }
0x17: {  	[tilespmem:s24+$0x1D0] =	vst v1  }
0x18: {  	[tilespmem:s24+$0x1E0] =	vst v1;
	s24 =	sshra.s32 s25, $0x2;
	s25 =	sadd.s32 $0x200, s25  }
0x19: {  	[tilespmem:s24+$0x1F0] =	vst v1  }
0x1a: {  	[tilespmem:s24+$0x180] =	vst v1  }
0x1b: {  	[tilespmem:s24+$0x190] =	vst v1  }
0x1c: {  	[tilespmem:s24+$0x1A0] =	vst v1  }
0x1d: {  	[tilespmem:s24+$0x1B0] =	vst v1  }
0x1e: {  	[tilespmem:s24+$0x1C0] =	vst v1  }
0x1f: {  	[tilespmem:s24+$0x1D0] =	vst v1  }
0x20: {  	[tilespmem:s24+$0x1E0] =	vst v1  }
0x21: {  	[spmem:s8] =	stream.linear.scatter [tilespmem:s16], [sflag:$0x3], $0x4000, $0x38;
	[tilespmem:$0x1C180] =	vst v63  }
0x22: {  	_ =	swait.ge [sflag:s17], $0x4000  }
0x23: {  	[sflag:s17] =	ssyncset.done $0x0  }
0x24: {  	[sflag:s17] =	ssyncadd.s32 $0xFFFFC000  }
0x25: {  	[spmem:s9] =	stream.linear.scatter [tilespmem:s16], [sflag:$0x3], $0x4000, $0x38;
	[tilespmem:$0x1C180] =	vst v63  }
0x26: {  	_ =	swait.ge [sflag:s17], $0x4000  }
0x27: {  	[sflag:s17] =	ssyncset.done $0x0  }
0x28: {  	[sflag:s17] =	ssyncadd.s32 $0xFFFFC000  }
0x29: {  	[spmem:s10] =	stream.linear.scatter [tilespmem:s16], [sflag:$0x3], $0x4000, $0x38;
	[tilespmem:$0x1C180] =	vst v63  }
0x2a: {  	_ =	swait.ge [sflag:s17], $0x4000  }
0x2b: {  	[sflag:s17] =	ssyncset.done $0x0  }
0x2c: {  	[sflag:s17] =	ssyncadd.s32 $0xFFFFC000  }
0x2d: {  	[spmem:s11] =	stream.linear.scatter [tilespmem:s16], [sflag:$0x3], $0x4000, $0x38;
	[tilespmem:$0x1C180] =	vst v63  }
0x2e: {  	_ =	swait.ge [sflag:s17], $0x4000  }
0x2f: {  	[sflag:s17] =	ssyncset.done $0x0  }
0x30: {  	[sflag:s17] =	ssyncadd.s32 $0xFFFFC000  }
0x31: {  	[spmem:s12] =	stream.linear.scatter [tilespmem:s16], [sflag:$0x3], $0x4000, $0x38;
	[tilespmem:$0x1C180] =	vst v63  }
0x32: {  	_ =	swait.ge [sflag:s17], $0x4000  }
0x33: {  	[sflag:s17] =	ssyncset.done $0x0  }
0x34: {  	[sflag:s17] =	ssyncadd.s32 $0xFFFFC000  }
0x35: {  	s24 =	simm.s32 $0x0;
	s25 =	simm.s32 $0x0;
	[bflag:$0x0] =	sbarrier.arrive $0xFFFF  }
.LBB2_4:
0x36: {  	s26 =	sadd.s32 s13, s25  }
0x37: {  	s26 =	sshll.u32 s26, $0x4  }
0x38: {  	s28 =	sadd.s32 s4, s26  }
0x39: {  	[tilespmem:s24], [sflag:$0x3] =	stream.linear.gather [hbm4b:s28+s24], $0x80, $0x38;
	[tilespmem:$0x1C180] =	vst v63  }
0x3a: {  	_ =	swait.ge [sflag:s17], $0x80  }
0x3b: {  	[sflag:s17] =	ssyncset.done $0x0  }
0x3c: {  	s26 =	sadd.s32 s5, s26;
	[sflag:s17] =	ssyncadd.s32 $0xFFFFFF80  }
0x3d: {  	[tilespmem:s18], [sflag:$0x3] =	stream.linear.gather [hbm4b:s26+s24], $0x80, $0x38;
	[tilespmem:$0x1C180] =	vst v63  }
0x3e: {  	_ =	swait.ge [sflag:s17], $0x80  }
0x3f: {  	[sflag:s17] =	ssyncset.done $0x0  }
0x40: {  	[sflag:s17] =	ssyncadd.s32 $0xFFFFFF80  }
0x41: {  	v2 =	vld [tilespmem:$0x80]  }
0x42: {  	v3 =	vld [tilespmem:$0x0]  }
0x43: {  	v4 =	vld [tilespmem:$0x90]  }
0x44: {  	v5 =	vld [tilespmem:$0x10]  }
0x45: {  	v6 =	vld [tilespmem:$0xA0]  }
0x46: {  	v7 =	vld [tilespmem:$0x20];
	v2 =	vadd.s32 v0, v2  }
0x47: {  	[tilespmem:$0x80] =	vst v2;
	v2 =	vadd.s32 v0, v3;
	v3 =	vld [tilespmem:$0xB0]  }
0x48: {  	[tilespmem:$0x100] =	vst v2;
	v2 =	vadd.s32 v0, v4;
	v4 =	vld [tilespmem:$0x30]  }
0x49: {  	[tilespmem:$0x90] =	vst v2;
	v2 =	vadd.s32 v0, v5;
	v5 =	vld [tilespmem:$0xC0]  }
0x4a: {  	[tilespmem:$0x110] =	vst v2;
	v2 =	vadd.s32 v0, v6;
	v6 =	vld [tilespmem:$0x40]  }
0x4b: {  	[tilespmem:$0xA0] =	vst v2;
	v2 =	vadd.s32 v0, v7;
	v7 =	vld [tilespmem:$0xD0]  }
0x4c: {  	[tilespmem:$0x120] =	vst v2;
	v2 =	vadd.s32 v0, v3;
	v3 =	vld [tilespmem:$0x50]  }
0x4d: {  	[tilespmem:$0xB0] =	vst v2;
	v2 =	vadd.s32 v0, v4;
	v4 =	vld [tilespmem:$0xE0]  }
0x4e: {  	[tilespmem:$0x130] =	vst v2;
	v2 =	vadd.s32 v0, v5;
	v5 =	vld [tilespmem:$0x60]  }
0x4f: {  	[tilespmem:$0xC0] =	vst v2;
	v2 =	vadd.s32 v0, v6;
	v6 =	vld [tilespmem:$0xF0]  }
0x50: {  	[tilespmem:$0x140] =	vst v2;
	v2 =	vadd.s32 v0, v7;
	v7 =	vld [tilespmem:$0x70]  }
0x51: {  	[tilespmem:$0xD0] =	vst v2;
	v2 =	vadd.s32 v0, v3  }
0x52: {  	[tilespmem:$0x150] =	vst v2;
	v2 =	vadd.s32 v0, v4  }
0x53: {  	[tilespmem:$0xE0] =	vst v2;
	v2 =	vadd.s32 v0, v5  }
0x54: {  	[tilespmem:$0x160] =	vst v2;
	v2 =	vadd.s32 v0, v6  }
0x55: {  	[tilespmem:$0xF0] =	vst v2;
	v2 =	vadd.s32 v0, v7  }
0x56: {  	[tilespmem:$0x170] =	vst v2  }
0x57: {  	[tilespmem:s16], [sflag:$0x1] =	stream.indirect.gather [hbm4b:s6+s18], $0x80, s18, s18, $0xb8;
	[tilespmem:$0x1C180] =	vst v63  }
0x58: {  	_ = 	snop  }
0x59: {  	[tilespmem:s20], [sflag:$0x2] =	stream.indirect.gather [hbm4b:s7+s18], $0x80, s19, s18, $0xb8;
	[tilespmem:$0x1C180] =	vst v63  }
0x5a: {  	_ =	swait.ge [sflag:s21], $0x4000  }
0x5b: {  	[sflag:s21] =	ssyncset.done $0x0  }
0x5c: {  	[sflag:s21] =	ssyncadd.s32 $0xFFFFC000  }
0x5d: {  	_ =	swait.ge [sflag:s22], $0x4000  }
0x5e: {  	[sflag:s22] =	ssyncset.done $0x0  }
0x5f: {  	s26 =	simm.s32 $0x0;
	[sflag:s22] =	ssyncadd.s32 $0xFFFFC000  }
0x60: {  	v8 =	vld [tilespmem:s26+$0x4180]  }
0x61: {  	v13 =	vld [tilespmem:s26+$0x4190]  }
0x62: {  	v7 =	vld [tilespmem:s26+$0x41A0]  }
0x63: {  	v6 =	vld [tilespmem:s26+$0x41B0]  }
0x64: {  	v5 =	vld [tilespmem:s26+$0x41C0]  }
0x65: {  	v4 =	vld [tilespmem:s26+$0x41D0]  }
0x66: {  	v3 =	vld [tilespmem:s26+$0x41E0]  }
0x67: {  	v2 =	vld [tilespmem:s26+$0x41F0]  }
0x68: {  	v14 =	vld [tilespmem:s26+$0x180]  }
0x69: {  	v15 =	vld [tilespmem:s26+$0x190]  }
0x6a: {  	v12 =	vld [tilespmem:s26+$0x1A0]  }
0x6b: {  	v11 =	vld [tilespmem:s26+$0x1B0]  }
0x6c: {  	v10 =	vld [tilespmem:s26+$0x1C0]  }
0x6d: {  	v9 =	vld [tilespmem:s26+$0x1D0];
	v14 =	vadd.f32 v8, v14  }
0x6e: {  	s28 =	simm.s32 $0x200;
	v13 =	vadd.f32 v13, v15;
	v8 =	vld [tilespmem:s26+$0x1E0]  }
.LBB2_5:
0x6f: {  	s29 =	sshra.s32 s28, $0x2;
	p0 =	sne.s32 s28, $0xFE00;
	v14 =	vmax.f32 v14, $0.0e+00;
	v7 =	vadd.f32 v7, v12;
	v12 =	vld [tilespmem:s26+$0x1F0]  }
0x70: {  	v15 =	vld [tilespmem:s29+$0x4180];
	[tilespmem:s26+$0x180] =	vst v14;
	v13 =	vmax.f32 v13, $0.0e+00;
	v6 =	vadd.f32 v6, v11  }
0x71: {  	v16 =	vld [tilespmem:s29+$0x4190];
	[tilespmem:s26+$0x190] =	vst v13;
	v11 =	vmax.f32 v7, $0.0e+00;
	v5 =	vadd.f32 v5, v10  }
0x72: {  	v7 =	vld [tilespmem:s29+$0x41A0];
	[tilespmem:s26+$0x1A0] =	vst v11;
	v10 =	vmax.f32 v6, $0.0e+00;
	v4 =	vadd.f32 v4, v9  }
0x73: {  	v6 =	vld [tilespmem:s29+$0x41B0];
	[tilespmem:s26+$0x1B0] =	vst v10;
	v9 =	vmax.f32 v5, $0.0e+00;
	v3 =	vadd.f32 v3, v8  }
0x74: {  	v5 =	vld [tilespmem:s29+$0x41C0];
	[tilespmem:s26+$0x1C0] =	vst v9;
	v8 =	vmax.f32 v4, $0.0e+00;
	v2 =	vadd.f32 v2, v12  }
0x75: {  	v4 =	vld [tilespmem:s29+$0x41D0];
	[tilespmem:s26+$0x1D0] =	vst v8;
	v8 =	vmax.f32 v3, $0.0e+00  }
0x76: {  	v3 =	vld [tilespmem:s29+$0x41E0];
	[tilespmem:s26+$0x1E0] =	vst v8;
	v8 =	vmax.f32 v2, $0.0e+00  }
0x77: {  	v2 =	vld [tilespmem:s29+$0x41F0];
	[tilespmem:s26+$0x1F0] =	vst v8;
	s26 =	smov.u32 s29  }
0x78: {  	v8 =	vld [tilespmem:s26+$0x180]  }
0x79: {  	v13 =	vld [tilespmem:s26+$0x190]  }
.Ltmp1:
0x7a: {  	v12 =	vld [tilespmem:s26+$0x1A0];
	(pc) =	sbr.rel @p0 .LBB2_5-.Ltmp1, $4  }
0x7b: {  	v11 =	vld [tilespmem:s26+$0x1B0]  }
0x7c: {  	v10 =	vld [tilespmem:s26+$0x1C0]  }
0x7d: {  	v14 =	vadd.f32 v15, v8;
	v9 =	vld [tilespmem:s26+$0x1D0]  }
0x7e: {  	s28 =	sadd.s32 $0x200, s28;
	v13 =	vadd.f32 v16, v13;
	v8 =	vld [tilespmem:s26+$0x1E0]  }
0x7f: {  	v14 =	vmax.f32 v14, $0.0e+00;
	v7 =	vadd.f32 v7, v12;
	v63 =	vld [tilespmem:s26+$0x1F0]  }
0x80: {  	[tilespmem:s26+$0x180] =	vst v14;
	v13 =	vmax.f32 v13, $0.0e+00;
	v6 =	vadd.f32 v6, v11  }
0x81: {  	[tilespmem:s26+$0x190] =	vst v13;
	v7 =	vmax.f32 v7, $0.0e+00;
	v5 =	vadd.f32 v5, v10  }
0x82: {  	[tilespmem:s26+$0x1A0] =	vst v7;
	v6 =	vmax.f32 v6, $0.0e+00;
	v4 =	vadd.f32 v4, v9  }
0x83: {  	[tilespmem:s26+$0x1B0] =	vst v6;
	v5 =	vmax.f32 v5, $0.0e+00;
	v3 =	vadd.f32 v3, v8  }
0x84: {  	[tilespmem:s26+$0x1C0] =	vst v5;
	v4 =	vmax.f32 v4, $0.0e+00;
	v2 =	vadd.f32 v2, v63  }
0x85: {  	s25 =	sadd.s32 $0x1, s25;
	[tilespmem:s26+$0x1D0] =	vst v4;
	v3 =	vmax.f32 v3, $0.0e+00  }
0x86: {  	p0 =	sne.s32 s25, $0x140;
	[tilespmem:s26+$0x1E0] =	vst v3;
	v2 =	vmax.f32 v2, $0.0e+00  }
.Ltmp2:
0x87: {  	[tilespmem:s26+$0x1F0] =	vst v2;
	(pc) =	sbr.rel @p0 .LBB2_4-.Ltmp2, $4  }
0x88: {  	[spmem:s1] =	stream.indirect.scatter.add.f32 [tilespmem:s16], [sflag:$0x3], $0x80, s3, s18, $0xb8;
	[tilespmem:$0x1C180] =	vst v63  }
0x89: {  	_ =	swait.ge [sflag:s17], $0x4000  }
0x8a: {  	[sflag:s17] =	ssyncset.done $0x0  }
0x8b: {  	[sflag:s17] =	ssyncadd.s32 $0xFFFFC000  }
0x8c: {  	s23 =	sadd.s32 $0x1, s23  }
0x8d: {  	s24 =	sshll.u32 s2, $0x6;
	[bflag:$0x0] =	sbarrier.arrive $0xFFFF;
	p0 =	sne.s32 s23, s15  }
.Ltmp3:
0x8e: {  	s25 =	sshrl.u32 s8, $0x3;
	s24 =	sor.u32 $0x1C03, s24;
	(pc) =	sbr.rel @p0 .LBB2_1-.Ltmp3, $4  }
0x8f: {  	[hbm:s14], [sflag:s24] =	dma.local [spmem:s25], $0x2800  }
0x90: {  	_ =	swait.ge [sflag:s17], $0x2800  }
0x91: {  	[sflag:s17] =	ssyncset.done $0x0  }
0x92: {  	[sflag:s17] =	ssyncadd.s32 $0xFFFFD800  }
0x93: {  	_ =	sfence.sel $0x180000  }
0x94: {  	[bflag:$0x0] =	sbarrier.arrive $0xFFFF  }
0x95: {  	p0 =	sne.s32 s2, $0x0;
	_ =	strace $0x9000004A  }
0x96: {  	s0 =	sadd.s32 @!p0 $0x100000, s0;
	[bflag:$0x2] =	sbarrier.arrive $0xFFFF  }
0x97: {  	[sflag:s0] =	ssyncadd.tile.s32 @!p0 $0x1;
	_ =	shalt  }
.Lfunc_end2:
_tile_overlayer_lowered:
.L_overlay_start_2:
0x98: {  	(tag) =	ssettag $0x2  }
0x99: {  	s0 =	rddreg [dreg:$0x0];
	s2 =	stileid.u32  }
0x9a: {  	s1 =	rddreg [dreg:$0x1];
	p0 =	sne.s32 s2, $0x0  }
0x9b: {  	s3 =	rddreg [dreg:$0x2];
	[bflag:$0x3] =	sbarrier.arrive $0xFFFF;
	s2 =	simm.s32 @!p0 $0x1C03  }
0x9c: {  	[timem:s3], [sflag:s2] =	dma.local @!p0 [hbm:s0], s1  }
0x9d: {  	s0 =	simm.s32 @!p0 $0x3  }
0x9e: {  	_ =	swait.ge @!p0 [sflag:s0], s1  }
0x9f: {  	s1 =	ssub.s32 @!p0 $0x0, s1;
	[sflag:s0] =	ssyncset.done @!p0 $0x0  }
0xa0: {  	[sflag:s0] =	ssyncadd.s32 @!p0 s1  }
0xa1: {  	[bflag:$0x3] =	sbarrier.arrive $0xFFFF  }
0xa2: {  	_ =	shalt  }

// kernel: kernel.14.cloned.1.call-start
scs
__scs_entry_jumppad:
0x0: {  	(pc) =	sbr.rel $0x88, $3  }
0x1: {  	(tag) =	ssettag $0x0;
	lr =	simm.s32 $0x1  }
0x2: {  	[smem:$0x3F90] =	sst lr;
	_ =	strace $0xD0000000  }
0x3: {  	_ = 	snop  }
0x4: {  	_ = 	snop  }
0x5: {  	_ = 	snop  }
0x6: {  	_ = 	snop  }
0x7: {  	_ = 	snop  }
__scs_overlays_trampoline_lowered:
0x8: {  	[smem:$0x3F9F] =	sst s0  }
0x9: {  	[smem:$0x3FA0] =	sst s1  }
0xa: {  	[smem:$0x3FA1] =	sst s2  }
0xb: {  	[smem:$0x3FA2] =	sst s3  }
0xc: {  	[smem:$0x3FA3] =	sst s4  }
0xd: {  	[smem:$0x3FA4] =	sst s5  }
0xe: {  	[smem:$0x3FA5] =	sst s6  }
0xf: {  	[smem:$0x3FA6] =	sst s7  }
0x10: {  	[smem:$0x3FA7] =	sst s8  }
0x11: {  	[smem:$0x3FA8] =	sst s9;
	s0 =	simm.s32 @!p0 $0x0  }
0x12: {  	s1 =	sld [smem:$0x3F8E];
	s0 =	simm.s32 @p0 $0x1  }
0x13: {  	[smem:$0x3FA9] =	sst s0;
	s0 =	simm.s32 @!p1 $0x0  }
0x14: {  	s2 =	sld [smem:$0x3F8D];
	s0 =	simm.s32 @p1 $0x1  }
0x15: {  	[smem:$0x3FAA] =	sst s0;
	s0 =	simm.s32 @!p2 $0x0  }
0x16: {  	s3 =	sld [smem:$0x3FDB];
	s0 =	simm.s32 @p2 $0x1  }
0x17: {  	s4 =	simm.s32 $0x1BF5;
	[smem:$0x3FAC] =	sst s0  }
0x18: {  	s0 =	sld [smem:$0x3F8F];
	_ =	swait.ge [sflag:s4], $0x0  }
0x19: {  	s7 =	sld [smem:$0x3F90]  }
0x1a: {  	s8 =	sadd.s32 $0xFFFFE003, lr  }
0x1b: {  	s9 =	sadd.s32 $0xFFFFFEF7, lr;
	s5 =	simm.s32 $0xFFFFFFFF;
	p2 =	slt.u32 s8, $0xFFFFF086  }
0x1c: {  	p1 =	slt.u32 s9, $0xF7A;
	s5 =	simm.s32 @!p2 $0x0  }
0x1d: {  	s5 =	simm.s32 @p1 $0x1;
	p0 =	seq.s32 s7, s2  }
0x1e: {  	s7 =	smul.u32 @!p0 $0xF7A, s2;
	p2 =	seq.s32 @!p0 s5, $0x0  }
0x1f: {  	s9 =	smul.u32 $0xF7A, s1;
	s8 =	simm.s32 @!p0 $0x1BF5;
	p2 =	por !p2, p0  }
0x20: {  	[sflag:s8] =	ssyncset.s32 @!p0 $0xFFFFF086;
	s6 =	sadd.s32 @!p0 s3, s7;
	s7 =	simm.s32 @!p0 $0x108  }
0x21: {  	s3 =	sadd.s32 s3, s9;
	s6 =	sadd.s32 @!p0 $0x88, s6;
	s7 =	simm.s32 @p2 $0x1082  }
0x22: {  	[simem:s7], [sflag:s8] =	dma.local @!p0 [hbm:s6], $0xF7A  }
0x23: {  	s9 =	sor.u32 $0xD0000000, s2;
	s6 =	simm.s32 $0x108;
	_ =	swait.ge @!p0 [sflag:s8], $0x0  }
0x24: {  	s3 =	sadd.s32 $0x88, s3;
	s6 =	simm.s32 @!p1 $0x1082;
	[sflag:s4] =	ssyncset.s32 $0xFFFFF086  }
0x25: {  	[simem:s6], [sflag:s4] =	dma.local [hbm:s3], $0xF7A  }
0x26: {  	[smem:$0x3F90] =	sst s1;
	(tag) =	ssettag s2;
	_ =	strace s9  }
0x27: {  	s1 =	sld [smem:$0x3FA0]  }
0x28: {  	s2 =	sld [smem:$0x3FA1]  }
0x29: {  	s4 =	sld [smem:$0x3FA3]  }
0x2a: {  	p0 =	seq.s32 s5, $0x0;
	s5 =	sld [smem:$0x3FA4]  }
0x2b: {  	s6 =	sld [smem:$0x3FA5]  }
0x2c: {  	s7 =	sld [smem:$0x3FA6]  }
0x2d: {  	s3 =	simm.s32 $0x108;
	s8 =	sld [smem:$0x3FA7]  }
0x2e: {  	s3 =	simm.s32 @!p0 $0x1082;
	s9 =	sld [smem:$0x3FA8]  }
0x2f: {  	lr =	sadd.s32 s0, s3;
	s0 =	sld [smem:$0x3F9F]  }
0x30: {  	s3 =	sld [smem:$0x3FA2]  }
0x31: {  	[smem:$0x3FAB] =	sst s10  }
0x32: {  	s10 =	sld [smem:$0x3FA9];
	_ =	sdelay $0x3  }
0x33: {  	p0 =	seq.s32 s10, $0x1;
	s10 =	sld [smem:$0x3FAB];
	_ =	sdelay $0x3  }
0x34: {  	[smem:$0x3FAB] =	sst s10  }
0x35: {  	s10 =	sld [smem:$0x3FAA];
	_ =	sdelay $0x3  }
0x36: {  	p1 =	seq.s32 s10, $0x1;
	s10 =	sld [smem:$0x3FAB];
	_ =	sdelay $0x3  }
0x37: {  	[smem:$0x3FAB] =	sst s10  }
0x38: {  	s10 =	sld [smem:$0x3FAC]  }
0x39: {  	_ = 	snop;
	(pc) =	sbr.ind lr, $3  }
0x3a: {  	_ = 	snop  }
0x3b: {  	_ = 	snop  }
0x3c: {  	p2 =	seq.s32 s10, $0x1;
	s10 =	sld [smem:$0x3FAB]  }
0x3d: {  	_ =	shalt  }
0x3e: {  	_ =	shalt  }
0x3f: {  	_ =	shalt  }
0x40: {  	_ =	shalt  }
0x41: {  	_ =	shalt  }
0x42: {  	_ =	shalt  }
0x43: {  	_ =	shalt  }
0x44: {  	_ =	shalt  }
0x45: {  	_ =	shalt  }
0x46: {  	_ =	shalt  }
0x47: {  	_ =	shalt  }
0x48: {  	_ =	shalt  }
0x49: {  	_ =	shalt  }
0x4a: {  	_ =	shalt  }
0x4b: {  	_ =	shalt  }
0x4c: {  	_ =	shalt  }
0x4d: {  	_ =	shalt  }
0x4e: {  	_ =	shalt  }
0x4f: {  	_ =	shalt  }
0x50: {  	_ =	shalt  }
0x51: {  	_ =	shalt  }
0x52: {  	_ =	shalt  }
0x53: {  	_ =	shalt  }
0x54: {  	_ =	shalt  }
0x55: {  	_ =	shalt  }
0x56: {  	_ =	shalt  }
0x57: {  	_ =	shalt  }
0x58: {  	_ =	shalt  }
0x59: {  	_ =	shalt  }
0x5a: {  	_ =	shalt  }
0x5b: {  	_ =	shalt  }
0x5c: {  	_ =	shalt  }
0x5d: {  	_ =	shalt  }
0x5e: {  	_ =	shalt  }
0x5f: {  	_ =	shalt  }
0x60: {  	_ =	shalt  }
0x61: {  	_ =	shalt  }
0x62: {  	_ =	shalt  }
0x63: {  	_ =	shalt  }
0x64: {  	_ =	shalt  }
0x65: {  	_ =	shalt  }
0x66: {  	_ =	shalt  }
0x67: {  	_ =	shalt  }
0x68: {  	_ =	shalt  }
0x69: {  	_ =	shalt  }
0x6a: {  	_ =	shalt  }
0x6b: {  	_ =	shalt  }
0x6c: {  	_ =	shalt  }
0x6d: {  	_ =	shalt  }
0x6e: {  	_ =	shalt  }
0x6f: {  	_ =	shalt  }
0x70: {  	_ =	shalt  }
0x71: {  	_ =	shalt  }
0x72: {  	_ =	shalt  }
0x73: {  	_ =	shalt  }
0x74: {  	_ =	shalt  }
0x75: {  	_ =	shalt  }
0x76: {  	_ =	shalt  }
0x77: {  	_ =	shalt  }
0x78: {  	_ =	shalt  }
0x79: {  	_ =	shalt  }
0x7a: {  	_ =	shalt  }
0x7b: {  	_ =	shalt  }
0x7c: {  	_ =	shalt  }
0x7d: {  	_ =	shalt  }
0x7e: {  	_ =	shalt  }
0x7f: {  	_ =	shalt  }
0x80: {  	_ =	shalt  }
0x81: {  	_ =	shalt  }
0x82: {  	_ =	shalt  }
0x83: {  	_ =	shalt  }
0x84: {  	_ =	shalt  }
0x85: {  	_ =	shalt  }
0x86: {  	_ =	shalt  }
0x87: {  	_ =	shalt  }
.Lfunc_end0:
.L_simem_size_0:
called_computation.2_lowered:
.L_overlay_start_0:
0x88: {  	s2 =	sld [smem:$0x3FD9]  }
0x89: {  	s3 =	sld [smem:$0x3FFE];
	_ =	sdelay $0x1  }
0x8a: {  	s1 =	srdreg.scid  }
0x8b: {  	s0 =	sand.u32 $0x1, s1  }
0x8c: {  	s16 =	sshll.u32 s0, $0xA;
	s2 =	sadd.s32 s3, s2  }
0x8d: {  	s2 =	sadd.s32 s2, s16  }
0x8e: {  	[smem:$0x3FB7] =	sst s2  }
0x8f: {  	_ = 	snop  }
0x90: {  	(tm) =	ssettm $0x1  }
0x91: {  	s17 =	sld [smem:$0x3FFB];
	_ =	sdelay $0x3  }
0x92: {  	_ =	strace s17  }
0x93: {  	s2 =	sld [smem:$0x3FFC];
	_ =	sdelay $0x3  }
0x94: {  	_ =	strace s2  }
0x95: {  	s2 =	sld [smem:$0x3FFD];
	_ =	sdelay $0x3  }
0x96: {  	_ =	strace s2  }
0x97: {  	_ =	strace $0x8FFFFFFF  }
0x98: {  	s18 =	sld [smem:$0x3FDB];
	_ =	sdelay $0x1  }
0x99: {  	s19 =	simm.s32 $_scs_section_size  }
0x9a: {  	s4 =	simm.s32 $_size__tile_overlayer_lowered;
	s5 =	simm.s32 $_tile_overlayer_lowered  }
0x9b: {  	s22 =	simm.s32 $0x1BFF;
	s21 =	sshll.u32 s5, $0x1;
	s2 =	sadd.s32 s19, s18  }
0x9c: {  	s6 =	simm.s32 $0x0;
	s20 =	sshll.u32 s4, $0x1;
	s4 =	sadd.s32 s21, s2  }
0x9d: {  	[timem:s6], [sflag:s22] =	dma.local [hbm:s4], s20  }
0x9e: {  	_ =	swait.ge [sflag:s22], s20  }
0x9f: {  	s3 =	ssub.s32 $0x0, s20;
	[sflag:s22] =	ssyncset.done $0x0  }
0xa0: {  	[sflag:s22] =	ssyncadd.s32 s3;
	_ =	sdelay $0x1  }
0xa1: {  	s23 =	simm.s32 $0x1B8B  }
0xa2: {  	_ =	swait.ge [sflag:s23], $0x1  }
0xa3: {  	[sflag:s23] =	ssyncset.done $0x0  }
0xa4: {  	s25 =	simm.s32 $0x1B8E;
	s24 =	sld [smem:$0x3FFE];
	[sflag:s23] =	ssyncadd.s32 $0xFFFFFFFF  }
0xa5: {  	s26 =	simm.s32 $execute0_lowered;
	[smem:$0x3FD2] =	sst s25  }
0xa6: {  	s4 =	sshll.u32 s26, $0x1;
	_ =	strace $0x8000004C;
	[dreg:$0x1] =	wrdreg $0xFFFFFFFF  }
0xa7: {  	s28 =	simm.s32 $_size_execute0_lowered;
	s2 =	sadd.s32 s2, s4;
	[dreg:$0x0] =	wrdreg $0x0  }
0xa8: {  	s4 =	sshll.u32 s28, $0x1;
	[dreg:$0x2] =	wrdreg s2  }
0xa9: {  	[dreg:$0x3] =	wrdreg s4  }
0xaa: {  	[dreg:$0x4] =	wrdreg $0xC0  }
0xab: {  	_ =	task [dreg:s6], $0x5FFFF  }
0xac: {  	[dreg:$0x1] =	wrdreg $0xFFFFFFFF  }
0xad: {  	[dreg:$0x0] =	wrdreg $0x60  }
0xae: {  	[dreg:$0x2] =	wrdreg s24  }
0xaf: {  	[dreg:$0x3] =	wrdreg $0x81800  }
0xb0: {  	[dreg:$0x4] =	wrdreg $0x9  }
0xb1: {  	_ =	task.clear_ibuf [dreg:s6], $0x5FFFF;
	_ =	strace $0x9000004C  }
0xb2: {  	s29 =	simm.s32 $0x9;
	_ =	strace $0x8000004E  }
0xb3: {  	_ =	swait.ge [sflag:s29], $0x1  }
0xb4: {  	[sflag:s29] =	ssyncadd.s32 $0xFFFFFFFF  }
0xb5: {  	_ =	strace $0x9000004E  }
0xb6: {  	_ =	sfence  }
0xb7: {  	s30 =	sld [smem:$0x0];
	_ =	sdelay $0x2  }
0xb8: {  	s31 =	sshll.u32 s1, $0xD;
	s1 =	sshrl.u32 s1, $0x2  }
0xb9: {  	s3 =	sand.u32 $0x4000, s31;
	s1 =	sadd.s32 s1, s30  }
0xba: {  	s0 =	sor.u32 s3, s0;
	s1 =	sshll.u32 s1, $0x11  }
0xbb: {  	s0 =	sor.u32 s1, s0  }
0xbc: {  	s0 =	sadd.s32 $0x8F2B, s0  }
0xbd: {  	[sflag:s0] =	ssyncadd.remote.s32 $0x1  }
0xbe: {  	_ =	sfence.sel $0xFFFF  }
0xbf: {  	[dreg:$0x0] =	wrdreg $0xFFFFFFFF;
	(pc) =	sbr.abs _section_cstart, $3  }
0xc0: {  	[dreg:$0x1] =	wrdreg $0xFFFFFFFF  }
0xc1: {  	_ =	task.clear_ibuf [dreg:s6], $0x2FFFF;
	_ =	strace $0x9FFFFFFF  }
0xc2: {  	(tm) =	ssettm $0x7FFFFFFF  }
0xc3: {  	_ =	shalt  }
tec
execute0_lowered:
.L_overlay_start_1:
0x0: {  	(tag) =	ssettag $0x1  }
0x1: {  	s9 =	rddreg [dreg:$0x0]  }
0x2: {  	s1 =	rddreg [dreg:$0x1]  }
0x3: {  	s2 =	srdreg.scid;
	s0 =	rddreg [dreg:$0x2]  }
0x4: {  	s3 =	simm.s32 $0x0;
	s17 =	simm.s32 $0x3;
	s18 =	simm.s32 $0x80  }
0x5: {  	s19 =	simm.s32 $0x100;
	s20 =	simm.s32 $0x4180;
	s22 =	simm.s32 $0x2  }
0x6: {  	s23 =	simm.s32 $0x0;
	s12 =	sand.u32 $0x1, s2;
	s2 =	stileid.u32  }
0x7: {  	[smem:$0x7FF] =	sst s3;
	s4 =	sadd.s32 $0x17800, s9;
	s8 =	smul.u32 $0x140000, s12  }
0x8: {  	s5 =	sadd.s32 $0x3800, s9;
	s6 =	sadd.s32 $0x2B800, s9;
	s10 =	smul.u32 $0x14000, s2  }
0x9: {  	s7 =	sadd.s32 $0x7B800, s9;
	s11 =	smul.u32 $0x50000, s2;
	s31 =	ssub.s32 $0x2, s12  }
0xa: {  	_ =	strace $0x8000004D;
	s21 =	smul.u32 $0x2800, s12;
	s14 =	sshrl.u32 s31, $0x1  }
0xb: {  	s8 =	sadd.s32 s10, s8;
	s11 =	sshrl.u32 s11, $0x2;
	s16 =	ssub.s32 s31, s14  }
0xc: {  	v0 =	vmov s21;
	s21 =	simm.s32 $0x1;
	s13 =	sshrl.u32 s8, $0x3;
	s8 =	sadd.s32 s11, s1  }
0xd: {  	s15 =	sadd.s32 s13, s9;
	s9 =	sadd.s32 $0x4000, s8;
	s10 =	sadd.s32 $0x8000, s8  }
0xe: {  	s11 =	sadd.s32 $0xC000, s8;
	s12 =	sadd.s32 $0x10000, s8;
	s13 =	smul.u32 $0x140, s2  }
0xf: {  	v1 =	vimm.f32 $0.0e+00;
	s14 =	sadd.s32 $0xF3800, s15;
	s15 =	smax.u32 s16, $0x1;
	s16 =	simm.s32 $0x180  }
.LBB2_1:
0x10: {  	s24 =	simm.s32 $0x0;
	s25 =	simm.s32 $0x200  }
.LBB2_2:
0x11: {  	p0 =	sne.s32 s25, $0xFE00;
	[tilespmem:s24+$0x1F0] =	vst v1  }
0x12: {  	[tilespmem:s24+$0x180] =	vst v1  }
0x13: {  	[tilespmem:s24+$0x190] =	vst v1  }
.Ltmp0:
0x14: {  	[tilespmem:s24+$0x1A0] =	vst v1;
	(pc) =	sbr.rel @p0 .LBB2_2-.Ltmp0, $4  }
0x15: {  	[tilespmem:s24+$0x1B0] =	vst v1  }
0x16: {  	[tilespmem:s24+$0x1C0] =	vst v1  }
0x17: {  	[tilespmem:s24+$0x1D0] =	vst v1  }
0x18: {  	[tilespmem:s24+$0x1E0] =	vst v1;
	s24 =	sshra.s32 s25, $0x2;
	s25 =	sadd.s32 $0x200, s25  }
0x19: {  	[tilespmem:s24+$0x1F0] =	vst v1  }
0x1a: {  	[tilespmem:s24+$0x180] =	vst v1  }
0x1b: {  	[tilespmem:s24+$0x190] =	vst v1  }
0x1c: {  	[tilespmem:s24+$0x1A0] =	vst v1  }
0x1d: {  	[tilespmem:s24+$0x1B0] =	vst v1  }
0x1e: {  	[tilespmem:s24+$0x1C0] =	vst v1  }
0x1f: {  	[tilespmem:s24+$0x1D0] =	vst v1  }
0x20: {  	[tilespmem:s24+$0x1E0] =	vst v1  }
0x21: {  	[spmem:s8] =	stream.linear.scatter [tilespmem:s16], [sflag:$0x3], $0x4000, $0x38;
	[tilespmem:$0x1C180] =	vst v63  }
0x22: {  	_ =	swait.ge [sflag:s17], $0x4000  }
0x23: {  	[sflag:s17] =	ssyncset.done $0x0  }
0x24: {  	[sflag:s17] =	ssyncadd.s32 $0xFFFFC000  }
0x25: {  	[spmem:s9] =	stream.linear.scatter [tilespmem:s16], [sflag:$0x3], $0x4000, $0x38;
	[tilespmem:$0x1C180] =	vst v63  }
0x26: {  	_ =	swait.ge [sflag:s17], $0x4000  }
0x27: {  	[sflag:s17] =	ssyncset.done $0x0  }
0x28: {  	[sflag:s17] =	ssyncadd.s32 $0xFFFFC000  }
0x29: {  	[spmem:s10] =	stream.linear.scatter [tilespmem:s16], [sflag:$0x3], $0x4000, $0x38;
	[tilespmem:$0x1C180] =	vst v63  }
0x2a: {  	_ =	swait.ge [sflag:s17], $0x4000  }
0x2b: {  	[sflag:s17] =	ssyncset.done $0x0  }
0x2c: {  	[sflag:s17] =	ssyncadd.s32 $0xFFFFC000  }
0x2d: {  	[spmem:s11] =	stream.linear.scatter [tilespmem:s16], [sflag:$0x3], $0x4000, $0x38;
	[tilespmem:$0x1C180] =	vst v63  }
0x2e: {  	_ =	swait.ge [sflag:s17], $0x4000  }
0x2f: {  	[sflag:s17] =	ssyncset.done $0x0  }
0x30: {  	[sflag:s17] =	ssyncadd.s32 $0xFFFFC000  }
0x31: {  	[spmem:s12] =	stream.linear.scatter [tilespmem:s16], [sflag:$0x3], $0x4000, $0x38;
	[tilespmem:$0x1C180] =	vst v63  }
0x32: {  	_ =	swait.ge [sflag:s17], $0x4000  }
0x33: {  	[sflag:s17] =	ssyncset.done $0x0  }
0x34: {  	[sflag:s17] =	ssyncadd.s32 $0xFFFFC000  }
0x35: {  	s24 =	simm.s32 $0x0;
	s25 =	simm.s32 $0x0;
	[bflag:$0x0] =	sbarrier.arrive $0xFFFF  }
.LBB2_4:
0x36: {  	s26 =	sadd.s32 s13, s25  }
0x37: {  	s26 =	sshll.u32 s26, $0x4  }
0x38: {  	s28 =	sadd.s32 s4, s26  }
0x39: {  	[tilespmem:s24], [sflag:$0x3] =	stream.linear.gather [hbm4b:s28+s24], $0x80, $0x38;
	[tilespmem:$0x1C180] =	vst v63  }
0x3a: {  	_ =	swait.ge [sflag:s17], $0x80  }
0x3b: {  	[sflag:s17] =	ssyncset.done $0x0  }
0x3c: {  	s26 =	sadd.s32 s5, s26;
	[sflag:s17] =	ssyncadd.s32 $0xFFFFFF80  }
0x3d: {  	[tilespmem:s18], [sflag:$0x3] =	stream.linear.gather [hbm4b:s26+s24], $0x80, $0x38;
	[tilespmem:$0x1C180] =	vst v63  }
0x3e: {  	_ =	swait.ge [sflag:s17], $0x80  }
0x3f: {  	[sflag:s17] =	ssyncset.done $0x0  }
0x40: {  	[sflag:s17] =	ssyncadd.s32 $0xFFFFFF80  }
0x41: {  	v2 =	vld [tilespmem:$0x80]  }
0x42: {  	v3 =	vld [tilespmem:$0x0]  }
0x43: {  	v4 =	vld [tilespmem:$0x90]  }
0x44: {  	v5 =	vld [tilespmem:$0x10]  }
0x45: {  	v6 =	vld [tilespmem:$0xA0]  }
0x46: {  	v7 =	vld [tilespmem:$0x20];
	v2 =	vadd.s32 v0, v2  }
0x47: {  	[tilespmem:$0x80] =	vst v2;
	v2 =	vadd.s32 v0, v3;
	v3 =	vld [tilespmem:$0xB0]  }
0x48: {  	[tilespmem:$0x100] =	vst v2;
	v2 =	vadd.s32 v0, v4;
	v4 =	vld [tilespmem:$0x30]  }
0x49: {  	[tilespmem:$0x90] =	vst v2;
	v2 =	vadd.s32 v0, v5;
	v5 =	vld [tilespmem:$0xC0]  }
0x4a: {  	[tilespmem:$0x110] =	vst v2;
	v2 =	vadd.s32 v0, v6;
	v6 =	vld [tilespmem:$0x40]  }
0x4b: {  	[tilespmem:$0xA0] =	vst v2;
	v2 =	vadd.s32 v0, v7;
	v7 =	vld [tilespmem:$0xD0]  }
0x4c: {  	[tilespmem:$0x120] =	vst v2;
	v2 =	vadd.s32 v0, v3;
	v3 =	vld [tilespmem:$0x50]  }
0x4d: {  	[tilespmem:$0xB0] =	vst v2;
	v2 =	vadd.s32 v0, v4;
	v4 =	vld [tilespmem:$0xE0]  }
0x4e: {  	[tilespmem:$0x130] =	vst v2;
	v2 =	vadd.s32 v0, v5;
	v5 =	vld [tilespmem:$0x60]  }
0x4f: {  	[tilespmem:$0xC0] =	vst v2;
	v2 =	vadd.s32 v0, v6;
	v6 =	vld [tilespmem:$0xF0]  }
0x50: {  	[tilespmem:$0x140] =	vst v2;
	v2 =	vadd.s32 v0, v7;
	v7 =	vld [tilespmem:$0x70]  }
0x51: {  	[tilespmem:$0xD0] =	vst v2;
	v2 =	vadd.s32 v0, v3  }
0x52: {  	[tilespmem:$0x150] =	vst v2;
	v2 =	vadd.s32 v0, v4  }
0x53: {  	[tilespmem:$0xE0] =	vst v2;
	v2 =	vadd.s32 v0, v5  }
0x54: {  	[tilespmem:$0x160] =	vst v2;
	v2 =	vadd.s32 v0, v6  }
0x55: {  	[tilespmem:$0xF0] =	vst v2;
	v2 =	vadd.s32 v0, v7  }
0x56: {  	[tilespmem:$0x170] =	vst v2  }
0x57: {  	[tilespmem:s16], [sflag:$0x1] =	stream.indirect.gather [hbm4b:s6+s18], $0x80, s18, s18, $0xb8;
	[tilespmem:$0x1C180] =	vst v63  }
0x58: {  	_ = 	snop  }
0x59: {  	[tilespmem:s20], [sflag:$0x2] =	stream.indirect.gather [hbm4b:s7+s18], $0x80, s19, s18, $0xb8;
	[tilespmem:$0x1C180] =	vst v63  }
0x5a: {  	_ =	swait.ge [sflag:s21], $0x4000  }
0x5b: {  	[sflag:s21] =	ssyncset.done $0x0  }
0x5c: {  	[sflag:s21] =	ssyncadd.s32 $0xFFFFC000  }
0x5d: {  	_ =	swait.ge [sflag:s22], $0x4000  }
0x5e: {  	[sflag:s22] =	ssyncset.done $0x0  }
0x5f: {  	s26 =	simm.s32 $0x0;
	[sflag:s22] =	ssyncadd.s32 $0xFFFFC000  }
0x60: {  	v8 =	vld [tilespmem:s26+$0x4180]  }
0x61: {  	v13 =	vld [tilespmem:s26+$0x4190]  }
0x62: {  	v7 =	vld [tilespmem:s26+$0x41A0]  }
0x63: {  	v6 =	vld [tilespmem:s26+$0x41B0]  }
0x64: {  	v5 =	vld [tilespmem:s26+$0x41C0]  }
0x65: {  	v4 =	vld [tilespmem:s26+$0x41D0]  }
0x66: {  	v3 =	vld [tilespmem:s26+$0x41E0]  }
0x67: {  	v2 =	vld [tilespmem:s26+$0x41F0]  }
0x68: {  	v14 =	vld [tilespmem:s26+$0x180]  }
0x69: {  	v15 =	vld [tilespmem:s26+$0x190]  }
0x6a: {  	v12 =	vld [tilespmem:s26+$0x1A0]  }
0x6b: {  	v11 =	vld [tilespmem:s26+$0x1B0]  }
0x6c: {  	v10 =	vld [tilespmem:s26+$0x1C0]  }
0x6d: {  	v9 =	vld [tilespmem:s26+$0x1D0];
	v14 =	vadd.f32 v8, v14  }
0x6e: {  	s28 =	simm.s32 $0x200;
	v13 =	vadd.f32 v13, v15;
	v8 =	vld [tilespmem:s26+$0x1E0]  }
.LBB2_5:
0x6f: {  	s29 =	sshra.s32 s28, $0x2;
	p0 =	sne.s32 s28, $0xFE00;
	v14 =	vmax.f32 v14, $0.0e+00;
	v7 =	vadd.f32 v7, v12;
	v12 =	vld [tilespmem:s26+$0x1F0]  }
0x70: {  	v15 =	vld [tilespmem:s29+$0x4180];
	[tilespmem:s26+$0x180] =	vst v14;
	v13 =	vmax.f32 v13, $0.0e+00;
	v6 =	vadd.f32 v6, v11  }
0x71: {  	v16 =	vld [tilespmem:s29+$0x4190];
	[tilespmem:s26+$0x190] =	vst v13;
	v11 =	vmax.f32 v7, $0.0e+00;
	v5 =	vadd.f32 v5, v10  }
0x72: {  	v7 =	vld [tilespmem:s29+$0x41A0];
	[tilespmem:s26+$0x1A0] =	vst v11;
	v10 =	vmax.f32 v6, $0.0e+00;
	v4 =	vadd.f32 v4, v9  }
0x73: {  	v6 =	vld [tilespmem:s29+$0x41B0];
	[tilespmem:s26+$0x1B0] =	vst v10;
	v9 =	vmax.f32 v5, $0.0e+00;
	v3 =	vadd.f32 v3, v8  }
0x74: {  	v5 =	vld [tilespmem:s29+$0x41C0];
	[tilespmem:s26+$0x1C0] =	vst v9;
	v8 =	vmax.f32 v4, $0.0e+00;
	v2 =	vadd.f32 v2, v12  }
0x75: {  	v4 =	vld [tilespmem:s29+$0x41D0];
	[tilespmem:s26+$0x1D0] =	vst v8;
	v8 =	vmax.f32 v3, $0.0e+00  }
0x76: {  	v3 =	vld [tilespmem:s29+$0x41E0];
	[tilespmem:s26+$0x1E0] =	vst v8;
	v8 =	vmax.f32 v2, $0.0e+00  }
0x77: {  	v2 =	vld [tilespmem:s29+$0x41F0];
	[tilespmem:s26+$0x1F0] =	vst v8;
	s26 =	smov.u32 s29  }
0x78: {  	v8 =	vld [tilespmem:s26+$0x180]  }
0x79: {  	v13 =	vld [tilespmem:s26+$0x190]  }
.Ltmp1:
0x7a: {  	v12 =	vld [tilespmem:s26+$0x1A0];
	(pc) =	sbr.rel @p0 .LBB2_5-.Ltmp1, $4  }
0x7b: {  	v11 =	vld [tilespmem:s26+$0x1B0]  }
0x7c: {  	v10 =	vld [tilespmem:s26+$0x1C0]  }
0x7d: {  	v14 =	vadd.f32 v15, v8;
	v9 =	vld [tilespmem:s26+$0x1D0]  }
0x7e: {  	s28 =	sadd.s32 $0x200, s28;
	v13 =	vadd.f32 v16, v13;
	v8 =	vld [tilespmem:s26+$0x1E0]  }
0x7f: {  	v14 =	vmax.f32 v14, $0.0e+00;
	v7 =	vadd.f32 v7, v12;
	v63 =	vld [tilespmem:s26+$0x1F0]  }
0x80: {  	[tilespmem:s26+$0x180] =	vst v14;
	v13 =	vmax.f32 v13, $0.0e+00;
	v6 =	vadd.f32 v6, v11  }
0x81: {  	[tilespmem:s26+$0x190] =	vst v13;
	v7 =	vmax.f32 v7, $0.0e+00;
	v5 =	vadd.f32 v5, v10  }
0x82: {  	[tilespmem:s26+$0x1A0] =	vst v7;
	v6 =	vmax.f32 v6, $0.0e+00;
	v4 =	vadd.f32 v4, v9  }
0x83: {  	[tilespmem:s26+$0x1B0] =	vst v6;
	v5 =	vmax.f32 v5, $0.0e+00;
	v3 =	vadd.f32 v3, v8  }
0x84: {  	[tilespmem:s26+$0x1C0] =	vst v5;
	v4 =	vmax.f32 v4, $0.0e+00;
	v2 =	vadd.f32 v2, v63  }
0x85: {  	s25 =	sadd.s32 $0x1, s25;
	[tilespmem:s26+$0x1D0] =	vst v4;
	v3 =	vmax.f32 v3, $0.0e+00  }
0x86: {  	p0 =	sne.s32 s25, $0x140;
	[tilespmem:s26+$0x1E0] =	vst v3;
	v2 =	vmax.f32 v2, $0.0e+00  }
.Ltmp2:
0x87: {  	[tilespmem:s26+$0x1F0] =	vst v2;
	(pc) =	sbr.rel @p0 .LBB2_4-.Ltmp2, $4  }
0x88: {  	[spmem:s1] =	stream.indirect.scatter.add.f32 [tilespmem:s16], [sflag:$0x3], $0x80, s3, s18, $0xb8;
	[tilespmem:$0x1C180] =	vst v63  }
0x89: {  	_ =	swait.ge [sflag:s17], $0x4000  }
0x8a: {  	[sflag:s17] =	ssyncset.done $0x0  }
0x8b: {  	[sflag:s17] =	ssyncadd.s32 $0xFFFFC000  }
0x8c: {  	s23 =	sadd.s32 $0x1, s23  }
0x8d: {  	s24 =	sshll.u32 s2, $0x6;
	[bflag:$0x0] =	sbarrier.arrive $0xFFFF;
	p0 =	sne.s32 s23, s15  }
.Ltmp3:
0x8e: {  	s25 =	sshrl.u32 s8, $0x3;
	s24 =	sor.u32 $0x1C03, s24;
	(pc) =	sbr.rel @p0 .LBB2_1-.Ltmp3, $4  }
0x8f: {  	[hbm:s14], [sflag:s24] =	dma.local [spmem:s25], $0x2800  }
0x90: {  	_ =	swait.ge [sflag:s17], $0x2800  }
0x91: {  	[sflag:s17] =	ssyncset.done $0x0  }
0x92: {  	[sflag:s17] =	ssyncadd.s32 $0xFFFFD800  }
0x93: {  	_ =	sfence.sel $0x180000  }
0x94: {  	[bflag:$0x0] =	sbarrier.arrive $0xFFFF  }
0x95: {  	p0 =	sne.s32 s2, $0x0;
	_ =	strace $0x9000004D  }
0x96: {  	s0 =	sadd.s32 @!p0 $0x100000, s0;
	[bflag:$0x2] =	sbarrier.arrive $0xFFFF  }
0x97: {  	[sflag:s0] =	ssyncadd.tile.s32 @!p0 $0x1;
	_ =	shalt  }
.Lfunc_end2:
_tile_overlayer_lowered:
.L_overlay_start_2:
0x98: {  	(tag) =	ssettag $0x2  }
0x99: {  	s0 =	rddreg [dreg:$0x0];
	s2 =	stileid.u32  }
0x9a: {  	s1 =	rddreg [dreg:$0x1];
	p0 =	sne.s32 s2, $0x0  }
0x9b: {  	s3 =	rddreg [dreg:$0x2];
	[bflag:$0x3] =	sbarrier.arrive $0xFFFF;
	s2 =	simm.s32 @!p0 $0x1C03  }
0x9c: {  	[timem:s3], [sflag:s2] =	dma.local @!p0 [hbm:s0], s1  }
0x9d: {  	s0 =	simm.s32 @!p0 $0x3  }
0x9e: {  	_ =	swait.ge @!p0 [sflag:s0], s1  }
0x9f: {  	s1 =	ssub.s32 @!p0 $0x0, s1;
	[sflag:s0] =	ssyncset.done @!p0 $0x0  }
0xa0: {  	[sflag:s0] =	ssyncadd.s32 @!p0 s1  }
0xa1: {  	[bflag:$0x3] =	sbarrier.arrive $0xFFFF  }
0xa2: {  	_ =	shalt  }

// kernel: kernel.8.cloned.1.call-start
scs
__scs_entry_jumppad:
0x0: {  	(pc) =	sbr.rel $0x88, $3  }
0x1: {  	(tag) =	ssettag $0x0;
	lr =	simm.s32 $0x1  }
0x2: {  	[smem:$0x3F90] =	sst lr;
	_ =	strace $0xD0000000  }
0x3: {  	_ = 	snop  }
0x4: {  	_ = 	snop  }
0x5: {  	_ = 	snop  }
0x6: {  	_ = 	snop  }
0x7: {  	_ = 	snop  }
__scs_overlays_trampoline_lowered:
0x8: {  	[smem:$0x3F9F] =	sst s0  }
0x9: {  	[smem:$0x3FA0] =	sst s1  }
0xa: {  	[smem:$0x3FA1] =	sst s2  }
0xb: {  	[smem:$0x3FA2] =	sst s3  }
0xc: {  	[smem:$0x3FA3] =	sst s4  }
0xd: {  	[smem:$0x3FA4] =	sst s5  }
0xe: {  	[smem:$0x3FA5] =	sst s6  }
0xf: {  	[smem:$0x3FA6] =	sst s7  }
0x10: {  	[smem:$0x3FA7] =	sst s8  }
0x11: {  	[smem:$0x3FA8] =	sst s9;
	s0 =	simm.s32 @!p0 $0x0  }
0x12: {  	s1 =	sld [smem:$0x3F8E];
	s0 =	simm.s32 @p0 $0x1  }
0x13: {  	[smem:$0x3FA9] =	sst s0;
	s0 =	simm.s32 @!p1 $0x0  }
0x14: {  	s2 =	sld [smem:$0x3F8D];
	s0 =	simm.s32 @p1 $0x1  }
0x15: {  	[smem:$0x3FAA] =	sst s0;
	s0 =	simm.s32 @!p2 $0x0  }
0x16: {  	s3 =	sld [smem:$0x3FDB];
	s0 =	simm.s32 @p2 $0x1  }
0x17: {  	s4 =	simm.s32 $0x1BF5;
	[smem:$0x3FAC] =	sst s0  }
0x18: {  	s0 =	sld [smem:$0x3F8F];
	_ =	swait.ge [sflag:s4], $0x0  }
0x19: {  	s7 =	sld [smem:$0x3F90]  }
0x1a: {  	s8 =	sadd.s32 $0xFFFFE003, lr  }
0x1b: {  	s9 =	sadd.s32 $0xFFFFFEF7, lr;
	s5 =	simm.s32 $0xFFFFFFFF;
	p2 =	slt.u32 s8, $0xFFFFF086  }
0x1c: {  	p1 =	slt.u32 s9, $0xF7A;
	s5 =	simm.s32 @!p2 $0x0  }
0x1d: {  	s5 =	simm.s32 @p1 $0x1;
	p0 =	seq.s32 s7, s2  }
0x1e: {  	s7 =	smul.u32 @!p0 $0xF7A, s2;
	p2 =	seq.s32 @!p0 s5, $0x0  }
0x1f: {  	s9 =	smul.u32 $0xF7A, s1;
	s8 =	simm.s32 @!p0 $0x1BF5;
	p2 =	por !p2, p0  }
0x20: {  	[sflag:s8] =	ssyncset.s32 @!p0 $0xFFFFF086;
	s6 =	sadd.s32 @!p0 s3, s7;
	s7 =	simm.s32 @!p0 $0x108  }
0x21: {  	s3 =	sadd.s32 s3, s9;
	s6 =	sadd.s32 @!p0 $0x88, s6;
	s7 =	simm.s32 @p2 $0x1082  }
0x22: {  	[simem:s7], [sflag:s8] =	dma.local @!p0 [hbm:s6], $0xF7A  }
0x23: {  	s9 =	sor.u32 $0xD0000000, s2;
	s6 =	simm.s32 $0x108;
	_ =	swait.ge @!p0 [sflag:s8], $0x0  }
0x24: {  	s3 =	sadd.s32 $0x88, s3;
	s6 =	simm.s32 @!p1 $0x1082;
	[sflag:s4] =	ssyncset.s32 $0xFFFFF086  }
0x25: {  	[simem:s6], [sflag:s4] =	dma.local [hbm:s3], $0xF7A  }
0x26: {  	[smem:$0x3F90] =	sst s1;
	(tag) =	ssettag s2;
	_ =	strace s9  }
0x27: {  	s1 =	sld [smem:$0x3FA0]  }
0x28: {  	s2 =	sld [smem:$0x3FA1]  }
0x29: {  	s4 =	sld [smem:$0x3FA3]  }
0x2a: {  	p0 =	seq.s32 s5, $0x0;
	s5 =	sld [smem:$0x3FA4]  }
0x2b: {  	s6 =	sld [smem:$0x3FA5]  }
0x2c: {  	s7 =	sld [smem:$0x3FA6]  }
0x2d: {  	s3 =	simm.s32 $0x108;
	s8 =	sld [smem:$0x3FA7]  }
0x2e: {  	s3 =	simm.s32 @!p0 $0x1082;
	s9 =	sld [smem:$0x3FA8]  }
0x2f: {  	lr =	sadd.s32 s0, s3;
	s0 =	sld [smem:$0x3F9F]  }
0x30: {  	s3 =	sld [smem:$0x3FA2]  }
0x31: {  	[smem:$0x3FAB] =	sst s10  }
0x32: {  	s10 =	sld [smem:$0x3FA9];
	_ =	sdelay $0x3  }
0x33: {  	p0 =	seq.s32 s10, $0x1;
	s10 =	sld [smem:$0x3FAB];
	_ =	sdelay $0x3  }
0x34: {  	[smem:$0x3FAB] =	sst s10  }
0x35: {  	s10 =	sld [smem:$0x3FAA];
	_ =	sdelay $0x3  }
0x36: {  	p1 =	seq.s32 s10, $0x1;
	s10 =	sld [smem:$0x3FAB];
	_ =	sdelay $0x3  }
0x37: {  	[smem:$0x3FAB] =	sst s10  }
0x38: {  	s10 =	sld [smem:$0x3FAC]  }
0x39: {  	_ = 	snop;
	(pc) =	sbr.ind lr, $3  }
0x3a: {  	_ = 	snop  }
0x3b: {  	_ = 	snop  }
0x3c: {  	p2 =	seq.s32 s10, $0x1;
	s10 =	sld [smem:$0x3FAB]  }
0x3d: {  	_ =	shalt  }
0x3e: {  	_ =	shalt  }
0x3f: {  	_ =	shalt  }
0x40: {  	_ =	shalt  }
0x41: {  	_ =	shalt  }
0x42: {  	_ =	shalt  }
0x43: {  	_ =	shalt  }
0x44: {  	_ =	shalt  }
0x45: {  	_ =	shalt  }
0x46: {  	_ =	shalt  }
0x47: {  	_ =	shalt  }
0x48: {  	_ =	shalt  }
0x49: {  	_ =	shalt  }
0x4a: {  	_ =	shalt  }
0x4b: {  	_ =	shalt  }
0x4c: {  	_ =	shalt  }
0x4d: {  	_ =	shalt  }
0x4e: {  	_ =	shalt  }
0x4f: {  	_ =	shalt  }
0x50: {  	_ =	shalt  }
0x51: {  	_ =	shalt  }
0x52: {  	_ =	shalt  }
0x53: {  	_ =	shalt  }
0x54: {  	_ =	shalt  }
0x55: {  	_ =	shalt  }
0x56: {  	_ =	shalt  }
0x57: {  	_ =	shalt  }
0x58: {  	_ =	shalt  }
0x59: {  	_ =	shalt  }
0x5a: {  	_ =	shalt  }
0x5b: {  	_ =	shalt  }
0x5c: {  	_ =	shalt  }
0x5d: {  	_ =	shalt  }
0x5e: {  	_ =	shalt  }
0x5f: {  	_ =	shalt  }
0x60: {  	_ =	shalt  }
0x61: {  	_ =	shalt  }
0x62: {  	_ =	shalt  }
0x63: {  	_ =	shalt  }
0x64: {  	_ =	shalt  }
0x65: {  	_ =	shalt  }
0x66: {  	_ =	shalt  }
0x67: {  	_ =	shalt  }
0x68: {  	_ =	shalt  }
0x69: {  	_ =	shalt  }
0x6a: {  	_ =	shalt  }
0x6b: {  	_ =	shalt  }
0x6c: {  	_ =	shalt  }
0x6d: {  	_ =	shalt  }
0x6e: {  	_ =	shalt  }
0x6f: {  	_ =	shalt  }
0x70: {  	_ =	shalt  }
0x71: {  	_ =	shalt  }
0x72: {  	_ =	shalt  }
0x73: {  	_ =	shalt  }
0x74: {  	_ =	shalt  }
0x75: {  	_ =	shalt  }
0x76: {  	_ =	shalt  }
0x77: {  	_ =	shalt  }
0x78: {  	_ =	shalt  }
0x79: {  	_ =	shalt  }
0x7a: {  	_ =	shalt  }
0x7b: {  	_ =	shalt  }
0x7c: {  	_ =	shalt  }
0x7d: {  	_ =	shalt  }
0x7e: {  	_ =	shalt  }
0x7f: {  	_ =	shalt  }
0x80: {  	_ =	shalt  }
0x81: {  	_ =	shalt  }
0x82: {  	_ =	shalt  }
0x83: {  	_ =	shalt  }
0x84: {  	_ =	shalt  }
0x85: {  	_ =	shalt  }
0x86: {  	_ =	shalt  }
0x87: {  	_ =	shalt  }
.Lfunc_end0:
.L_simem_size_0:
called_computation_lowered:
.L_overlay_start_0:
0x88: {  	s2 =	sld [smem:$0x3FD9]  }
0x89: {  	s3 =	sld [smem:$0x3FFE];
	_ =	sdelay $0x1  }
0x8a: {  	s1 =	srdreg.scid  }
0x8b: {  	s0 =	sand.u32 $0x1, s1  }
0x8c: {  	s16 =	sshll.u32 s0, $0xA;
	s2 =	sadd.s32 s3, s2  }
0x8d: {  	s2 =	sadd.s32 s2, s16  }
0x8e: {  	[smem:$0x3FB7] =	sst s2  }
0x8f: {  	_ = 	snop  }
0x90: {  	(tm) =	ssettm $0x1  }
0x91: {  	s17 =	sld [smem:$0x3FFB];
	_ =	sdelay $0x3  }
0x92: {  	_ =	strace s17  }
0x93: {  	s2 =	sld [smem:$0x3FFC];
	_ =	sdelay $0x3  }
0x94: {  	_ =	strace s2  }
0x95: {  	s2 =	sld [smem:$0x3FFD];
	_ =	sdelay $0x3  }
0x96: {  	_ =	strace s2  }
0x97: {  	_ =	strace $0x8FFFFFFF  }
0x98: {  	s18 =	sld [smem:$0x3FDB];
	_ =	sdelay $0x1  }
0x99: {  	s19 =	simm.s32 $_scs_section_size  }
0x9a: {  	s4 =	simm.s32 $_size__tile_overlayer_lowered;
	s5 =	simm.s32 $_tile_overlayer_lowered  }
0x9b: {  	s22 =	simm.s32 $0x1BFF;
	s21 =	sshll.u32 s5, $0x1;
	s2 =	sadd.s32 s19, s18  }
0x9c: {  	s6 =	simm.s32 $0x0;
	s20 =	sshll.u32 s4, $0x1;
	s4 =	sadd.s32 s21, s2  }
0x9d: {  	[timem:s6], [sflag:s22] =	dma.local [hbm:s4], s20  }
0x9e: {  	_ =	swait.ge [sflag:s22], s20  }
0x9f: {  	s3 =	ssub.s32 $0x0, s20;
	[sflag:s22] =	ssyncset.done $0x0  }
0xa0: {  	[sflag:s22] =	ssyncadd.s32 s3;
	_ =	sdelay $0x1  }
0xa1: {  	s23 =	simm.s32 $0x1B8B  }
0xa2: {  	_ =	swait.ge [sflag:s23], $0x1  }
0xa3: {  	[sflag:s23] =	ssyncset.done $0x0  }
0xa4: {  	s25 =	simm.s32 $0x1B8E;
	s24 =	sld [smem:$0x3FFE];
	[sflag:s23] =	ssyncadd.s32 $0xFFFFFFFF  }
0xa5: {  	s26 =	simm.s32 $execute0_lowered;
	[smem:$0x3FD2] =	sst s25  }
0xa6: {  	s4 =	sshll.u32 s26, $0x1;
	_ =	strace $0x80000046;
	[dreg:$0x1] =	wrdreg $0xFFFFFFFF  }
0xa7: {  	s28 =	simm.s32 $_size_execute0_lowered;
	s2 =	sadd.s32 s2, s4;
	[dreg:$0x0] =	wrdreg $0x0  }
0xa8: {  	s4 =	sshll.u32 s28, $0x1;
	[dreg:$0x2] =	wrdreg s2  }
0xa9: {  	[dreg:$0x3] =	wrdreg s4  }
0xaa: {  	[dreg:$0x4] =	wrdreg $0xC0  }
0xab: {  	_ =	task [dreg:s6], $0x5FFFF  }
0xac: {  	[dreg:$0x1] =	wrdreg $0xFFFFFFFF  }
0xad: {  	[dreg:$0x0] =	wrdreg $0x60  }
0xae: {  	[dreg:$0x2] =	wrdreg s24  }
0xaf: {  	[dreg:$0x3] =	wrdreg $0x24000  }
0xb0: {  	[dreg:$0x4] =	wrdreg $0x9  }
0xb1: {  	_ =	task.clear_ibuf [dreg:s6], $0x5FFFF;
	_ =	strace $0x90000046  }
0xb2: {  	s29 =	simm.s32 $0x9;
	_ =	strace $0x80000048  }
0xb3: {  	_ =	swait.ge [sflag:s29], $0x1  }
0xb4: {  	[sflag:s29] =	ssyncadd.s32 $0xFFFFFFFF  }
0xb5: {  	_ =	strace $0x90000048  }
0xb6: {  	_ =	sfence  }
0xb7: {  	s30 =	sld [smem:$0x0];
	_ =	sdelay $0x2  }
0xb8: {  	s31 =	sshll.u32 s1, $0xD;
	s1 =	sshrl.u32 s1, $0x2  }
0xb9: {  	s3 =	sand.u32 $0x4000, s31;
	s1 =	sadd.s32 s1, s30  }
0xba: {  	s0 =	sor.u32 s3, s0;
	s1 =	sshll.u32 s1, $0x11  }
0xbb: {  	s0 =	sor.u32 s1, s0  }
0xbc: {  	s0 =	sadd.s32 $0x8F2B, s0  }
0xbd: {  	[sflag:s0] =	ssyncadd.remote.s32 $0x1  }
0xbe: {  	_ =	sfence.sel $0xFFFF  }
0xbf: {  	[dreg:$0x0] =	wrdreg $0xFFFFFFFF;
	(pc) =	sbr.abs _section_cstart, $3  }
0xc0: {  	[dreg:$0x1] =	wrdreg $0xFFFFFFFF  }
0xc1: {  	_ =	task.clear_ibuf [dreg:s6], $0x2FFFF;
	_ =	strace $0x9FFFFFFF  }
0xc2: {  	(tm) =	ssettm $0x7FFFFFFF  }
0xc3: {  	_ =	shalt  }
tec
execute0_lowered:
.L_overlay_start_1:
0x0: {  	(tag) =	ssettag $0x1  }
0x1: {  	s0 =	srdreg.scid;
	s4 =	rddreg [dreg:$0x0]  }
0x2: {  	s2 =	rddreg [dreg:$0x1];
	s3 =	simm.s32 $0x0;
	s17 =	simm.s32 $0x400  }
0x3: {  	s18 =	simm.s32 $0x1;
	s19 =	simm.s32 $0x40;
	s5 =	sand.u32 $0x1, s0  }
0x4: {  	s20 =	simm.s32 $0x80;
	s0 =	stileid.u32;
	s6 =	smul.u32 $0x1400, s5  }
0x5: {  	s21 =	simm.s32 $0x100;
	s22 =	simm.s32 $0x180;
	s7 =	smul.u32 $0x140, s0  }
0x6: {  	s23 =	simm.s32 $0x200;
	s24 =	simm.s32 $0x280;
	s8 =	smul.u32 $0x140000, s5  }
0x7: {  	s25 =	simm.s32 $0x300;
	s28 =	simm.s32 $0x0;
	s26 =	smul.u32 $0x14000, s0  }
0x8: {  	[smem:$0x7FF] =	sst s3;
	s9 =	smul.u32 $0x50000, s0;
	s5 =	ssub.s32 $0x2, s5  }
0x9: {  	_ =	strace $0x80000047;
	s31 =	sshrl.u32 s5, $0x1;
	s6 =	sadd.s32 s7, s6  }
0xa: {  	s29 =	sadd.s32 s26, s8;
	s30 =	sshrl.u32 s9, $0x2;
	s6 =	sshll.u32 s6, $0x4  }
0xb: {  	s15 =	ssub.s32 s5, s31;
	s16 =	sadd.s32 s6, s4;
	s6 =	sshrl.u32 s29, $0x3  }
0xc: {  	s26 =	simm.s32 $0x380;
	s14 =	sadd.s32 s6, s4;
	s4 =	sadd.s32 s30, s2  }
0xd: {  	s15 =	smax.u32 s15, $0x1;
	s16 =	sadd.s32 $0x2B800, s16;
	s5 =	sadd.s32 $0x2000, s4  }
0xe: {  	s6 =	sadd.s32 $0x4000, s4;
	s7 =	sadd.s32 $0x6000, s4;
	s8 =	sadd.s32 $0x8000, s4  }
0xf: {  	s9 =	sadd.s32 $0xA000, s4;
	s10 =	sadd.s32 $0xC000, s4;
	s11 =	sadd.s32 $0xE000, s4  }
0x10: {  	v0 =	vimm.f32 $0.0e+00;
	v1 =	vimm.f32 $1.000000000e+00;
	s12 =	sadd.s32 $0x10000, s4;
	s13 =	sadd.s32 $0x12000, s4;
	s14 =	sadd.s32 $0x53800, s14  }
.LBB2_1:
0x11: {  	s29 =	simm.s32 $0x0;
	s30 =	simm.s32 $0x200  }
.LBB2_2:
0x12: {  	p0 =	sne.s32 s30, $0x7E00;
	[tilespmem:s29+$0x470] =	vst v0  }
0x13: {  	[tilespmem:s29+$0x400] =	vst v0  }
0x14: {  	[tilespmem:s29+$0x410] =	vst v0  }
.Ltmp0:
0x15: {  	[tilespmem:s29+$0x420] =	vst v0;
	(pc) =	sbr.rel @p0 .LBB2_2-.Ltmp0, $4  }
0x16: {  	[tilespmem:s29+$0x430] =	vst v0  }
0x17: {  	[tilespmem:s29+$0x440] =	vst v0  }
0x18: {  	[tilespmem:s29+$0x450] =	vst v0  }
0x19: {  	[tilespmem:s29+$0x460] =	vst v0;
	s29 =	sshra.s32 s30, $0x2;
	s30 =	sadd.s32 $0x200, s30  }
0x1a: {  	[tilespmem:s29+$0x470] =	vst v0  }
0x1b: {  	[tilespmem:s29+$0x400] =	vst v0  }
0x1c: {  	[tilespmem:s29+$0x410] =	vst v0  }
0x1d: {  	[tilespmem:s29+$0x420] =	vst v0  }
0x1e: {  	[tilespmem:s29+$0x430] =	vst v0  }
0x1f: {  	[tilespmem:s29+$0x440] =	vst v0  }
0x20: {  	[tilespmem:s29+$0x450] =	vst v0  }
0x21: {  	[tilespmem:s29+$0x460] =	vst v0  }
0x22: {  	[spmem:s4] =	stream.linear.scatter [tilespmem:s17], [sflag:$0x1], $0x2000, $0x38;
	[tilespmem:$0x16400] =	vst v63  }
0x23: {  	_ =	swait.ge [sflag:s18], $0x2000  }
0x24: {  	[sflag:s18] =	ssyncset.done $0x0  }
0x25: {  	[sflag:s18] =	ssyncadd.s32 $0xFFFFE000  }
0x26: {  	[spmem:s5] =	stream.linear.scatter [tilespmem:s17], [sflag:$0x1], $0x2000, $0x38;
	[tilespmem:$0x16400] =	vst v63  }
0x27: {  	_ =	swait.ge [sflag:s18], $0x2000  }
0x28: {  	[sflag:s18] =	ssyncset.done $0x0  }
0x29: {  	[sflag:s18] =	ssyncadd.s32 $0xFFFFE000  }
0x2a: {  	[spmem:s6] =	stream.linear.scatter [tilespmem:s17], [sflag:$0x1], $0x2000, $0x38;
	[tilespmem:$0x16400] =	vst v63  }
0x2b: {  	_ =	swait.ge [sflag:s18], $0x2000  }
0x2c: {  	[sflag:s18] =	ssyncset.done $0x0  }
0x2d: {  	[sflag:s18] =	ssyncadd.s32 $0xFFFFE000  }
0x2e: {  	[spmem:s7] =	stream.linear.scatter [tilespmem:s17], [sflag:$0x1], $0x2000, $0x38;
	[tilespmem:$0x16400] =	vst v63  }
0x2f: {  	_ =	swait.ge [sflag:s18], $0x2000  }
0x30: {  	[sflag:s18] =	ssyncset.done $0x0  }
0x31: {  	[sflag:s18] =	ssyncadd.s32 $0xFFFFE000  }
0x32: {  	[spmem:s8] =	stream.linear.scatter [tilespmem:s17], [sflag:$0x1], $0x2000, $0x38;
	[tilespmem:$0x16400] =	vst v63  }
0x33: {  	_ =	swait.ge [sflag:s18], $0x2000  }
0x34: {  	[sflag:s18] =	ssyncset.done $0x0  }
0x35: {  	[sflag:s18] =	ssyncadd.s32 $0xFFFFE000  }
0x36: {  	[spmem:s9] =	stream.linear.scatter [tilespmem:s17], [sflag:$0x1], $0x2000, $0x38;
	[tilespmem:$0x16400] =	vst v63  }
0x37: {  	_ =	swait.ge [sflag:s18], $0x2000  }
0x38: {  	[sflag:s18] =	ssyncset.done $0x0  }
0x39: {  	[sflag:s18] =	ssyncadd.s32 $0xFFFFE000  }
0x3a: {  	[spmem:s10] =	stream.linear.scatter [tilespmem:s17], [sflag:$0x1], $0x2000, $0x38;
	[tilespmem:$0x16400] =	vst v63  }
0x3b: {  	_ =	swait.ge [sflag:s18], $0x2000  }
0x3c: {  	[sflag:s18] =	ssyncset.done $0x0  }
0x3d: {  	[sflag:s18] =	ssyncadd.s32 $0xFFFFE000  }
0x3e: {  	[spmem:s11] =	stream.linear.scatter [tilespmem:s17], [sflag:$0x1], $0x2000, $0x38;
	[tilespmem:$0x16400] =	vst v63  }
0x3f: {  	_ =	swait.ge [sflag:s18], $0x2000  }
0x40: {  	[sflag:s18] =	ssyncset.done $0x0  }
0x41: {  	[sflag:s18] =	ssyncadd.s32 $0xFFFFE000  }
0x42: {  	[spmem:s12] =	stream.linear.scatter [tilespmem:s17], [sflag:$0x1], $0x2000, $0x38;
	[tilespmem:$0x16400] =	vst v63  }
0x43: {  	_ =	swait.ge [sflag:s18], $0x2000  }
0x44: {  	[sflag:s18] =	ssyncset.done $0x0  }
0x45: {  	[sflag:s18] =	ssyncadd.s32 $0xFFFFE000  }
0x46: {  	[spmem:s13] =	stream.linear.scatter [tilespmem:s17], [sflag:$0x1], $0x2000, $0x38;
	[tilespmem:$0x16400] =	vst v63  }
0x47: {  	_ =	swait.ge [sflag:s18], $0x2000  }
0x48: {  	[sflag:s18] =	ssyncset.done $0x0  }
0x49: {  	s29 =	simm.s32 $0x0;
	s30 =	simm.s32 $0x200;
	[sflag:s18] =	ssyncadd.s32 $0xFFFFE000  }
.LBB2_4:
0x4a: {  	p0 =	sne.s32 s30, $0x7E00;
	[tilespmem:s29+$0x470] =	vst v1  }
0x4b: {  	[tilespmem:s29+$0x400] =	vst v1  }
0x4c: {  	[tilespmem:s29+$0x410] =	vst v1  }
.Ltmp1:
0x4d: {  	[tilespmem:s29+$0x420] =	vst v1;
	(pc) =	sbr.rel @p0 .LBB2_4-.Ltmp1, $4  }
0x4e: {  	[tilespmem:s29+$0x430] =	vst v1  }
0x4f: {  	[tilespmem:s29+$0x440] =	vst v1  }
0x50: {  	[tilespmem:s29+$0x450] =	vst v1  }
0x51: {  	[tilespmem:s29+$0x460] =	vst v1;
	s29 =	sshra.s32 s30, $0x2;
	s30 =	sadd.s32 $0x200, s30  }
0x52: {  	[tilespmem:s29+$0x470] =	vst v1  }
0x53: {  	[tilespmem:s29+$0x400] =	vst v1  }
0x54: {  	[tilespmem:s29+$0x410] =	vst v1  }
0x55: {  	[tilespmem:s29+$0x420] =	vst v1  }
0x56: {  	[tilespmem:s29+$0x430] =	vst v1  }
0x57: {  	[tilespmem:s29+$0x440] =	vst v1  }
0x58: {  	[tilespmem:s29+$0x450] =	vst v1  }
0x59: {  	[tilespmem:s29+$0x460] =	vst v1  }
0x5a: {  	s29 =	sadd.s32 $0x0, s16;
	[bflag:$0x0] =	sbarrier.arrive $0xFFFF  }
0x5b: {  	[tilespmem:s3], [sflag:$0x1] =	stream.linear.gather [hbm4b:s29+s3], $0x400, $0x38;
	[tilespmem:$0x16400] =	vst v63  }
0x5c: {  	_ =	swait.ge [sflag:s18], $0x400  }
0x5d: {  	[sflag:s18] =	ssyncset.done $0x0  }
0x5e: {  	[sflag:s18] =	ssyncadd.s32 $0xFFFFFC00  }
0x5f: {  	[spmem:s2] =	stream.indirect.scatter.add.f32 [tilespmem:s17], [sflag:$0x1], $0x80, s3, s19, $0xb8;
	[tilespmem:$0x16400] =	vst v63  }
0x60: {  	_ =	swait.ge [sflag:s18], $0x2000  }
0x61: {  	[sflag:s18] =	ssyncset.done $0x0  }
0x62: {  	[sflag:s18] =	ssyncadd.s32 $0xFFFFE000  }
0x63: {  	[spmem:s2] =	stream.indirect.scatter.add.f32 [tilespmem:s17], [sflag:$0x1], $0x80, s20, s19, $0xb8;
	[tilespmem:$0x16400] =	vst v63  }
0x64: {  	_ =	swait.ge [sflag:s18], $0x2000  }
0x65: {  	[sflag:s18] =	ssyncset.done $0x0  }
0x66: {  	[sflag:s18] =	ssyncadd.s32 $0xFFFFE000  }
0x67: {  	[spmem:s2] =	stream.indirect.scatter.add.f32 [tilespmem:s17], [sflag:$0x1], $0x80, s21, s19, $0xb8;
	[tilespmem:$0x16400] =	vst v63  }
0x68: {  	_ =	swait.ge [sflag:s18], $0x2000  }
0x69: {  	[sflag:s18] =	ssyncset.done $0x0  }
0x6a: {  	[sflag:s18] =	ssyncadd.s32 $0xFFFFE000  }
0x6b: {  	[spmem:s2] =	stream.indirect.scatter.add.f32 [tilespmem:s17], [sflag:$0x1], $0x80, s22, s19, $0xb8;
	[tilespmem:$0x16400] =	vst v63  }
0x6c: {  	_ =	swait.ge [sflag:s18], $0x2000  }
0x6d: {  	[sflag:s18] =	ssyncset.done $0x0  }
0x6e: {  	[sflag:s18] =	ssyncadd.s32 $0xFFFFE000  }
0x6f: {  	[spmem:s2] =	stream.indirect.scatter.add.f32 [tilespmem:s17], [sflag:$0x1], $0x80, s23, s19, $0xb8;
	[tilespmem:$0x16400] =	vst v63  }
0x70: {  	_ =	swait.ge [sflag:s18], $0x2000  }
0x71: {  	[sflag:s18] =	ssyncset.done $0x0  }
0x72: {  	[sflag:s18] =	ssyncadd.s32 $0xFFFFE000  }
0x73: {  	[spmem:s2] =	stream.indirect.scatter.add.f32 [tilespmem:s17], [sflag:$0x1], $0x80, s24, s19, $0xb8;
	[tilespmem:$0x16400] =	vst v63  }
0x74: {  	_ =	swait.ge [sflag:s18], $0x2000  }
0x75: {  	[sflag:s18] =	ssyncset.done $0x0  }
0x76: {  	[sflag:s18] =	ssyncadd.s32 $0xFFFFE000  }
0x77: {  	[spmem:s2] =	stream.indirect.scatter.add.f32 [tilespmem:s17], [sflag:$0x1], $0x80, s25, s19, $0xb8;
	[tilespmem:$0x16400] =	vst v63  }
0x78: {  	_ =	swait.ge [sflag:s18], $0x2000  }
0x79: {  	[sflag:s18] =	ssyncset.done $0x0  }
0x7a: {  	[sflag:s18] =	ssyncadd.s32 $0xFFFFE000  }
0x7b: {  	[spmem:s2] =	stream.indirect.scatter.add.f32 [tilespmem:s17], [sflag:$0x1], $0x80, s26, s19, $0xb8;
	[tilespmem:$0x16400] =	vst v63  }
0x7c: {  	_ =	swait.ge [sflag:s18], $0x2000  }
0x7d: {  	s31 =	simm.s32 $0x100;
	s29 =	simm.s32 $0x80;
	[sflag:s18] =	ssyncset.done $0x0  }
.LBB2_6:
0x7e: {  	s1 =	sadd.s32 s29, s16  }
0x7f: {  	[sflag:s18] =	ssyncadd.s32 $0xFFFFE000;
	s29 =	smov.u32 s31;
	s30 =	sadd.s32 $0x80, s31  }
0x80: {  	[tilespmem:s3], [sflag:$0x1] =	stream.linear.gather [hbm4b:s1+s3], $0x400, $0x38;
	[tilespmem:$0x16400] =	vst v63  }
0x81: {  	p0 =	sne.s32 s31, $0x1380;
	_ =	swait.ge [sflag:s18], $0x400  }
0x82: {  	[sflag:s18] =	ssyncset.done $0x0  }
0x83: {  	[sflag:s18] =	ssyncadd.s32 $0xFFFFFC00  }
0x84: {  	[spmem:s2] =	stream.indirect.scatter.add.f32 [tilespmem:s17], [sflag:$0x1], $0x80, s3, s19, $0xb8;
	[tilespmem:$0x16400] =	vst v63  }
0x85: {  	_ =	swait.ge [sflag:s18], $0x2000  }
0x86: {  	[sflag:s18] =	ssyncset.done $0x0  }
0x87: {  	[sflag:s18] =	ssyncadd.s32 $0xFFFFE000  }
0x88: {  	[spmem:s2] =	stream.indirect.scatter.add.f32 [tilespmem:s17], [sflag:$0x1], $0x80, s20, s19, $0xb8;
	[tilespmem:$0x16400] =	vst v63  }
0x89: {  	_ =	swait.ge [sflag:s18], $0x2000  }
0x8a: {  	[sflag:s18] =	ssyncset.done $0x0  }
0x8b: {  	[sflag:s18] =	ssyncadd.s32 $0xFFFFE000  }
0x8c: {  	[spmem:s2] =	stream.indirect.scatter.add.f32 [tilespmem:s17], [sflag:$0x1], $0x80, s21, s19, $0xb8;
	[tilespmem:$0x16400] =	vst v63  }
0x8d: {  	_ =	swait.ge [sflag:s18], $0x2000  }
0x8e: {  	[sflag:s18] =	ssyncset.done $0x0  }
0x8f: {  	[sflag:s18] =	ssyncadd.s32 $0xFFFFE000  }
0x90: {  	[spmem:s2] =	stream.indirect.scatter.add.f32 [tilespmem:s17], [sflag:$0x1], $0x80, s22, s19, $0xb8;
	[tilespmem:$0x16400] =	vst v63  }
0x91: {  	_ =	swait.ge [sflag:s18], $0x2000  }
0x92: {  	[sflag:s18] =	ssyncset.done $0x0  }
0x93: {  	[sflag:s18] =	ssyncadd.s32 $0xFFFFE000  }
0x94: {  	[spmem:s2] =	stream.indirect.scatter.add.f32 [tilespmem:s17], [sflag:$0x1], $0x80, s23, s19, $0xb8;
	[tilespmem:$0x16400] =	vst v63  }
0x95: {  	_ =	swait.ge [sflag:s18], $0x2000  }
0x96: {  	[sflag:s18] =	ssyncset.done $0x0  }
0x97: {  	[sflag:s18] =	ssyncadd.s32 $0xFFFFE000  }
0x98: {  	[spmem:s2] =	stream.indirect.scatter.add.f32 [tilespmem:s17], [sflag:$0x1], $0x80, s24, s19, $0xb8;
	[tilespmem:$0x16400] =	vst v63  }
0x99: {  	_ =	swait.ge [sflag:s18], $0x2000  }
0x9a: {  	[sflag:s18] =	ssyncset.done $0x0  }
0x9b: {  	[sflag:s18] =	ssyncadd.s32 $0xFFFFE000  }
0x9c: {  	[spmem:s2] =	stream.indirect.scatter.add.f32 [tilespmem:s17], [sflag:$0x1], $0x80, s25, s19, $0xb8;
	[tilespmem:$0x16400] =	vst v63  }
0x9d: {  	_ =	swait.ge [sflag:s18], $0x2000  }
.Ltmp2:
0x9e: {  	[sflag:s18] =	ssyncset.done $0x0;
	(pc) =	sbr.rel @p0 .LBB2_6-.Ltmp2, $4  }
0x9f: {  	[sflag:s18] =	ssyncadd.s32 $0xFFFFE000  }
0xa0: {  	[spmem:s2] =	stream.indirect.scatter.add.f32 [tilespmem:s17], [sflag:$0x1], $0x80, s26, s19, $0xb8;
	[tilespmem:$0x16400] =	vst v63  }
0xa1: {  	_ =	swait.ge [sflag:s18], $0x2000  }
0xa2: {  	s31 =	smov.u32 s30;
	[sflag:s18] =	ssyncset.done $0x0  }
0xa3: {  	s1 =	sadd.s32 s29, s16;
	[sflag:s18] =	ssyncadd.s32 $0xFFFFE000  }
0xa4: {  	[tilespmem:s3], [sflag:$0x1] =	stream.linear.gather [hbm4b:s1+s3], $0x400, $0x38;
	[tilespmem:$0x16400] =	vst v63  }
0xa5: {  	_ =	swait.ge [sflag:s18], $0x400  }
0xa6: {  	[sflag:s18] =	ssyncset.done $0x0  }
0xa7: {  	[sflag:s18] =	ssyncadd.s32 $0xFFFFFC00  }
0xa8: {  	[spmem:s2] =	stream.indirect.scatter.add.f32 [tilespmem:s17], [sflag:$0x1], $0x80, s3, s19, $0xb8;
	[tilespmem:$0x16400] =	vst v63  }
0xa9: {  	_ =	swait.ge [sflag:s18], $0x2000  }
0xaa: {  	[sflag:s18] =	ssyncset.done $0x0  }
0xab: {  	[sflag:s18] =	ssyncadd.s32 $0xFFFFE000  }
0xac: {  	[spmem:s2] =	stream.indirect.scatter.add.f32 [tilespmem:s17], [sflag:$0x1], $0x80, s20, s19, $0xb8;
	[tilespmem:$0x16400] =	vst v63  }
0xad: {  	_ =	swait.ge [sflag:s18], $0x2000  }
0xae: {  	[sflag:s18] =	ssyncset.done $0x0  }
0xaf: {  	[sflag:s18] =	ssyncadd.s32 $0xFFFFE000  }
0xb0: {  	[spmem:s2] =	stream.indirect.scatter.add.f32 [tilespmem:s17], [sflag:$0x1], $0x80, s21, s19, $0xb8;
	[tilespmem:$0x16400] =	vst v63  }
0xb1: {  	_ =	swait.ge [sflag:s18], $0x2000  }
0xb2: {  	[sflag:s18] =	ssyncset.done $0x0  }
0xb3: {  	[sflag:s18] =	ssyncadd.s32 $0xFFFFE000  }
0xb4: {  	[spmem:s2] =	stream.indirect.scatter.add.f32 [tilespmem:s17], [sflag:$0x1], $0x80, s22, s19, $0xb8;
	[tilespmem:$0x16400] =	vst v63  }
0xb5: {  	_ =	swait.ge [sflag:s18], $0x2000  }
0xb6: {  	[sflag:s18] =	ssyncset.done $0x0  }
0xb7: {  	[sflag:s18] =	ssyncadd.s32 $0xFFFFE000  }
0xb8: {  	[spmem:s2] =	stream.indirect.scatter.add.f32 [tilespmem:s17], [sflag:$0x1], $0x80, s23, s19, $0xb8;
	[tilespmem:$0x16400] =	vst v63  }
0xb9: {  	_ =	swait.ge [sflag:s18], $0x2000  }
0xba: {  	[sflag:s18] =	ssyncset.done $0x0  }
0xbb: {  	[sflag:s18] =	ssyncadd.s32 $0xFFFFE000  }
0xbc: {  	[spmem:s2] =	stream.indirect.scatter.add.f32 [tilespmem:s17], [sflag:$0x1], $0x80, s24, s19, $0xb8;
	[tilespmem:$0x16400] =	vst v63  }
0xbd: {  	_ =	swait.ge [sflag:s18], $0x2000  }
0xbe: {  	[sflag:s18] =	ssyncset.done $0x0  }
0xbf: {  	[sflag:s18] =	ssyncadd.s32 $0xFFFFE000  }
0xc0: {  	[spmem:s2] =	stream.indirect.scatter.add.f32 [tilespmem:s17], [sflag:$0x1], $0x80, s25, s19, $0xb8;
	[tilespmem:$0x16400] =	vst v63  }
0xc1: {  	_ =	swait.ge [sflag:s18], $0x2000  }
0xc2: {  	[sflag:s18] =	ssyncset.done $0x0  }
0xc3: {  	[sflag:s18] =	ssyncadd.s32 $0xFFFFE000  }
0xc4: {  	[spmem:s2] =	stream.indirect.scatter.add.f32 [tilespmem:s17], [sflag:$0x1], $0x80, s26, s19, $0xb8;
	[tilespmem:$0x16400] =	vst v63  }
0xc5: {  	_ =	swait.ge [sflag:s18], $0x2000  }
0xc6: {  	s30 =	sshll.u32 s0, $0x6;
	s28 =	sadd.s32 $0x1, s28;
	[sflag:s18] =	ssyncset.done $0x0  }
0xc7: {  	s31 =	sshrl.u32 s4, $0x3;
	p0 =	sne.s32 s28, s15;
	[sflag:s18] =	ssyncadd.s32 $0xFFFFE000  }
.Ltmp3:
0xc8: {  	s1 =	sor.u32 $0x1C01, s30;
	[bflag:$0x0] =	sbarrier.arrive $0xFFFF;
	(pc) =	sbr.rel @p0 .LBB2_1-.Ltmp3, $4  }
0xc9: {  	[hbm:s14], [sflag:s1] =	dma.local [spmem:s31], $0x2800  }
0xca: {  	_ =	swait.ge [sflag:s18], $0x2800  }
0xcb: {  	[sflag:s18] =	ssyncset.done $0x0  }
0xcc: {  	[sflag:s18] =	ssyncadd.s32 $0xFFFFD800  }
0xcd: {  	_ =	sfence.sel $0x180000  }
0xce: {  	[bflag:$0x0] =	sbarrier.arrive $0xFFFF  }
0xcf: {  	_ =	strace $0x90000047  }
0xd0: {  	[bflag:$0x2] =	sbarrier.arrive $0xFFFF  }
0xd1: {  	p0 =	sne.s32 s0, $0x0;
	s0 =	rddreg [dreg:$0x2]  }
0xd2: {  	s0 =	sadd.s32 @!p0 $0x100000, s0  }
0xd3: {  	[sflag:s0] =	ssyncadd.tile.s32 @!p0 $0x1;
	_ =	shalt  }
.Lfunc_end2:
_tile_overlayer_lowered:
.L_overlay_start_2:
0xd4: {  	(tag) =	ssettag $0x2  }
0xd5: {  	s0 =	rddreg [dreg:$0x0];
	s2 =	stileid.u32  }
0xd6: {  	s1 =	rddreg [dreg:$0x1];
	p0 =	sne.s32 s2, $0x0  }
0xd7: {  	s3 =	rddreg [dreg:$0x2];
	[bflag:$0x3] =	sbarrier.arrive $0xFFFF;
	s2 =	simm.s32 @!p0 $0x1C01  }
0xd8: {  	[timem:s3], [sflag:s2] =	dma.local @!p0 [hbm:s0], s1  }
0xd9: {  	s0 =	simm.s32 @!p0 $0x1  }
0xda: {  	_ =	swait.ge @!p0 [sflag:s0], s1  }
0xdb: {  	s1 =	ssub.s32 @!p0 $0x0, s1;
	[sflag:s0] =	ssyncset.done @!p0 $0x0  }
0xdc: {  	[sflag:s0] =	ssyncadd.s32 @!p0 s1  }
0xdd: {  	[bflag:$0x3] =	sbarrier.arrive $0xFFFF  }
0xde: {  	_ =	shalt  }

</sc_bundles>
